<compile_context>
chip_gen: v7x
topology: tpu7x:2x2x1
jax: 0.10.2.dev20260603
libtpu: 0.0.44.dev20260713+nightly
codegen_flags: <defaults>
</compile_context>

<pallas_src>
import functools

import jax
import jax.numpy as jnp
from jax import lax
from jax.experimental import pallas as pl
from jax.experimental.pallas import tpu as pltpu
from jax.experimental.pallas import tpu_sc as plsc

_N_EDGES = 320000
_N_NODES = 10000
_D = 128
_DP = _D // 2
_NC = 2
_NS = 16
_NW = _NC * _NS
_EW = _N_EDGES // _NW
_C = 80
_NCHUNK = _EW // _C
_G = _C // 16


def _body(x_hbm, src_hbm, dst_hbm, out_hbm,
          idx_u, idx_v, xs, ru0, ru1, rv0, rv1, out_v,
          su0, su1, sv0, sv1):
    cid = lax.axis_index("c")
    sid = lax.axis_index("s")
    wid = sid * _NC + cid

    stripe = _N_NODES // _NS
    cp_u = pltpu.async_copy(src_hbm.at[wid], idx_u, su0)
    cp_v = pltpu.async_copy(dst_hbm.at[wid], idx_v, su1)
    cp_x = pltpu.async_copy(x_hbm.at[pl.ds(sid * stripe, stripe)],
                            xs.at[pl.ds(sid * stripe, stripe)], sv0)
    cp_u.wait()
    cp_v.wait()
    cp_x.wait()
    plsc.subcore_barrier()

    rus = (ru0, ru1)
    rvs = (rv0, rv1)
    sus = (su0, su1)
    svs = (sv0, sv1)

    def fire(c, b):
        pltpu.async_copy(xs.at[idx_u.at[c]], rus[b], sus[b])
        pltpu.async_copy(xs.at[idx_v.at[c]], rvs[b], svs[b])

    def wait(b):
        pltpu.make_async_copy(xs.at[idx_u.at[0]], rus[b], sus[b]).wait()
        pltpu.make_async_copy(xs.at[idx_v.at[0]], rvs[b], svs[b]).wait()

    iota = lax.iota(jnp.int32, 16)

    def comp(c, b):
        rows_u, rows_v = rus[b], rvs[b]
        for g in range(_G):
            rows = g * 16 + iota

            def dstep(t, accs):
                a0, a1, a2, a3 = accs
                cols0 = iota + t * 4
                accs_new = [a0, a1, a2, a3]
                for k in range(4):
                    cols = (cols0 + k) & (_DP - 1)
                    u = plsc.bitcast(plsc.load_gather(rows_u, [rows, cols]),
                                     jnp.bfloat16)
                    v = plsc.bitcast(plsc.load_gather(rows_v, [rows, cols]),
                                     jnp.bfloat16)
                    lo, hi = plsc.unpack(u * v, format=plsc.PackFormat.INTERLEAVED)
                    accs_new[(2 * k) % 4] = accs_new[(2 * k) % 4] + lo
                    accs_new[(2 * k + 1) % 4] = accs_new[(2 * k + 1) % 4] + hi
                return tuple(accs_new)

            z = jnp.zeros((16,), jnp.float32)
            a0, a1, a2, a3 = lax.fori_loop(0, _DP // 4, dstep, (z, z, z, z))
            out_v[pl.ds(c * _C + g * 16, 16)] = (a0 + a1) + (a2 + a3)

    fire(0, 0)

    def loop_body(t, _):
        for b in range(2):
            c = 2 * t + b
            wait(b)
            fire(c + 1, 1 - b)
            comp(c, b)
        return 0

    lax.fori_loop(0, (_NCHUNK - 1) // 2, loop_body, 0)
    wait(0)
    comp(_NCHUNK - 1, 0)

    pltpu.sync_copy(out_v, out_hbm.at[pl.ds(wid * _EW, _EW)])


@functools.partial(jax.jit, static_argnums=())
def kernel(x, edge_index):
    src = edge_index[0].astype(jnp.int32).reshape(_NW, _NCHUNK, _C)
    dst = edge_index[1].astype(jnp.int32).reshape(_NW, _NCHUNK, _C)
    x_packed = jax.lax.bitcast_convert_type(
        x.astype(jnp.bfloat16).reshape(_N_NODES, _DP, 2), jnp.int32)
    mesh = plsc.VectorSubcoreMesh(core_axis_name="c", subcore_axis_name="s")
    call = pl.kernel(
        _body,
        out_type=jax.ShapeDtypeStruct((_N_EDGES,), jnp.float32),
        mesh=mesh,
        scratch_types=[
            pltpu.VMEM((_NCHUNK, _C), jnp.int32),
            pltpu.VMEM((_NCHUNK, _C), jnp.int32),
            pltpu.VMEM_SHARED((_N_NODES, _DP), jnp.int32),
            pltpu.VMEM((_C, _DP), jnp.int32),
            pltpu.VMEM((_C, _DP), jnp.int32),
            pltpu.VMEM((_C, _DP), jnp.int32),
            pltpu.VMEM((_C, _DP), jnp.int32),
            pltpu.VMEM((_EW,), jnp.float32),
            pltpu.SemaphoreType.DMA,
            pltpu.SemaphoreType.DMA,
            pltpu.SemaphoreType.DMA,
            pltpu.SemaphoreType.DMA,
        ],
        compiler_params=pltpu.CompilerParams(
            needs_layout_passes=False, use_tc_tiling_on_sc=False),
    )
    score = call(x_packed, src, dst)
    return score.reshape(_N_EDGES, 1)

# --- scband reference (transcript-rebuilt; emitter-appended) ---
"""Pipeline reference for scband-score-predictor-4733053960246 (READ-ONLY COPY).

The authoritative reference and input builder live on the scoring server;
editing this copy changes nothing except your own understanding.
"""

import jax, jax.numpy as jnp
import numpy as np

N_NODES = 10000
N_EDGES = 320000
D_FEAT = 128


def setup_inputs(seed: int = 0) -> dict:
    key = jax.random.key(seed)
    k1, k2 = jax.random.split(key)
    x = jax.random.normal(k1, (N_NODES, D_FEAT), dtype=jnp.float32)
    edge_index = jax.random.randint(k2, (2, N_EDGES), 0, N_NODES, dtype=jnp.int64)
    return {"x": x, "edge_index": edge_index}


def reference(x, edge_index):
    # DGL u_dot_v('x', 'x', 'score'): for each edge (u, v),
    # score = dot(x[u], x[v]) with trailing singleton dim -> [E, 1]
    src = edge_index[0]
    dst = edge_index[1]
    x_u = jnp.take(x, src, axis=0)
    x_v = jnp.take(x, dst, axis=0)
    score = jnp.sum(x_u * x_v, axis=-1, keepdims=True)
    return score

if __name__ == "__main__":
    import jax
    _d = setup_inputs()
    print(jax.jit(kernel)(*tuple(_d.values())))

</pallas_src>

<mosaic_0001>
#map = affine_map<(d0, d1) -> (0, 0)>
#map1 = affine_map<(d0, d1) -> (0, 0, 0)>
#map2 = affine_map<(d0, d1) -> (0)>
module attributes {stable_mosaic.version = 14 : i64} {
  func.func @_body(%arg0: i32, %arg1: i32, %arg2: memref<10000x64xi32, #tpu.memory_space<hbm>>, %arg3: memref<32x125x80xi32, #tpu.memory_space<hbm>>, %arg4: memref<32x125x80xi32, #tpu.memory_space<hbm>>, %arg5: memref<320000xf32, #tpu.memory_space<hbm>>, %arg6: memref<125x80xi32, #tpu.memory_space<vmem>>, %arg7: memref<125x80xi32, #tpu.memory_space<vmem>>, %arg8: memref<10000x64xi32, #tpu.memory_space<vmem_shared>>, %arg9: memref<80x64xi32, #tpu.memory_space<vmem>>, %arg10: memref<80x64xi32, #tpu.memory_space<vmem>>, %arg11: memref<80x64xi32, #tpu.memory_space<vmem>>, %arg12: memref<80x64xi32, #tpu.memory_space<vmem>>, %arg13: memref<10000xf32, #tpu.memory_space<vmem>>, %arg14: memref<!tpu.dma_semaphore, #tpu.memory_space<semaphore_mem>>, %arg15: memref<!tpu.dma_semaphore, #tpu.memory_space<semaphore_mem>>, %arg16: memref<!tpu.dma_semaphore, #tpu.memory_space<semaphore_mem>>, %arg17: memref<!tpu.dma_semaphore, #tpu.memory_space<semaphore_mem>>) attributes {dimension_semantics = [#tpu.dimension_semantics<core_parallel>, #tpu.dimension_semantics<subcore_parallel>], iteration_bounds = array<i64: 2, 16>, scalar_prefetch = 0 : i64, scratch_operands = 12 : i64, tpu.core_type = #tpu.core_type<sc_vector_subcore>, window_params = [{transform_indices = #map}, {transform_indices = #map1}, {transform_indices = #map1}, {transform_indices = #map2}]} {
    %mul3A = arith.constant 2 : i32
    %mul3A_0 = arith.muli %arg1, %mul3A : i32
    %add3A = arith.addi %mul3A_0, %arg0 : i32
    %dma_start3A = arith.constant 0 : i32
    %dma_start3A_1 = arith.constant 0 : i32
    %dma_start3A_2 = tpu.memref_slice %arg3[%add3A, %dma_start3A, %dma_start3A_1] : memref<32x125x80xi32, #tpu.memory_space<hbm>> -> memref<1x125x80xi32, #tpu.memory_space<hbm>>
    %dma_start3A_3 = tpu.memref_squeeze %dma_start3A_2 : memref<1x125x80xi32, #tpu.memory_space<hbm>> -> memref<125x80xi32, #tpu.memory_space<hbm>>
    %dma_start3A_4 = arith.constant 0 : i32
    %dma_start3A_5 = arith.constant 0 : i32
    %dma_start3A_6 = tpu.memref_slice %arg3[%add3A, %dma_start3A_4, %dma_start3A_5] : memref<32x125x80xi32, #tpu.memory_space<hbm>> -> memref<1x125x80xi32, #tpu.memory_space<hbm>>
    %dma_start3A_7 = tpu.memref_squeeze %dma_start3A_6 : memref<1x125x80xi32, #tpu.memory_space<hbm>> -> memref<125x80xi32, #tpu.memory_space<hbm>>
    tpu.enqueue_dma source(%dma_start3A_7 : memref<125x80xi32, #tpu.memory_space<hbm>>) target(%arg6 : memref<125x80xi32, #tpu.memory_space<vmem>>) target_semaphore(%arg14 : memref<!tpu.dma_semaphore, #tpu.memory_space<semaphore_mem>>)
    %dma_start3A_8 = arith.constant 0 : i32
    %dma_start3A_9 = arith.constant 0 : i32
    %dma_start3A_10 = tpu.memref_slice %arg4[%add3A, %dma_start3A_8, %dma_start3A_9] : memref<32x125x80xi32, #tpu.memory_space<hbm>> -> memref<1x125x80xi32, #tpu.memory_space<hbm>>
    %dma_start3A_11 = tpu.memref_squeeze %dma_start3A_10 : memref<1x125x80xi32, #tpu.memory_space<hbm>> -> memref<125x80xi32, #tpu.memory_space<hbm>>
    %dma_start3A_12 = arith.constant 0 : i32
    %dma_start3A_13 = arith.constant 0 : i32
    %dma_start3A_14 = tpu.memref_slice %arg4[%add3A, %dma_start3A_12, %dma_start3A_13] : memref<32x125x80xi32, #tpu.memory_space<hbm>> -> memref<1x125x80xi32, #tpu.memory_space<hbm>>
    %dma_start3A_15 = tpu.memref_squeeze %dma_start3A_14 : memref<1x125x80xi32, #tpu.memory_space<hbm>> -> memref<125x80xi32, #tpu.memory_space<hbm>>
    tpu.enqueue_dma source(%dma_start3A_15 : memref<125x80xi32, #tpu.memory_space<hbm>>) target(%arg7 : memref<125x80xi32, #tpu.memory_space<vmem>>) target_semaphore(%arg15 : memref<!tpu.dma_semaphore, #tpu.memory_space<semaphore_mem>>)
    %mul3A_16 = arith.constant 625 : i32
    %mul3A_17 = arith.muli %arg1, %mul3A_16 : i32
    %mul3A_18 = arith.constant 625 : i32
    %mul3A_19 = arith.muli %arg1, %mul3A_18 : i32
    %dma_start3A_20 = arith.constant 0 : i32
    %dma_start3A_21 = tpu.memref_slice %arg8[%mul3A_19, %dma_start3A_20] : memref<10000x64xi32, #tpu.memory_space<vmem_shared>> -> memref<625x64xi32, #tpu.memory_space<vmem_shared>>
    %dma_start3A_22 = arith.constant 0 : i32
    %dma_start3A_23 = tpu.memref_slice %arg2[%mul3A_17, %dma_start3A_22] : memref<10000x64xi32, #tpu.memory_space<hbm>> -> memref<625x64xi32, #tpu.memory_space<hbm>>
    tpu.enqueue_dma source(%dma_start3A_23 : memref<625x64xi32, #tpu.memory_space<hbm>>) target(%dma_start3A_21 : memref<625x64xi32, #tpu.memory_space<vmem_shared>>) target_semaphore(%arg16 : memref<!tpu.dma_semaphore, #tpu.memory_space<semaphore_mem>>)
    %dma_wait3A = arith.constant 0 : i32
    %dma_wait3A_24 = arith.constant 0 : i32
    %dma_wait3A_25 = tpu.memref_slice %arg3[%add3A, %dma_wait3A, %dma_wait3A_24] : memref<32x125x80xi32, #tpu.memory_space<hbm>> -> memref<1x125x80xi32, #tpu.memory_space<hbm>>
    %dma_wait3A_26 = tpu.memref_squeeze %dma_wait3A_25 : memref<1x125x80xi32, #tpu.memory_space<hbm>> -> memref<125x80xi32, #tpu.memory_space<hbm>>
    %dma_wait3A_27 = arith.constant 0 : i32
    %dma_wait3A_28 = arith.constant 0 : i32
    %dma_wait3A_29 = tpu.memref_slice %arg3[%add3A, %dma_wait3A_27, %dma_wait3A_28] : memref<32x125x80xi32, #tpu.memory_space<hbm>> -> memref<1x125x80xi32, #tpu.memory_space<hbm>>
    %dma_wait3A_30 = tpu.memref_squeeze %dma_wait3A_29 : memref<1x125x80xi32, #tpu.memory_space<hbm>> -> memref<125x80xi32, #tpu.memory_space<hbm>>
    tpu.wait_dma2 semaphore(%arg14 : memref<!tpu.dma_semaphore, #tpu.memory_space<semaphore_mem>>) src(%dma_wait3A_30 : memref<125x80xi32, #tpu.memory_space<hbm>>) dst(%arg6 : memref<125x80xi32, #tpu.memory_space<vmem>>)
    %dma_wait3A_31 = arith.constant 0 : i32
    %dma_wait3A_32 = arith.constant 0 : i32
    %dma_wait3A_33 = tpu.memref_slice %arg4[%add3A, %dma_wait3A_31, %dma_wait3A_32] : memref<32x125x80xi32, #tpu.memory_space<hbm>> -> memref<1x125x80xi32, #tpu.memory_space<hbm>>
    %dma_wait3A_34 = tpu.memref_squeeze %dma_wait3A_33 : memref<1x125x80xi32, #tpu.memory_space<hbm>> -> memref<125x80xi32, #tpu.memory_space<hbm>>
    %dma_wait3A_35 = arith.constant 0 : i32
    %dma_wait3A_36 = arith.constant 0 : i32
    %dma_wait3A_37 = tpu.memref_slice %arg4[%add3A, %dma_wait3A_35, %dma_wait3A_36] : memref<32x125x80xi32, #tpu.memory_space<hbm>> -> memref<1x125x80xi32, #tpu.memory_space<hbm>>
    %dma_wait3A_38 = tpu.memref_squeeze %dma_wait3A_37 : memref<1x125x80xi32, #tpu.memory_space<hbm>> -> memref<125x80xi32, #tpu.memory_space<hbm>>
    tpu.wait_dma2 semaphore(%arg15 : memref<!tpu.dma_semaphore, #tpu.memory_space<semaphore_mem>>) src(%dma_wait3A_38 : memref<125x80xi32, #tpu.memory_space<hbm>>) dst(%arg7 : memref<125x80xi32, #tpu.memory_space<vmem>>)
    %dma_wait3A_39 = arith.constant 0 : i32
    %dma_wait3A_40 = tpu.memref_slice %arg8[%mul3A_19, %dma_wait3A_39] : memref<10000x64xi32, #tpu.memory_space<vmem_shared>> -> memref<625x64xi32, #tpu.memory_space<vmem_shared>>
    %dma_wait3A_41 = arith.constant 0 : i32
    %dma_wait3A_42 = tpu.memref_slice %arg2[%mul3A_17, %dma_wait3A_41] : memref<10000x64xi32, #tpu.memory_space<hbm>> -> memref<625x64xi32, #tpu.memory_space<hbm>>
    tpu.wait_dma2 semaphore(%arg16 : memref<!tpu.dma_semaphore, #tpu.memory_space<semaphore_mem>>) src(%dma_wait3A_42 : memref<625x64xi32, #tpu.memory_space<hbm>>) dst(%dma_wait3A_40 : memref<625x64xi32, #tpu.memory_space<vmem_shared>>)
    %barrier3A = arith.constant 0 : index
    tpu.barrier barrier_id(%barrier3A)
    %iota3A = tpu.iota {dimensions = array<i32: 0>} : vector<16xi32>
    %dma_start3A_43 = arith.constant 0 : i32
    %dma_start3A_44 = arith.constant 0 : i32
    %dma_start3A_45 = tpu.memref_slice %arg6[%dma_start3A_43, %dma_start3A_44] : memref<125x80xi32, #tpu.memory_space<vmem>> -> memref<1x80xi32, #tpu.memory_space<vmem>>
    %dma_start3A_46 = tpu.memref_squeeze %dma_start3A_45 : memref<1x80xi32, #tpu.memory_space<vmem>> -> memref<80xi32, #tpu.memory_space<vmem>>
    %dma_start3A_47 = arith.constant 0 : i32
    %dma_start3A_48 = arith.constant 0 : i32
    %dma_start3A_49 = tpu.memref_slice %arg8[%dma_start3A_47, %dma_start3A_48] : memref<10000x64xi32, #tpu.memory_space<vmem_shared>> -> memref<10000x64xi32, #tpu.memory_space<vmem_shared>>
    tpu.enqueue_indirect_dma source(%dma_start3A_49 : memref<10000x64xi32, #tpu.memory_space<vmem_shared>>) target(%arg9 : memref<80x64xi32, #tpu.memory_space<vmem>>) offsets(%dma_start3A_46 : memref<80xi32, #tpu.memory_space<vmem>>) semaphore(%arg14 : memref<!tpu.dma_semaphore, #tpu.memory_space<semaphore_mem>>)
    %dma_start3A_50 = arith.constant 0 : i32
    %dma_start3A_51 = arith.constant 0 : i32
    %dma_start3A_52 = tpu.memref_slice %arg7[%dma_start3A_50, %dma_start3A_51] : memref<125x80xi32, #tpu.memory_space<vmem>> -> memref<1x80xi32, #tpu.memory_space<vmem>>
    %dma_start3A_53 = tpu.memref_squeeze %dma_start3A_52 : memref<1x80xi32, #tpu.memory_space<vmem>> -> memref<80xi32, #tpu.memory_space<vmem>>
    %dma_start3A_54 = arith.constant 0 : i32
    %dma_start3A_55 = arith.constant 0 : i32
    %dma_start3A_56 = tpu.memref_slice %arg8[%dma_start3A_54, %dma_start3A_55] : memref<10000x64xi32, #tpu.memory_space<vmem_shared>> -> memref<10000x64xi32, #tpu.memory_space<vmem_shared>>
    tpu.enqueue_indirect_dma source(%dma_start3A_56 : memref<10000x64xi32, #tpu.memory_space<vmem_shared>>) target(%arg11 : memref<80x64xi32, #tpu.memory_space<vmem>>) offsets(%dma_start3A_53 : memref<80xi32, #tpu.memory_space<vmem>>) semaphore(%arg16 : memref<!tpu.dma_semaphore, #tpu.memory_space<semaphore_mem>>)
    %scan3A = arith.constant 0 : i32
    %scan3A_57 = arith.constant 0 : i32
    %scan3A_58 = arith.constant 62 : i32
    %scan3A_59 = arith.addi %scan3A_57, %scan3A_58 : i32
    %scan3A_60 = arith.constant 1 : i32
    %scan3A_61 = scf.for %scan3A_157 = %scan3A_57 to %scan3A_59 step %scan3A_60 iter_args(%scan3A_158 = %scan3A) -> (i32)  : i32 {
      %mul3A_159 = arith.constant 2 : i32
      %mul3A_160 = arith.muli %mul3A_159, %scan3A_157 : i32
      %add3A_161 = arith.constant 0 : i32
      %add3A_162 = arith.addi %mul3A_160, %add3A_161 : i32
      %dma_wait3A_163 = arith.constant 0 : i32
      %dma_wait3A_164 = arith.constant 0 : i32
      %dma_wait3A_165 = tpu.memref_slice %arg6[%dma_wait3A_163, %dma_wait3A_164] : memref<125x80xi32, #tpu.memory_space<vmem>> -> memref<1x80xi32, #tpu.memory_space<vmem>>
      %dma_wait3A_166 = tpu.memref_squeeze %dma_wait3A_165 : memref<1x80xi32, #tpu.memory_space<vmem>> -> memref<80xi32, #tpu.memory_space<vmem>>
      %dma_wait3A_167 = arith.constant 0 : i32
      %dma_wait3A_168 = arith.constant 0 : i32
      %dma_wait3A_169 = tpu.memref_slice %arg8[%dma_wait3A_167, %dma_wait3A_168] : memref<10000x64xi32, #tpu.memory_space<vmem_shared>> -> memref<10000x64xi32, #tpu.memory_space<vmem_shared>>
      tpu.wait_indirect_dma semaphore(%arg14 : memref<!tpu.dma_semaphore, #tpu.memory_space<semaphore_mem>>) src(%dma_wait3A_169 : memref<10000x64xi32, #tpu.memory_space<vmem_shared>>) dst(%arg9 : memref<80x64xi32, #tpu.memory_space<vmem>>)
      %dma_wait3A_170 = arith.constant 0 : i32
      %dma_wait3A_171 = arith.constant 0 : i32
      %dma_wait3A_172 = tpu.memref_slice %arg7[%dma_wait3A_170, %dma_wait3A_171] : memref<125x80xi32, #tpu.memory_space<vmem>> -> memref<1x80xi32, #tpu.memory_space<vmem>>
      %dma_wait3A_173 = tpu.memref_squeeze %dma_wait3A_172 : memref<1x80xi32, #tpu.memory_space<vmem>> -> memref<80xi32, #tpu.memory_space<vmem>>
      %dma_wait3A_174 = arith.constant 0 : i32
      %dma_wait3A_175 = arith.constant 0 : i32
      %dma_wait3A_176 = tpu.memref_slice %arg8[%dma_wait3A_174, %dma_wait3A_175] : memref<10000x64xi32, #tpu.memory_space<vmem_shared>> -> memref<10000x64xi32, #tpu.memory_space<vmem_shared>>
      tpu.wait_indirect_dma semaphore(%arg16 : memref<!tpu.dma_semaphore, #tpu.memory_space<semaphore_mem>>) src(%dma_wait3A_176 : memref<10000x64xi32, #tpu.memory_space<vmem_shared>>) dst(%arg11 : memref<80x64xi32, #tpu.memory_space<vmem>>)
      %add3A_177 = arith.constant 1 : i32
      %add3A_178 = arith.addi %add3A_162, %add3A_177 : i32
      %dma_start3A_179 = arith.constant 0 : i32
      %dma_start3A_180 = tpu.memref_slice %arg6[%add3A_178, %dma_start3A_179] : memref<125x80xi32, #tpu.memory_space<vmem>> -> memref<1x80xi32, #tpu.memory_space<vmem>>
      %dma_start3A_181 = tpu.memref_squeeze %dma_start3A_180 : memref<1x80xi32, #tpu.memory_space<vmem>> -> memref<80xi32, #tpu.memory_space<vmem>>
      %dma_start3A_182 = arith.constant 0 : i32
      %dma_start3A_183 = arith.constant 0 : i32
      %dma_start3A_184 = tpu.memref_slice %arg8[%dma_start3A_182, %dma_start3A_183] : memref<10000x64xi32, #tpu.memory_space<vmem_shared>> -> memref<10000x64xi32, #tpu.memory_space<vmem_shared>>
      tpu.enqueue_indirect_dma source(%dma_start3A_184 : memref<10000x64xi32, #tpu.memory_space<vmem_shared>>) target(%arg10 : memref<80x64xi32, #tpu.memory_space<vmem>>) offsets(%dma_start3A_181 : memref<80xi32, #tpu.memory_space<vmem>>) semaphore(%arg15 : memref<!tpu.dma_semaphore, #tpu.memory_space<semaphore_mem>>)
      %dma_start3A_185 = arith.constant 0 : i32
      %dma_start3A_186 = tpu.memref_slice %arg7[%add3A_178, %dma_start3A_185] : memref<125x80xi32, #tpu.memory_space<vmem>> -> memref<1x80xi32, #tpu.memory_space<vmem>>
      %dma_start3A_187 = tpu.memref_squeeze %dma_start3A_186 : memref<1x80xi32, #tpu.memory_space<vmem>> -> memref<80xi32, #tpu.memory_space<vmem>>
      %dma_start3A_188 = arith.constant 0 : i32
      %dma_start3A_189 = arith.constant 0 : i32
      %dma_start3A_190 = tpu.memref_slice %arg8[%dma_start3A_188, %dma_start3A_189] : memref<10000x64xi32, #tpu.memory_space<vmem_shared>> -> memref<10000x64xi32, #tpu.memory_space<vmem_shared>>
      tpu.enqueue_indirect_dma source(%dma_start3A_190 : memref<10000x64xi32, #tpu.memory_space<vmem_shared>>) target(%arg12 : memref<80x64xi32, #tpu.memory_space<vmem>>) offsets(%dma_start3A_187 : memref<80xi32, #tpu.memory_space<vmem>>) semaphore(%arg17 : memref<!tpu.dma_semaphore, #tpu.memory_space<semaphore_mem>>)
      %add3A_191 = arith.constant 0 : i32
      %add3A_192 = vector.broadcast %add3A_191 : i32 to vector<16xi32>
      %add3A_193 = arith.addi %add3A_192, %iota3A : vector<16xi32>
      %broadcast_in_dim3A_194 = arith.constant 0.000000e+00 : f32
      %broadcast_in_dim3A_195 = vector.broadcast %broadcast_in_dim3A_194 : f32 to vector<16xf32>
      %scan3A_196 = arith.constant 0 : i32
      %scan3A_197 = arith.constant 16 : i32
      %scan3A_198 = arith.addi %scan3A_196, %scan3A_197 : i32
      %scan3A_199 = arith.constant 1 : i32
      %scan3A_200:4 = scf.for %scan3A_424 = %scan3A_196 to %scan3A_198 step %scan3A_199 iter_args(%scan3A_425 = %broadcast_in_dim3A_195, %scan3A_426 = %broadcast_in_dim3A_195, %scan3A_427 = %broadcast_in_dim3A_195, %scan3A_428 = %broadcast_in_dim3A_195) -> (vector<16xf32>, vector<16xf32>, vector<16xf32>, vector<16xf32>)  : i32 {
        %mul3A_429 = arith.constant 4 : i32
        %mul3A_430 = arith.muli %scan3A_424, %mul3A_429 : i32
        %add3A_431 = vector.broadcast %mul3A_430 : i32 to vector<16xi32>
        %add3A_432 = arith.addi %iota3A, %add3A_431 : vector<16xi32>
        %add3A_433 = arith.constant 0 : i32
        %add3A_434 = vector.broadcast %add3A_433 : i32 to vector<16xi32>
        %add3A_435 = arith.addi %add3A_432, %add3A_434 : vector<16xi32>
        %and3A = arith.constant 63 : i32
        %and3A_436 = vector.broadcast %and3A : i32 to vector<16xi32>
        %and3A_437 = arith.andi %add3A_435, %and3A_436 : vector<16xi32>
        %gather3A = tpu.vector_load_idx %arg9[%add3A_193, %and3A_437] : memref<80x64xi32, #tpu.memory_space<vmem>>[vector<16xi32>, vector<16xi32>], vector<16xi32>,
        %bitcast3A = vector.bitcast %gather3A : vector<16xi32> to vector<32xbf16>
        %gather3A_438 = tpu.vector_load_idx %arg11[%add3A_193, %and3A_437] : memref<80x64xi32, #tpu.memory_space<vmem>>[vector<16xi32>, vector<16xi32>], vector<16xi32>,
        %bitcast3A_439 = vector.bitcast %gather3A_438 : vector<16xi32> to vector<32xbf16>
        %mul3A_440 = arith.mulf %bitcast3A, %bitcast3A_439 : vector<32xbf16>
        %unpack3A = tpu.unpack_subelements %mul3A_440, 0 {pack_format = #tpu.pack_format<interleaved>} : vector<32xbf16> -> vector<16xf32>
        %unpack3A_441 = tpu.unpack_subelements %mul3A_440, 1 {pack_format = #tpu.pack_format<interleaved>} : vector<32xbf16> -> vector<16xf32>
        %add3A_442 = arith.addf %scan3A_425, %unpack3A : vector<16xf32>
        %add3A_443 = arith.addf %scan3A_426, %unpack3A_441 : vector<16xf32>
        %add3A_444 = arith.constant 1 : i32
        %add3A_445 = vector.broadcast %add3A_444 : i32 to vector<16xi32>
        %add3A_446 = arith.addi %add3A_432, %add3A_445 : vector<16xi32>
        %and3A_447 = arith.constant 63 : i32
        %and3A_448 = vector.broadcast %and3A_447 : i32 to vector<16xi32>
        %and3A_449 = arith.andi %add3A_446, %and3A_448 : vector<16xi32>
        %gather3A_450 = tpu.vector_load_idx %arg9[%add3A_193, %and3A_449] : memref<80x64xi32, #tpu.memory_space<vmem>>[vector<16xi32>, vector<16xi32>], vector<16xi32>,
        %bitcast3A_451 = vector.bitcast %gather3A_450 : vector<16xi32> to vector<32xbf16>
        %gather3A_452 = tpu.vector_load_idx %arg11[%add3A_193, %and3A_449] : memref<80x64xi32, #tpu.memory_space<vmem>>[vector<16xi32>, vector<16xi32>], vector<16xi32>,
        %bitcast3A_453 = vector.bitcast %gather3A_452 : vector<16xi32> to vector<32xbf16>
        %mul3A_454 = arith.mulf %bitcast3A_451, %bitcast3A_453 : vector<32xbf16>
        %unpack3A_455 = tpu.unpack_subelements %mul3A_454, 0 {pack_format = #tpu.pack_format<interleaved>} : vector<32xbf16> -> vector<16xf32>
        %unpack3A_456 = tpu.unpack_subelements %mul3A_454, 1 {pack_format = #tpu.pack_format<interleaved>} : vector<32xbf16> -> vector<16xf32>
        %add3A_457 = arith.addf %scan3A_427, %unpack3A_455 : vector<16xf32>
        %add3A_458 = arith.addf %scan3A_428, %unpack3A_456 : vector<16xf32>
        %add3A_459 = arith.constant 2 : i32
        %add3A_460 = vector.broadcast %add3A_459 : i32 to vector<16xi32>
        %add3A_461 = arith.addi %add3A_432, %add3A_460 : vector<16xi32>
        %and3A_462 = arith.constant 63 : i32
        %and3A_463 = vector.broadcast %and3A_462 : i32 to vector<16xi32>
        %and3A_464 = arith.andi %add3A_461, %and3A_463 : vector<16xi32>
        %gather3A_465 = tpu.vector_load_idx %arg9[%add3A_193, %and3A_464] : memref<80x64xi32, #tpu.memory_space<vmem>>[vector<16xi32>, vector<16xi32>], vector<16xi32>,
        %bitcast3A_466 = vector.bitcast %gather3A_465 : vector<16xi32> to vector<32xbf16>
        %gather3A_467 = tpu.vector_load_idx %arg11[%add3A_193, %and3A_464] : memref<80x64xi32, #tpu.memory_space<vmem>>[vector<16xi32>, vector<16xi32>], vector<16xi32>,
        %bitcast3A_468 = vector.bitcast %gather3A_467 : vector<16xi32> to vector<32xbf16>
        %mul3A_469 = arith.mulf %bitcast3A_466, %bitcast3A_468 : vector<32xbf16>
        %unpack3A_470 = tpu.unpack_subelements %mul3A_469, 0 {pack_format = #tpu.pack_format<interleaved>} : vector<32xbf16> -> vector<16xf32>
        %unpack3A_471 = tpu.unpack_subelements %mul3A_469, 1 {pack_format = #tpu.pack_format<interleaved>} : vector<32xbf16> -> vector<16xf32>
        %add3A_472 = arith.addf %add3A_442, %unpack3A_470 : vector<16xf32>
        %add3A_473 = arith.addf %add3A_443, %unpack3A_471 : vector<16xf32>
        %add3A_474 = arith.constant 3 : i32
        %add3A_475 = vector.broadcast %add3A_474 : i32 to vector<16xi32>
        %add3A_476 = arith.addi %add3A_432, %add3A_475 : vector<16xi32>
        %and3A_477 = arith.constant 63 : i32
        %and3A_478 = vector.broadcast %and3A_477 : i32 to vector<16xi32>
        %and3A_479 = arith.andi %add3A_476, %and3A_478 : vector<16xi32>
        %gather3A_480 = tpu.vector_load_idx %arg9[%add3A_193, %and3A_479] : memref<80x64xi32, #tpu.memory_space<vmem>>[vector<16xi32>, vector<16xi32>], vector<16xi32>,
        %bitcast3A_481 = vector.bitcast %gather3A_480 : vector<16xi32> to vector<32xbf16>
        %gather3A_482 = tpu.vector_load_idx %arg11[%add3A_193, %and3A_479] : memref<80x64xi32, #tpu.memory_space<vmem>>[vector<16xi32>, vector<16xi32>], vector<16xi32>,
        %bitcast3A_483 = vector.bitcast %gather3A_482 : vector<16xi32> to vector<32xbf16>
        %mul3A_484 = arith.mulf %bitcast3A_481, %bitcast3A_483 : vector<32xbf16>
        %unpack3A_485 = tpu.unpack_subelements %mul3A_484, 0 {pack_format = #tpu.pack_format<interleaved>} : vector<32xbf16> -> vector<16xf32>
        %unpack3A_486 = tpu.unpack_subelements %mul3A_484, 1 {pack_format = #tpu.pack_format<interleaved>} : vector<32xbf16> -> vector<16xf32>
        %add3A_487 = arith.addf %add3A_457, %unpack3A_485 : vector<16xf32>
        %add3A_488 = arith.addf %add3A_458, %unpack3A_486 : vector<16xf32>
        scf.yield %add3A_472, %add3A_473, %add3A_487, %add3A_488 : vector<16xf32>, vector<16xf32>, vector<16xf32>, vector<16xf32>
      }
      %scan3A_201 = arith.constant 16 : i32
      %add3A_202 = arith.addf %scan3A_200#0, %scan3A_200#1 : vector<16xf32>
      %add3A_203 = arith.addf %scan3A_200#2, %scan3A_200#3 : vector<16xf32>
      %add3A_204 = arith.addf %add3A_202, %add3A_203 : vector<16xf32>
      %mul3A_205 = arith.constant 80 : i32
      %mul3A_206 = arith.muli %add3A_162, %mul3A_205 : i32
      %add3A_207 = arith.constant 0 : i32
      %add3A_208 = arith.addi %mul3A_206, %add3A_207 : i32
      %swap3A_209 = arith.index_cast %add3A_208 : i32 to index
      %swap3A_210 = tpu.vector_load %arg13[%swap3A_209] {strides = array<i32>} : memref<10000xf32, #tpu.memory_space<vmem>>, vector<16xf32>,
      tpu.vector_store %arg13[%swap3A_209], %add3A_204 {strides = array<i32>} : memref<10000xf32, #tpu.memory_space<vmem>>, vector<16xf32>,
      %add3A_211 = arith.constant 16 : i32
      %add3A_212 = vector.broadcast %add3A_211 : i32 to vector<16xi32>
      %add3A_213 = arith.addi %add3A_212, %iota3A : vector<16xi32>
      %broadcast_in_dim3A_214 = arith.constant 0.000000e+00 : f32
      %broadcast_in_dim3A_215 = vector.broadcast %broadcast_in_dim3A_214 : f32 to vector<16xf32>
      %scan3A_216 = arith.constant 0 : i32
      %scan3A_217 = arith.constant 16 : i32
      %scan3A_218 = arith.addi %scan3A_216, %scan3A_217 : i32
      %scan3A_219 = arith.constant 1 : i32
      %scan3A_220:4 = scf.for %scan3A_424 = %scan3A_216 to %scan3A_218 step %scan3A_219 iter_args(%scan3A_425 = %broadcast_in_dim3A_215, %scan3A_426 = %broadcast_in_dim3A_215, %scan3A_427 = %broadcast_in_dim3A_215, %scan3A_428 = %broadcast_in_dim3A_215) -> (vector<16xf32>, vector<16xf32>, vector<16xf32>, vector<16xf32>)  : i32 {
        %mul3A_429 = arith.constant 4 : i32
        %mul3A_430 = arith.muli %scan3A_424, %mul3A_429 : i32
        %add3A_431 = vector.broadcast %mul3A_430 : i32 to vector<16xi32>
        %add3A_432 = arith.addi %iota3A, %add3A_431 : vector<16xi32>
        %add3A_433 = arith.constant 0 : i32
        %add3A_434 = vector.broadcast %add3A_433 : i32 to vector<16xi32>
        %add3A_435 = arith.addi %add3A_432, %add3A_434 : vector<16xi32>
        %and3A = arith.constant 63 : i32
        %and3A_436 = vector.broadcast %and3A : i32 to vector<16xi32>
        %and3A_437 = arith.andi %add3A_435, %and3A_436 : vector<16xi32>
        %gather3A = tpu.vector_load_idx %arg9[%add3A_213, %and3A_437] : memref<80x64xi32, #tpu.memory_space<vmem>>[vector<16xi32>, vector<16xi32>], vector<16xi32>,
        %bitcast3A = vector.bitcast %gather3A : vector<16xi32> to vector<32xbf16>
        %gather3A_438 = tpu.vector_load_idx %arg11[%add3A_213, %and3A_437] : memref<80x64xi32, #tpu.memory_space<vmem>>[vector<16xi32>, vector<16xi32>], vector<16xi32>,
        %bitcast3A_439 = vector.bitcast %gather3A_438 : vector<16xi32> to vector<32xbf16>
        %mul3A_440 = arith.mulf %bitcast3A, %bitcast3A_439 : vector<32xbf16>
        %unpack3A = tpu.unpack_subelements %mul3A_440, 0 {pack_format = #tpu.pack_format<interleaved>} : vector<32xbf16> -> vector<16xf32>
        %unpack3A_441 = tpu.unpack_subelements %mul3A_440, 1 {pack_format = #tpu.pack_format<interleaved>} : vector<32xbf16> -> vector<16xf32>
        %add3A_442 = arith.addf %scan3A_425, %unpack3A : vector<16xf32>
        %add3A_443 = arith.addf %scan3A_426, %unpack3A_441 : vector<16xf32>
        %add3A_444 = arith.constant 1 : i32
        %add3A_445 = vector.broadcast %add3A_444 : i32 to vector<16xi32>
        %add3A_446 = arith.addi %add3A_432, %add3A_445 : vector<16xi32>
        %and3A_447 = arith.constant 63 : i32
        %and3A_448 = vector.broadcast %and3A_447 : i32 to vector<16xi32>
        %and3A_449 = arith.andi %add3A_446, %and3A_448 : vector<16xi32>
        %gather3A_450 = tpu.vector_load_idx %arg9[%add3A_213, %and3A_449] : memref<80x64xi32, #tpu.memory_space<vmem>>[vector<16xi32>, vector<16xi32>], vector<16xi32>,
        %bitcast3A_451 = vector.bitcast %gather3A_450 : vector<16xi32> to vector<32xbf16>
        %gather3A_452 = tpu.vector_load_idx %arg11[%add3A_213, %and3A_449] : memref<80x64xi32, #tpu.memory_space<vmem>>[vector<16xi32>, vector<16xi32>], vector<16xi32>,
        %bitcast3A_453 = vector.bitcast %gather3A_452 : vector<16xi32> to vector<32xbf16>
        %mul3A_454 = arith.mulf %bitcast3A_451, %bitcast3A_453 : vector<32xbf16>
        %unpack3A_455 = tpu.unpack_subelements %mul3A_454, 0 {pack_format = #tpu.pack_format<interleaved>} : vector<32xbf16> -> vector<16xf32>
        %unpack3A_456 = tpu.unpack_subelements %mul3A_454, 1 {pack_format = #tpu.pack_format<interleaved>} : vector<32xbf16> -> vector<16xf32>
        %add3A_457 = arith.addf %scan3A_427, %unpack3A_455 : vector<16xf32>
        %add3A_458 = arith.addf %scan3A_428, %unpack3A_456 : vector<16xf32>
        %add3A_459 = arith.constant 2 : i32
        %add3A_460 = vector.broadcast %add3A_459 : i32 to vector<16xi32>
        %add3A_461 = arith.addi %add3A_432, %add3A_460 : vector<16xi32>
        %and3A_462 = arith.constant 63 : i32
        %and3A_463 = vector.broadcast %and3A_462 : i32 to vector<16xi32>
        %and3A_464 = arith.andi %add3A_461, %and3A_463 : vector<16xi32>
        %gather3A_465 = tpu.vector_load_idx %arg9[%add3A_213, %and3A_464] : memref<80x64xi32, #tpu.memory_space<vmem>>[vector<16xi32>, vector<16xi32>], vector<16xi32>,
        %bitcast3A_466 = vector.bitcast %gather3A_465 : vector<16xi32> to vector<32xbf16>
        %gather3A_467 = tpu.vector_load_idx %arg11[%add3A_213, %and3A_464] : memref<80x64xi32, #tpu.memory_space<vmem>>[vector<16xi32>, vector<16xi32>], vector<16xi32>,
        %bitcast3A_468 = vector.bitcast %gather3A_467 : vector<16xi32> to vector<32xbf16>
        %mul3A_469 = arith.mulf %bitcast3A_466, %bitcast3A_468 : vector<32xbf16>
        %unpack3A_470 = tpu.unpack_subelements %mul3A_469, 0 {pack_format = #tpu.pack_format<interleaved>} : vector<32xbf16> -> vector<16xf32>
        %unpack3A_471 = tpu.unpack_subelements %mul3A_469, 1 {pack_format = #tpu.pack_format<interleaved>} : vector<32xbf16> -> vector<16xf32>
        %add3A_472 = arith.addf %add3A_442, %unpack3A_470 : vector<16xf32>
        %add3A_473 = arith.addf %add3A_443, %unpack3A_471 : vector<16xf32>
        %add3A_474 = arith.constant 3 : i32
        %add3A_475 = vector.broadcast %add3A_474 : i32 to vector<16xi32>
        %add3A_476 = arith.addi %add3A_432, %add3A_475 : vector<16xi32>
        %and3A_477 = arith.constant 63 : i32
        %and3A_478 = vector.broadcast %and3A_477 : i32 to vector<16xi32>
        %and3A_479 = arith.andi %add3A_476, %and3A_478 : vector<16xi32>
        %gather3A_480 = tpu.vector_load_idx %arg9[%add3A_213, %and3A_479] : memref<80x64xi32, #tpu.memory_space<vmem>>[vector<16xi32>, vector<16xi32>], vector<16xi32>,
        %bitcast3A_481 = vector.bitcast %gather3A_480 : vector<16xi32> to vector<32xbf16>
        %gather3A_482 = tpu.vector_load_idx %arg11[%add3A_213, %and3A_479] : memref<80x64xi32, #tpu.memory_space<vmem>>[vector<16xi32>, vector<16xi32>], vector<16xi32>,
        %bitcast3A_483 = vector.bitcast %gather3A_482 : vector<16xi32> to vector<32xbf16>
        %mul3A_484 = arith.mulf %bitcast3A_481, %bitcast3A_483 : vector<32xbf16>
        %unpack3A_485 = tpu.unpack_subelements %mul3A_484, 0 {pack_format = #tpu.pack_format<interleaved>} : vector<32xbf16> -> vector<16xf32>
        %unpack3A_486 = tpu.unpack_subelements %mul3A_484, 1 {pack_format = #tpu.pack_format<interleaved>} : vector<32xbf16> -> vector<16xf32>
        %add3A_487 = arith.addf %add3A_457, %unpack3A_485 : vector<16xf32>
        %add3A_488 = arith.addf %add3A_458, %unpack3A_486 : vector<16xf32>
        scf.yield %add3A_472, %add3A_473, %add3A_487, %add3A_488 : vector<16xf32>, vector<16xf32>, vector<16xf32>, vector<16xf32>
      }
      %scan3A_221 = arith.constant 16 : i32
      %add3A_222 = arith.addf %scan3A_220#0, %scan3A_220#1 : vector<16xf32>
      %add3A_223 = arith.addf %scan3A_220#2, %scan3A_220#3 : vector<16xf32>
      %add3A_224 = arith.addf %add3A_222, %add3A_223 : vector<16xf32>
      %mul3A_225 = arith.constant 80 : i32
      %mul3A_226 = arith.muli %add3A_162, %mul3A_225 : i32
      %add3A_227 = arith.constant 16 : i32
      %add3A_228 = arith.addi %mul3A_226, %add3A_227 : i32
      %swap3A_229 = arith.index_cast %add3A_228 : i32 to index
      %swap3A_230 = tpu.vector_load %arg13[%swap3A_229] {strides = array<i32>} : memref<10000xf32, #tpu.memory_space<vmem>>, vector<16xf32>,
      tpu.vector_store %arg13[%swap3A_229], %add3A_224 {strides = array<i32>} : memref<10000xf32, #tpu.memory_space<vmem>>, vector<16xf32>,
      %add3A_231 = arith.constant 32 : i32
      %add3A_232 = vector.broadcast %add3A_231 : i32 to vector<16xi32>
      %add3A_233 = arith.addi %add3A_232, %iota3A : vector<16xi32>
      %broadcast_in_dim3A_234 = arith.constant 0.000000e+00 : f32
      %broadcast_in_dim3A_235 = vector.broadcast %broadcast_in_dim3A_234 : f32 to vector<16xf32>
      %scan3A_236 = arith.constant 0 : i32
      %scan3A_237 = arith.constant 16 : i32
      %scan3A_238 = arith.addi %scan3A_236, %scan3A_237 : i32
      %scan3A_239 = arith.constant 1 : i32
      %scan3A_240:4 = scf.for %scan3A_424 = %scan3A_236 to %scan3A_238 step %scan3A_239 iter_args(%scan3A_425 = %broadcast_in_dim3A_235, %scan3A_426 = %broadcast_in_dim3A_235, %scan3A_427 = %broadcast_in_dim3A_235, %scan3A_428 = %broadcast_in_dim3A_235) -> (vector<16xf32>, vector<16xf32>, vector<16xf32>, vector<16xf32>)  : i32 {
        %mul3A_429 = arith.constant 4 : i32
        %mul3A_430 = arith.muli %scan3A_424, %mul3A_429 : i32
        %add3A_431 = vector.broadcast %mul3A_430 : i32 to vector<16xi32>
        %add3A_432 = arith.addi %iota3A, %add3A_431 : vector<16xi32>
        %add3A_433 = arith.constant 0 : i32
        %add3A_434 = vector.broadcast %add3A_433 : i32 to vector<16xi32>
        %add3A_435 = arith.addi %add3A_432, %add3A_434 : vector<16xi32>
        %and3A = arith.constant 63 : i32
        %and3A_436 = vector.broadcast %and3A : i32 to vector<16xi32>
        %and3A_437 = arith.andi %add3A_435, %and3A_436 : vector<16xi32>
        %gather3A = tpu.vector_load_idx %arg9[%add3A_233, %and3A_437] : memref<80x64xi32, #tpu.memory_space<vmem>>[vector<16xi32>, vector<16xi32>], vector<16xi32>,
        %bitcast3A = vector.bitcast %gather3A : vector<16xi32> to vector<32xbf16>
        %gather3A_438 = tpu.vector_load_idx %arg11[%add3A_233, %and3A_437] : memref<80x64xi32, #tpu.memory_space<vmem>>[vector<16xi32>, vector<16xi32>], vector<16xi32>,
        %bitcast3A_439 = vector.bitcast %gather3A_438 : vector<16xi32> to vector<32xbf16>
        %mul3A_440 = arith.mulf %bitcast3A, %bitcast3A_439 : vector<32xbf16>
        %unpack3A = tpu.unpack_subelements %mul3A_440, 0 {pack_format = #tpu.pack_format<interleaved>} : vector<32xbf16> -> vector<16xf32>
        %unpack3A_441 = tpu.unpack_subelements %mul3A_440, 1 {pack_format = #tpu.pack_format<interleaved>} : vector<32xbf16> -> vector<16xf32>
        %add3A_442 = arith.addf %scan3A_425, %unpack3A : vector<16xf32>
        %add3A_443 = arith.addf %scan3A_426, %unpack3A_441 : vector<16xf32>
        %add3A_444 = arith.constant 1 : i32
        %add3A_445 = vector.broadcast %add3A_444 : i32 to vector<16xi32>
        %add3A_446 = arith.addi %add3A_432, %add3A_445 : vector<16xi32>
        %and3A_447 = arith.constant 63 : i32
        %and3A_448 = vector.broadcast %and3A_447 : i32 to vector<16xi32>
        %and3A_449 = arith.andi %add3A_446, %and3A_448 : vector<16xi32>
        %gather3A_450 = tpu.vector_load_idx %arg9[%add3A_233, %and3A_449] : memref<80x64xi32, #tpu.memory_space<vmem>>[vector<16xi32>, vector<16xi32>], vector<16xi32>,
        %bitcast3A_451 = vector.bitcast %gather3A_450 : vector<16xi32> to vector<32xbf16>
        %gather3A_452 = tpu.vector_load_idx %arg11[%add3A_233, %and3A_449] : memref<80x64xi32, #tpu.memory_space<vmem>>[vector<16xi32>, vector<16xi32>], vector<16xi32>,
        %bitcast3A_453 = vector.bitcast %gather3A_452 : vector<16xi32> to vector<32xbf16>
        %mul3A_454 = arith.mulf %bitcast3A_451, %bitcast3A_453 : vector<32xbf16>
        %unpack3A_455 = tpu.unpack_subelements %mul3A_454, 0 {pack_format = #tpu.pack_format<interleaved>} : vector<32xbf16> -> vector<16xf32>
        %unpack3A_456 = tpu.unpack_subelements %mul3A_454, 1 {pack_format = #tpu.pack_format<interleaved>} : vector<32xbf16> -> vector<16xf32>
        %add3A_457 = arith.addf %scan3A_427, %unpack3A_455 : vector<16xf32>
        %add3A_458 = arith.addf %scan3A_428, %unpack3A_456 : vector<16xf32>
        %add3A_459 = arith.constant 2 : i32
        %add3A_460 = vector.broadcast %add3A_459 : i32 to vector<16xi32>
        %add3A_461 = arith.addi %add3A_432, %add3A_460 : vector<16xi32>
        %and3A_462 = arith.constant 63 : i32
        %and3A_463 = vector.broadcast %and3A_462 : i32 to vector<16xi32>
        %and3A_464 = arith.andi %add3A_461, %and3A_463 : vector<16xi32>
        %gather3A_465 = tpu.vector_load_idx %arg9[%add3A_233, %and3A_464] : memref<80x64xi32, #tpu.memory_space<vmem>>[vector<16xi32>, vector<16xi32>], vector<16xi32>,
        %bitcast3A_466 = vector.bitcast %gather3A_465 : vector<16xi32> to vector<32xbf16>
        %gather3A_467 = tpu.vector_load_idx %arg11[%add3A_233, %and3A_464] : memref<80x64xi32, #tpu.memory_space<vmem>>[vector<16xi32>, vector<16xi32>], vector<16xi32>,
        %bitcast3A_468 = vector.bitcast %gather3A_467 : vector<16xi32> to vector<32xbf16>
        %mul3A_469 = arith.mulf %bitcast3A_466, %bitcast3A_468 : vector<32xbf16>
        %unpack3A_470 = tpu.unpack_subelements %mul3A_469, 0 {pack_format = #tpu.pack_format<interleaved>} : vector<32xbf16> -> vector<16xf32>
        %unpack3A_471 = tpu.unpack_subelements %mul3A_469, 1 {pack_format = #tpu.pack_format<interleaved>} : vector<32xbf16> -> vector<16xf32>
        %add3A_472 = arith.addf %add3A_442, %unpack3A_470 : vector<16xf32>
        %add3A_473 = arith.addf %add3A_443, %unpack3A_471 : vector<16xf32>
        %add3A_474 = arith.constant 3 : i32
        %add3A_475 = vector.broadcast %add3A_474 : i32 to vector<16xi32>
        %add3A_476 = arith.addi %add3A_432, %add3A_475 : vector<16xi32>
        %and3A_477 = arith.constant 63 : i32
        %and3A_478 = vector.broadcast %and3A_477 : i32 to vector<16xi32>
        %and3A_479 = arith.andi %add3A_476, %and3A_478 : vector<16xi32>
        %gather3A_480 = tpu.vector_load_idx %arg9[%add3A_233, %and3A_479] : memref<80x64xi32, #tpu.memory_space<vmem>>[vector<16xi32>, vector<16xi32>], vector<16xi32>,
        %bitcast3A_481 = vector.bitcast %gather3A_480 : vector<16xi32> to vector<32xbf16>
        %gather3A_482 = tpu.vector_load_idx %arg11[%add3A_233, %and3A_479] : memref<80x64xi32, #tpu.memory_space<vmem>>[vector<16xi32>, vector<16xi32>], vector<16xi32>,
        %bitcast3A_483 = vector.bitcast %gather3A_482 : vector<16xi32> to vector<32xbf16>
        %mul3A_484 = arith.mulf %bitcast3A_481, %bitcast3A_483 : vector<32xbf16>
        %unpack3A_485 = tpu.unpack_subelements %mul3A_484, 0 {pack_format = #tpu.pack_format<interleaved>} : vector<32xbf16> -> vector<16xf32>
        %unpack3A_486 = tpu.unpack_subelements %mul3A_484, 1 {pack_format = #tpu.pack_format<interleaved>} : vector<32xbf16> -> vector<16xf32>
        %add3A_487 = arith.addf %add3A_457, %unpack3A_485 : vector<16xf32>
        %add3A_488 = arith.addf %add3A_458, %unpack3A_486 : vector<16xf32>
        scf.yield %add3A_472, %add3A_473, %add3A_487, %add3A_488 : vector<16xf32>, vector<16xf32>, vector<16xf32>, vector<16xf32>
      }
      %scan3A_241 = arith.constant 16 : i32
      %add3A_242 = arith.addf %scan3A_240#0, %scan3A_240#1 : vector<16xf32>
      %add3A_243 = arith.addf %scan3A_240#2, %scan3A_240#3 : vector<16xf32>
      %add3A_244 = arith.addf %add3A_242, %add3A_243 : vector<16xf32>
      %mul3A_245 = arith.constant 80 : i32
      %mul3A_246 = arith.muli %add3A_162, %mul3A_245 : i32
      %add3A_247 = arith.constant 32 : i32
      %add3A_248 = arith.addi %mul3A_246, %add3A_247 : i32
      %swap3A_249 = arith.index_cast %add3A_248 : i32 to index
      %swap3A_250 = tpu.vector_load %arg13[%swap3A_249] {strides = array<i32>} : memref<10000xf32, #tpu.memory_space<vmem>>, vector<16xf32>,
      tpu.vector_store %arg13[%swap3A_249], %add3A_244 {strides = array<i32>} : memref<10000xf32, #tpu.memory_space<vmem>>, vector<16xf32>,
      %add3A_251 = arith.constant 48 : i32
      %add3A_252 = vector.broadcast %add3A_251 : i32 to vector<16xi32>
      %add3A_253 = arith.addi %add3A_252, %iota3A : vector<16xi32>
      %broadcast_in_dim3A_254 = arith.constant 0.000000e+00 : f32
      %broadcast_in_dim3A_255 = vector.broadcast %broadcast_in_dim3A_254 : f32 to vector<16xf32>
      %scan3A_256 = arith.constant 0 : i32
      %scan3A_257 = arith.constant 16 : i32
      %scan3A_258 = arith.addi %scan3A_256, %scan3A_257 : i32
      %scan3A_259 = arith.constant 1 : i32
      %scan3A_260:4 = scf.for %scan3A_424 = %scan3A_256 to %scan3A_258 step %scan3A_259 iter_args(%scan3A_425 = %broadcast_in_dim3A_255, %scan3A_426 = %broadcast_in_dim3A_255, %scan3A_427 = %broadcast_in_dim3A_255, %scan3A_428 = %broadcast_in_dim3A_255) -> (vector<16xf32>, vector<16xf32>, vector<16xf32>, vector<16xf32>)  : i32 {
        %mul3A_429 = arith.constant 4 : i32
        %mul3A_430 = arith.muli %scan3A_424, %mul3A_429 : i32
        %add3A_431 = vector.broadcast %mul3A_430 : i32 to vector<16xi32>
        %add3A_432 = arith.addi %iota3A, %add3A_431 : vector<16xi32>
        %add3A_433 = arith.constant 0 : i32
        %add3A_434 = vector.broadcast %add3A_433 : i32 to vector<16xi32>
        %add3A_435 = arith.addi %add3A_432, %add3A_434 : vector<16xi32>
        %and3A = arith.constant 63 : i32
        %and3A_436 = vector.broadcast %and3A : i32 to vector<16xi32>
        %and3A_437 = arith.andi %add3A_435, %and3A_436 : vector<16xi32>
        %gather3A = tpu.vector_load_idx %arg9[%add3A_253, %and3A_437] : memref<80x64xi32, #tpu.memory_space<vmem>>[vector<16xi32>, vector<16xi32>], vector<16xi32>,
        %bitcast3A = vector.bitcast %gather3A : vector<16xi32> to vector<32xbf16>
        %gather3A_438 = tpu.vector_load_idx %arg11[%add3A_253, %and3A_437] : memref<80x64xi32, #tpu.memory_space<vmem>>[vector<16xi32>, vector<16xi32>], vector<16xi32>,
        %bitcast3A_439 = vector.bitcast %gather3A_438 : vector<16xi32> to vector<32xbf16>
        %mul3A_440 = arith.mulf %bitcast3A, %bitcast3A_439 : vector<32xbf16>
        %unpack3A = tpu.unpack_subelements %mul3A_440, 0 {pack_format = #tpu.pack_format<interleaved>} : vector<32xbf16> -> vector<16xf32>
        %unpack3A_441 = tpu.unpack_subelements %mul3A_440, 1 {pack_format = #tpu.pack_format<interleaved>} : vector<32xbf16> -> vector<16xf32>
        %add3A_442 = arith.addf %scan3A_425, %unpack3A : vector<16xf32>
        %add3A_443 = arith.addf %scan3A_426, %unpack3A_441 : vector<16xf32>
        %add3A_444 = arith.constant 1 : i32
        %add3A_445 = vector.broadcast %add3A_444 : i32 to vector<16xi32>
        %add3A_446 = arith.addi %add3A_432, %add3A_445 : vector<16xi32>
        %and3A_447 = arith.constant 63 : i32
        %and3A_448 = vector.broadcast %and3A_447 : i32 to vector<16xi32>
        %and3A_449 = arith.andi %add3A_446, %and3A_448 : vector<16xi32>
        %gather3A_450 = tpu.vector_load_idx %arg9[%add3A_253, %and3A_449] : memref<80x64xi32, #tpu.memory_space<vmem>>[vector<16xi32>, vector<16xi32>], vector<16xi32>,
        %bitcast3A_451 = vector.bitcast %gather3A_450 : vector<16xi32> to vector<32xbf16>
        %gather3A_452 = tpu.vector_load_idx %arg11[%add3A_253, %and3A_449] : memref<80x64xi32, #tpu.memory_space<vmem>>[vector<16xi32>, vector<16xi32>], vector<16xi32>,
        %bitcast3A_453 = vector.bitcast %gather3A_452 : vector<16xi32> to vector<32xbf16>
        %mul3A_454 = arith.mulf %bitcast3A_451, %bitcast3A_453 : vector<32xbf16>
        %unpack3A_455 = tpu.unpack_subelements %mul3A_454, 0 {pack_format = #tpu.pack_format<interleaved>} : vector<32xbf16> -> vector<16xf32>
        %unpack3A_456 = tpu.unpack_subelements %mul3A_454, 1 {pack_format = #tpu.pack_format<interleaved>} : vector<32xbf16> -> vector<16xf32>
        %add3A_457 = arith.addf %scan3A_427, %unpack3A_455 : vector<16xf32>
        %add3A_458 = arith.addf %scan3A_428, %unpack3A_456 : vector<16xf32>
        %add3A_459 = arith.constant 2 : i32
        %add3A_460 = vector.broadcast %add3A_459 : i32 to vector<16xi32>
        %add3A_461 = arith.addi %add3A_432, %add3A_460 : vector<16xi32>
        %and3A_462 = arith.constant 63 : i32
        %and3A_463 = vector.broadcast %and3A_462 : i32 to vector<16xi32>
        %and3A_464 = arith.andi %add3A_461, %and3A_463 : vector<16xi32>
        %gather3A_465 = tpu.vector_load_idx %arg9[%add3A_253, %and3A_464] : memref<80x64xi32, #tpu.memory_space<vmem>>[vector<16xi32>, vector<16xi32>], vector<16xi32>,
        %bitcast3A_466 = vector.bitcast %gather3A_465 : vector<16xi32> to vector<32xbf16>
        %gather3A_467 = tpu.vector_load_idx %arg11[%add3A_253, %and3A_464] : memref<80x64xi32, #tpu.memory_space<vmem>>[vector<16xi32>, vector<16xi32>], vector<16xi32>,
        %bitcast3A_468 = vector.bitcast %gather3A_467 : vector<16xi32> to vector<32xbf16>
        %mul3A_469 = arith.mulf %bitcast3A_466, %bitcast3A_468 : vector<32xbf16>
        %unpack3A_470 = tpu.unpack_subelements %mul3A_469, 0 {pack_format = #tpu.pack_format<interleaved>} : vector<32xbf16> -> vector<16xf32>
        %unpack3A_471 = tpu.unpack_subelements %mul3A_469, 1 {pack_format = #tpu.pack_format<interleaved>} : vector<32xbf16> -> vector<16xf32>
        %add3A_472 = arith.addf %add3A_442, %unpack3A_470 : vector<16xf32>
        %add3A_473 = arith.addf %add3A_443, %unpack3A_471 : vector<16xf32>
        %add3A_474 = arith.constant 3 : i32
        %add3A_475 = vector.broadcast %add3A_474 : i32 to vector<16xi32>
        %add3A_476 = arith.addi %add3A_432, %add3A_475 : vector<16xi32>
        %and3A_477 = arith.constant 63 : i32
        %and3A_478 = vector.broadcast %and3A_477 : i32 to vector<16xi32>
        %and3A_479 = arith.andi %add3A_476, %and3A_478 : vector<16xi32>
        %gather3A_480 = tpu.vector_load_idx %arg9[%add3A_253, %and3A_479] : memref<80x64xi32, #tpu.memory_space<vmem>>[vector<16xi32>, vector<16xi32>], vector<16xi32>,
        %bitcast3A_481 = vector.bitcast %gather3A_480 : vector<16xi32> to vector<32xbf16>
        %gather3A_482 = tpu.vector_load_idx %arg11[%add3A_253, %and3A_479] : memref<80x64xi32, #tpu.memory_space<vmem>>[vector<16xi32>, vector<16xi32>], vector<16xi32>,
        %bitcast3A_483 = vector.bitcast %gather3A_482 : vector<16xi32> to vector<32xbf16>
        %mul3A_484 = arith.mulf %bitcast3A_481, %bitcast3A_483 : vector<32xbf16>
        %unpack3A_485 = tpu.unpack_subelements %mul3A_484, 0 {pack_format = #tpu.pack_format<interleaved>} : vector<32xbf16> -> vector<16xf32>
        %unpack3A_486 = tpu.unpack_subelements %mul3A_484, 1 {pack_format = #tpu.pack_format<interleaved>} : vector<32xbf16> -> vector<16xf32>
        %add3A_487 = arith.addf %add3A_457, %unpack3A_485 : vector<16xf32>
        %add3A_488 = arith.addf %add3A_458, %unpack3A_486 : vector<16xf32>
        scf.yield %add3A_472, %add3A_473, %add3A_487, %add3A_488 : vector<16xf32>, vector<16xf32>, vector<16xf32>, vector<16xf32>
      }
      %scan3A_261 = arith.constant 16 : i32
      %add3A_262 = arith.addf %scan3A_260#0, %scan3A_260#1 : vector<16xf32>
      %add3A_263 = arith.addf %scan3A_260#2, %scan3A_260#3 : vector<16xf32>
      %add3A_264 = arith.addf %add3A_262, %add3A_263 : vector<16xf32>
      %mul3A_265 = arith.constant 80 : i32
      %mul3A_266 = arith.muli %add3A_162, %mul3A_265 : i32
      %add3A_267 = arith.constant 48 : i32
      %add3A_268 = arith.addi %mul3A_266, %add3A_267 : i32
      %swap3A_269 = arith.index_cast %add3A_268 : i32 to index
      %swap3A_270 = tpu.vector_load %arg13[%swap3A_269] {strides = array<i32>} : memref<10000xf32, #tpu.memory_space<vmem>>, vector<16xf32>,
      tpu.vector_store %arg13[%swap3A_269], %add3A_264 {strides = array<i32>} : memref<10000xf32, #tpu.memory_space<vmem>>, vector<16xf32>,
      %add3A_271 = arith.constant 64 : i32
      %add3A_272 = vector.broadcast %add3A_271 : i32 to vector<16xi32>
      %add3A_273 = arith.addi %add3A_272, %iota3A : vector<16xi32>
      %broadcast_in_dim3A_274 = arith.constant 0.000000e+00 : f32
      %broadcast_in_dim3A_275 = vector.broadcast %broadcast_in_dim3A_274 : f32 to vector<16xf32>
      %scan3A_276 = arith.constant 0 : i32
      %scan3A_277 = arith.constant 16 : i32
      %scan3A_278 = arith.addi %scan3A_276, %scan3A_277 : i32
      %scan3A_279 = arith.constant 1 : i32
      %scan3A_280:4 = scf.for %scan3A_424 = %scan3A_276 to %scan3A_278 step %scan3A_279 iter_args(%scan3A_425 = %broadcast_in_dim3A_275, %scan3A_426 = %broadcast_in_dim3A_275, %scan3A_427 = %broadcast_in_dim3A_275, %scan3A_428 = %broadcast_in_dim3A_275) -> (vector<16xf32>, vector<16xf32>, vector<16xf32>, vector<16xf32>)  : i32 {
        %mul3A_429 = arith.constant 4 : i32
        %mul3A_430 = arith.muli %scan3A_424, %mul3A_429 : i32
        %add3A_431 = vector.broadcast %mul3A_430 : i32 to vector<16xi32>
        %add3A_432 = arith.addi %iota3A, %add3A_431 : vector<16xi32>
        %add3A_433 = arith.constant 0 : i32
        %add3A_434 = vector.broadcast %add3A_433 : i32 to vector<16xi32>
        %add3A_435 = arith.addi %add3A_432, %add3A_434 : vector<16xi32>
        %and3A = arith.constant 63 : i32
        %and3A_436 = vector.broadcast %and3A : i32 to vector<16xi32>
        %and3A_437 = arith.andi %add3A_435, %and3A_436 : vector<16xi32>
        %gather3A = tpu.vector_load_idx %arg9[%add3A_273, %and3A_437] : memref<80x64xi32, #tpu.memory_space<vmem>>[vector<16xi32>, vector<16xi32>], vector<16xi32>,
        %bitcast3A = vector.bitcast %gather3A : vector<16xi32> to vector<32xbf16>
        %gather3A_438 = tpu.vector_load_idx %arg11[%add3A_273, %and3A_437] : memref<80x64xi32, #tpu.memory_space<vmem>>[vector<16xi32>, vector<16xi32>], vector<16xi32>,
        %bitcast3A_439 = vector.bitcast %gather3A_438 : vector<16xi32> to vector<32xbf16>
        %mul3A_440 = arith.mulf %bitcast3A, %bitcast3A_439 : vector<32xbf16>
        %unpack3A = tpu.unpack_subelements %mul3A_440, 0 {pack_format = #tpu.pack_format<interleaved>} : vector<32xbf16> -> vector<16xf32>
        %unpack3A_441 = tpu.unpack_subelements %mul3A_440, 1 {pack_format = #tpu.pack_format<interleaved>} : vector<32xbf16> -> vector<16xf32>
        %add3A_442 = arith.addf %scan3A_425, %unpack3A : vector<16xf32>
        %add3A_443 = arith.addf %scan3A_426, %unpack3A_441 : vector<16xf32>
        %add3A_444 = arith.constant 1 : i32
        %add3A_445 = vector.broadcast %add3A_444 : i32 to vector<16xi32>
        %add3A_446 = arith.addi %add3A_432, %add3A_445 : vector<16xi32>
        %and3A_447 = arith.constant 63 : i32
        %and3A_448 = vector.broadcast %and3A_447 : i32 to vector<16xi32>
        %and3A_449 = arith.andi %add3A_446, %and3A_448 : vector<16xi32>
        %gather3A_450 = tpu.vector_load_idx %arg9[%add3A_273, %and3A_449] : memref<80x64xi32, #tpu.memory_space<vmem>>[vector<16xi32>, vector<16xi32>], vector<16xi32>,
        %bitcast3A_451 = vector.bitcast %gather3A_450 : vector<16xi32> to vector<32xbf16>
        %gather3A_452 = tpu.vector_load_idx %arg11[%add3A_273, %and3A_449] : memref<80x64xi32, #tpu.memory_space<vmem>>[vector<16xi32>, vector<16xi32>], vector<16xi32>,
        %bitcast3A_453 = vector.bitcast %gather3A_452 : vector<16xi32> to vector<32xbf16>
        %mul3A_454 = arith.mulf %bitcast3A_451, %bitcast3A_453 : vector<32xbf16>
        %unpack3A_455 = tpu.unpack_subelements %mul3A_454, 0 {pack_format = #tpu.pack_format<interleaved>} : vector<32xbf16> -> vector<16xf32>
        %unpack3A_456 = tpu.unpack_subelements %mul3A_454, 1 {pack_format = #tpu.pack_format<interleaved>} : vector<32xbf16> -> vector<16xf32>
        %add3A_457 = arith.addf %scan3A_427, %unpack3A_455 : vector<16xf32>
        %add3A_458 = arith.addf %scan3A_428, %unpack3A_456 : vector<16xf32>
        %add3A_459 = arith.constant 2 : i32
        %add3A_460 = vector.broadcast %add3A_459 : i32 to vector<16xi32>
        %add3A_461 = arith.addi %add3A_432, %add3A_460 : vector<16xi32>
        %and3A_462 = arith.constant 63 : i32
        %and3A_463 = vector.broadcast %and3A_462 : i32 to vector<16xi32>
        %and3A_464 = arith.andi %add3A_461, %and3A_463 : vector<16xi32>
        %gather3A_465 = tpu.vector_load_idx %arg9[%add3A_273, %and3A_464] : memref<80x64xi32, #tpu.memory_space<vmem>>[vector<16xi32>, vector<16xi32>], vector<16xi32>,
        %bitcast3A_466 = vector.bitcast %gather3A_465 : vector<16xi32> to vector<32xbf16>
        %gather3A_467 = tpu.vector_load_idx %arg11[%add3A_273, %and3A_464] : memref<80x64xi32, #tpu.memory_space<vmem>>[vector<16xi32>, vector<16xi32>], vector<16xi32>,
        %bitcast3A_468 = vector.bitcast %gather3A_467 : vector<16xi32> to vector<32xbf16>
        %mul3A_469 = arith.mulf %bitcast3A_466, %bitcast3A_468 : vector<32xbf16>
        %unpack3A_470 = tpu.unpack_subelements %mul3A_469, 0 {pack_format = #tpu.pack_format<interleaved>} : vector<32xbf16> -> vector<16xf32>
        %unpack3A_471 = tpu.unpack_subelements %mul3A_469, 1 {pack_format = #tpu.pack_format<interleaved>} : vector<32xbf16> -> vector<16xf32>
        %add3A_472 = arith.addf %add3A_442, %unpack3A_470 : vector<16xf32>
        %add3A_473 = arith.addf %add3A_443, %unpack3A_471 : vector<16xf32>
        %add3A_474 = arith.constant 3 : i32
        %add3A_475 = vector.broadcast %add3A_474 : i32 to vector<16xi32>
        %add3A_476 = arith.addi %add3A_432, %add3A_475 : vector<16xi32>
        %and3A_477 = arith.constant 63 : i32
        %and3A_478 = vector.broadcast %and3A_477 : i32 to vector<16xi32>
        %and3A_479 = arith.andi %add3A_476, %and3A_478 : vector<16xi32>
        %gather3A_480 = tpu.vector_load_idx %arg9[%add3A_273, %and3A_479] : memref<80x64xi32, #tpu.memory_space<vmem>>[vector<16xi32>, vector<16xi32>], vector<16xi32>,
        %bitcast3A_481 = vector.bitcast %gather3A_480 : vector<16xi32> to vector<32xbf16>
        %gather3A_482 = tpu.vector_load_idx %arg11[%add3A_273, %and3A_479] : memref<80x64xi32, #tpu.memory_space<vmem>>[vector<16xi32>, vector<16xi32>], vector<16xi32>,
        %bitcast3A_483 = vector.bitcast %gather3A_482 : vector<16xi32> to vector<32xbf16>
        %mul3A_484 = arith.mulf %bitcast3A_481, %bitcast3A_483 : vector<32xbf16>
        %unpack3A_485 = tpu.unpack_subelements %mul3A_484, 0 {pack_format = #tpu.pack_format<interleaved>} : vector<32xbf16> -> vector<16xf32>
        %unpack3A_486 = tpu.unpack_subelements %mul3A_484, 1 {pack_format = #tpu.pack_format<interleaved>} : vector<32xbf16> -> vector<16xf32>
        %add3A_487 = arith.addf %add3A_457, %unpack3A_485 : vector<16xf32>
        %add3A_488 = arith.addf %add3A_458, %unpack3A_486 : vector<16xf32>
        scf.yield %add3A_472, %add3A_473, %add3A_487, %add3A_488 : vector<16xf32>, vector<16xf32>, vector<16xf32>, vector<16xf32>
      }
      %scan3A_281 = arith.constant 16 : i32
      %add3A_282 = arith.addf %scan3A_280#0, %scan3A_280#1 : vector<16xf32>
      %add3A_283 = arith.addf %scan3A_280#2, %scan3A_280#3 : vector<16xf32>
      %add3A_284 = arith.addf %add3A_282, %add3A_283 : vector<16xf32>
      %mul3A_285 = arith.constant 80 : i32
      %mul3A_286 = arith.muli %add3A_162, %mul3A_285 : i32
      %add3A_287 = arith.constant 64 : i32
      %add3A_288 = arith.addi %mul3A_286, %add3A_287 : i32
      %swap3A_289 = arith.index_cast %add3A_288 : i32 to index
      %swap3A_290 = tpu.vector_load %arg13[%swap3A_289] {strides = array<i32>} : memref<10000xf32, #tpu.memory_space<vmem>>, vector<16xf32>,
      tpu.vector_store %arg13[%swap3A_289], %add3A_284 {strides = array<i32>} : memref<10000xf32, #tpu.memory_space<vmem>>, vector<16xf32>,
      %mul3A_291 = arith.constant 2 : i32
      %mul3A_292 = arith.muli %mul3A_291, %scan3A_157 : i32
      %add3A_293 = arith.constant 1 : i32
      %add3A_294 = arith.addi %mul3A_292, %add3A_293 : i32
      %dma_wait3A_295 = arith.constant 0 : i32
      %dma_wait3A_296 = arith.constant 0 : i32
      %dma_wait3A_297 = tpu.memref_slice %arg6[%dma_wait3A_295, %dma_wait3A_296] : memref<125x80xi32, #tpu.memory_space<vmem>> -> memref<1x80xi32, #tpu.memory_space<vmem>>
      %dma_wait3A_298 = tpu.memref_squeeze %dma_wait3A_297 : memref<1x80xi32, #tpu.memory_space<vmem>> -> memref<80xi32, #tpu.memory_space<vmem>>
      %dma_wait3A_299 = arith.constant 0 : i32
      %dma_wait3A_300 = arith.constant 0 : i32
      %dma_wait3A_301 = tpu.memref_slice %arg8[%dma_wait3A_299, %dma_wait3A_300] : memref<10000x64xi32, #tpu.memory_space<vmem_shared>> -> memref<10000x64xi32, #tpu.memory_space<vmem_shared>>
      tpu.wait_indirect_dma semaphore(%arg15 : memref<!tpu.dma_semaphore, #tpu.memory_space<semaphore_mem>>) src(%dma_wait3A_301 : memref<10000x64xi32, #tpu.memory_space<vmem_shared>>) dst(%arg10 : memref<80x64xi32, #tpu.memory_space<vmem>>)
      %dma_wait3A_302 = arith.constant 0 : i32
      %dma_wait3A_303 = arith.constant 0 : i32
      %dma_wait3A_304 = tpu.memref_slice %arg7[%dma_wait3A_302, %dma_wait3A_303] : memref<125x80xi32, #tpu.memory_space<vmem>> -> memref<1x80xi32, #tpu.memory_space<vmem>>
      %dma_wait3A_305 = tpu.memref_squeeze %dma_wait3A_304 : memref<1x80xi32, #tpu.memory_space<vmem>> -> memref<80xi32, #tpu.memory_space<vmem>>
      %dma_wait3A_306 = arith.constant 0 : i32
      %dma_wait3A_307 = arith.constant 0 : i32
      %dma_wait3A_308 = tpu.memref_slice %arg8[%dma_wait3A_306, %dma_wait3A_307] : memref<10000x64xi32, #tpu.memory_space<vmem_shared>> -> memref<10000x64xi32, #tpu.memory_space<vmem_shared>>
      tpu.wait_indirect_dma semaphore(%arg17 : memref<!tpu.dma_semaphore, #tpu.memory_space<semaphore_mem>>) src(%dma_wait3A_308 : memref<10000x64xi32, #tpu.memory_space<vmem_shared>>) dst(%arg12 : memref<80x64xi32, #tpu.memory_space<vmem>>)
      %add3A_309 = arith.constant 1 : i32
      %add3A_310 = arith.addi %add3A_294, %add3A_309 : i32
      %dma_start3A_311 = arith.constant 0 : i32
      %dma_start3A_312 = tpu.memref_slice %arg6[%add3A_310, %dma_start3A_311] : memref<125x80xi32, #tpu.memory_space<vmem>> -> memref<1x80xi32, #tpu.memory_space<vmem>>
      %dma_start3A_313 = tpu.memref_squeeze %dma_start3A_312 : memref<1x80xi32, #tpu.memory_space<vmem>> -> memref<80xi32, #tpu.memory_space<vmem>>
      %dma_start3A_314 = arith.constant 0 : i32
      %dma_start3A_315 = arith.constant 0 : i32
      %dma_start3A_316 = tpu.memref_slice %arg8[%dma_start3A_314, %dma_start3A_315] : memref<10000x64xi32, #tpu.memory_space<vmem_shared>> -> memref<10000x64xi32, #tpu.memory_space<vmem_shared>>
      tpu.enqueue_indirect_dma source(%dma_start3A_316 : memref<10000x64xi32, #tpu.memory_space<vmem_shared>>) target(%arg9 : memref<80x64xi32, #tpu.memory_space<vmem>>) offsets(%dma_start3A_313 : memref<80xi32, #tpu.memory_space<vmem>>) semaphore(%arg14 : memref<!tpu.dma_semaphore, #tpu.memory_space<semaphore_mem>>)
      %dma_start3A_317 = arith.constant 0 : i32
      %dma_start3A_318 = tpu.memref_slice %arg7[%add3A_310, %dma_start3A_317] : memref<125x80xi32, #tpu.memory_space<vmem>> -> memref<1x80xi32, #tpu.memory_space<vmem>>
      %dma_start3A_319 = tpu.memref_squeeze %dma_start3A_318 : memref<1x80xi32, #tpu.memory_space<vmem>> -> memref<80xi32, #tpu.memory_space<vmem>>
      %dma_start3A_320 = arith.constant 0 : i32
      %dma_start3A_321 = arith.constant 0 : i32
      %dma_start3A_322 = tpu.memref_slice %arg8[%dma_start3A_320, %dma_start3A_321] : memref<10000x64xi32, #tpu.memory_space<vmem_shared>> -> memref<10000x64xi32, #tpu.memory_space<vmem_shared>>
      tpu.enqueue_indirect_dma source(%dma_start3A_322 : memref<10000x64xi32, #tpu.memory_space<vmem_shared>>) target(%arg11 : memref<80x64xi32, #tpu.memory_space<vmem>>) offsets(%dma_start3A_319 : memref<80xi32, #tpu.memory_space<vmem>>) semaphore(%arg16 : memref<!tpu.dma_semaphore, #tpu.memory_space<semaphore_mem>>)
      %add3A_323 = arith.constant 0 : i32
      %add3A_324 = vector.broadcast %add3A_323 : i32 to vector<16xi32>
      %add3A_325 = arith.addi %add3A_324, %iota3A : vector<16xi32>
      %broadcast_in_dim3A_326 = arith.constant 0.000000e+00 : f32
      %broadcast_in_dim3A_327 = vector.broadcast %broadcast_in_dim3A_326 : f32 to vector<16xf32>
      %scan3A_328 = arith.constant 0 : i32
      %scan3A_329 = arith.constant 16 : i32
      %scan3A_330 = arith.addi %scan3A_328, %scan3A_329 : i32
      %scan3A_331 = arith.constant 1 : i32
      %scan3A_332:4 = scf.for %scan3A_424 = %scan3A_328 to %scan3A_330 step %scan3A_331 iter_args(%scan3A_425 = %broadcast_in_dim3A_327, %scan3A_426 = %broadcast_in_dim3A_327, %scan3A_427 = %broadcast_in_dim3A_327, %scan3A_428 = %broadcast_in_dim3A_327) -> (vector<16xf32>, vector<16xf32>, vector<16xf32>, vector<16xf32>)  : i32 {
        %mul3A_429 = arith.constant 4 : i32
        %mul3A_430 = arith.muli %scan3A_424, %mul3A_429 : i32
        %add3A_431 = vector.broadcast %mul3A_430 : i32 to vector<16xi32>
        %add3A_432 = arith.addi %iota3A, %add3A_431 : vector<16xi32>
        %add3A_433 = arith.constant 0 : i32
        %add3A_434 = vector.broadcast %add3A_433 : i32 to vector<16xi32>
        %add3A_435 = arith.addi %add3A_432, %add3A_434 : vector<16xi32>
        %and3A = arith.constant 63 : i32
        %and3A_436 = vector.broadcast %and3A : i32 to vector<16xi32>
        %and3A_437 = arith.andi %add3A_435, %and3A_436 : vector<16xi32>
        %gather3A = tpu.vector_load_idx %arg10[%add3A_325, %and3A_437] : memref<80x64xi32, #tpu.memory_space<vmem>>[vector<16xi32>, vector<16xi32>], vector<16xi32>,
        %bitcast3A = vector.bitcast %gather3A : vector<16xi32> to vector<32xbf16>
        %gather3A_438 = tpu.vector_load_idx %arg12[%add3A_325, %and3A_437] : memref<80x64xi32, #tpu.memory_space<vmem>>[vector<16xi32>, vector<16xi32>], vector<16xi32>,
        %bitcast3A_439 = vector.bitcast %gather3A_438 : vector<16xi32> to vector<32xbf16>
        %mul3A_440 = arith.mulf %bitcast3A, %bitcast3A_439 : vector<32xbf16>
        %unpack3A = tpu.unpack_subelements %mul3A_440, 0 {pack_format = #tpu.pack_format<interleaved>} : vector<32xbf16> -> vector<16xf32>
        %unpack3A_441 = tpu.unpack_subelements %mul3A_440, 1 {pack_format = #tpu.pack_format<interleaved>} : vector<32xbf16> -> vector<16xf32>
        %add3A_442 = arith.addf %scan3A_425, %unpack3A : vector<16xf32>
        %add3A_443 = arith.addf %scan3A_426, %unpack3A_441 : vector<16xf32>
        %add3A_444 = arith.constant 1 : i32
        %add3A_445 = vector.broadcast %add3A_444 : i32 to vector<16xi32>
        %add3A_446 = arith.addi %add3A_432, %add3A_445 : vector<16xi32>
        %and3A_447 = arith.constant 63 : i32
        %and3A_448 = vector.broadcast %and3A_447 : i32 to vector<16xi32>
        %and3A_449 = arith.andi %add3A_446, %and3A_448 : vector<16xi32>
        %gather3A_450 = tpu.vector_load_idx %arg10[%add3A_325, %and3A_449] : memref<80x64xi32, #tpu.memory_space<vmem>>[vector<16xi32>, vector<16xi32>], vector<16xi32>,
        %bitcast3A_451 = vector.bitcast %gather3A_450 : vector<16xi32> to vector<32xbf16>
        %gather3A_452 = tpu.vector_load_idx %arg12[%add3A_325, %and3A_449] : memref<80x64xi32, #tpu.memory_space<vmem>>[vector<16xi32>, vector<16xi32>], vector<16xi32>,
        %bitcast3A_453 = vector.bitcast %gather3A_452 : vector<16xi32> to vector<32xbf16>
        %mul3A_454 = arith.mulf %bitcast3A_451, %bitcast3A_453 : vector<32xbf16>
        %unpack3A_455 = tpu.unpack_subelements %mul3A_454, 0 {pack_format = #tpu.pack_format<interleaved>} : vector<32xbf16> -> vector<16xf32>
        %unpack3A_456 = tpu.unpack_subelements %mul3A_454, 1 {pack_format = #tpu.pack_format<interleaved>} : vector<32xbf16> -> vector<16xf32>
        %add3A_457 = arith.addf %scan3A_427, %unpack3A_455 : vector<16xf32>
        %add3A_458 = arith.addf %scan3A_428, %unpack3A_456 : vector<16xf32>
        %add3A_459 = arith.constant 2 : i32
        %add3A_460 = vector.broadcast %add3A_459 : i32 to vector<16xi32>
        %add3A_461 = arith.addi %add3A_432, %add3A_460 : vector<16xi32>
        %and3A_462 = arith.constant 63 : i32
        %and3A_463 = vector.broadcast %and3A_462 : i32 to vector<16xi32>
        %and3A_464 = arith.andi %add3A_461, %and3A_463 : vector<16xi32>
        %gather3A_465 = tpu.vector_load_idx %arg10[%add3A_325, %and3A_464] : memref<80x64xi32, #tpu.memory_space<vmem>>[vector<16xi32>, vector<16xi32>], vector<16xi32>,
        %bitcast3A_466 = vector.bitcast %gather3A_465 : vector<16xi32> to vector<32xbf16>
        %gather3A_467 = tpu.vector_load_idx %arg12[%add3A_325, %and3A_464] : memref<80x64xi32, #tpu.memory_space<vmem>>[vector<16xi32>, vector<16xi32>], vector<16xi32>,
        %bitcast3A_468 = vector.bitcast %gather3A_467 : vector<16xi32> to vector<32xbf16>
        %mul3A_469 = arith.mulf %bitcast3A_466, %bitcast3A_468 : vector<32xbf16>
        %unpack3A_470 = tpu.unpack_subelements %mul3A_469, 0 {pack_format = #tpu.pack_format<interleaved>} : vector<32xbf16> -> vector<16xf32>
        %unpack3A_471 = tpu.unpack_subelements %mul3A_469, 1 {pack_format = #tpu.pack_format<interleaved>} : vector<32xbf16> -> vector<16xf32>
        %add3A_472 = arith.addf %add3A_442, %unpack3A_470 : vector<16xf32>
        %add3A_473 = arith.addf %add3A_443, %unpack3A_471 : vector<16xf32>
        %add3A_474 = arith.constant 3 : i32
        %add3A_475 = vector.broadcast %add3A_474 : i32 to vector<16xi32>
        %add3A_476 = arith.addi %add3A_432, %add3A_475 : vector<16xi32>
        %and3A_477 = arith.constant 63 : i32
        %and3A_478 = vector.broadcast %and3A_477 : i32 to vector<16xi32>
        %and3A_479 = arith.andi %add3A_476, %and3A_478 : vector<16xi32>
        %gather3A_480 = tpu.vector_load_idx %arg10[%add3A_325, %and3A_479] : memref<80x64xi32, #tpu.memory_space<vmem>>[vector<16xi32>, vector<16xi32>], vector<16xi32>,
        %bitcast3A_481 = vector.bitcast %gather3A_480 : vector<16xi32> to vector<32xbf16>
        %gather3A_482 = tpu.vector_load_idx %arg12[%add3A_325, %and3A_479] : memref<80x64xi32, #tpu.memory_space<vmem>>[vector<16xi32>, vector<16xi32>], vector<16xi32>,
        %bitcast3A_483 = vector.bitcast %gather3A_482 : vector<16xi32> to vector<32xbf16>
        %mul3A_484 = arith.mulf %bitcast3A_481, %bitcast3A_483 : vector<32xbf16>
        %unpack3A_485 = tpu.unpack_subelements %mul3A_484, 0 {pack_format = #tpu.pack_format<interleaved>} : vector<32xbf16> -> vector<16xf32>
        %unpack3A_486 = tpu.unpack_subelements %mul3A_484, 1 {pack_format = #tpu.pack_format<interleaved>} : vector<32xbf16> -> vector<16xf32>
        %add3A_487 = arith.addf %add3A_457, %unpack3A_485 : vector<16xf32>
        %add3A_488 = arith.addf %add3A_458, %unpack3A_486 : vector<16xf32>
        scf.yield %add3A_472, %add3A_473, %add3A_487, %add3A_488 : vector<16xf32>, vector<16xf32>, vector<16xf32>, vector<16xf32>
      }
      %scan3A_333 = arith.constant 16 : i32
      %add3A_334 = arith.addf %scan3A_332#0, %scan3A_332#1 : vector<16xf32>
      %add3A_335 = arith.addf %scan3A_332#2, %scan3A_332#3 : vector<16xf32>
      %add3A_336 = arith.addf %add3A_334, %add3A_335 : vector<16xf32>
      %mul3A_337 = arith.constant 80 : i32
      %mul3A_338 = arith.muli %add3A_294, %mul3A_337 : i32
      %add3A_339 = arith.constant 0 : i32
      %add3A_340 = arith.addi %mul3A_338, %add3A_339 : i32
      %swap3A_341 = arith.index_cast %add3A_340 : i32 to index
      %swap3A_342 = tpu.vector_load %arg13[%swap3A_341] {strides = array<i32>} : memref<10000xf32, #tpu.memory_space<vmem>>, vector<16xf32>,
      tpu.vector_store %arg13[%swap3A_341], %add3A_336 {strides = array<i32>} : memref<10000xf32, #tpu.memory_space<vmem>>, vector<16xf32>,
      %add3A_343 = arith.constant 16 : i32
      %add3A_344 = vector.broadcast %add3A_343 : i32 to vector<16xi32>
      %add3A_345 = arith.addi %add3A_344, %iota3A : vector<16xi32>
      %broadcast_in_dim3A_346 = arith.constant 0.000000e+00 : f32
      %broadcast_in_dim3A_347 = vector.broadcast %broadcast_in_dim3A_346 : f32 to vector<16xf32>
      %scan3A_348 = arith.constant 0 : i32
      %scan3A_349 = arith.constant 16 : i32
      %scan3A_350 = arith.addi %scan3A_348, %scan3A_349 : i32
      %scan3A_351 = arith.constant 1 : i32
      %scan3A_352:4 = scf.for %scan3A_424 = %scan3A_348 to %scan3A_350 step %scan3A_351 iter_args(%scan3A_425 = %broadcast_in_dim3A_347, %scan3A_426 = %broadcast_in_dim3A_347, %scan3A_427 = %broadcast_in_dim3A_347, %scan3A_428 = %broadcast_in_dim3A_347) -> (vector<16xf32>, vector<16xf32>, vector<16xf32>, vector<16xf32>)  : i32 {
        %mul3A_429 = arith.constant 4 : i32
        %mul3A_430 = arith.muli %scan3A_424, %mul3A_429 : i32
        %add3A_431 = vector.broadcast %mul3A_430 : i32 to vector<16xi32>
        %add3A_432 = arith.addi %iota3A, %add3A_431 : vector<16xi32>
        %add3A_433 = arith.constant 0 : i32
        %add3A_434 = vector.broadcast %add3A_433 : i32 to vector<16xi32>
        %add3A_435 = arith.addi %add3A_432, %add3A_434 : vector<16xi32>
        %and3A = arith.constant 63 : i32
        %and3A_436 = vector.broadcast %and3A : i32 to vector<16xi32>
        %and3A_437 = arith.andi %add3A_435, %and3A_436 : vector<16xi32>
        %gather3A = tpu.vector_load_idx %arg10[%add3A_345, %and3A_437] : memref<80x64xi32, #tpu.memory_space<vmem>>[vector<16xi32>, vector<16xi32>], vector<16xi32>,
        %bitcast3A = vector.bitcast %gather3A : vector<16xi32> to vector<32xbf16>
        %gather3A_438 = tpu.vector_load_idx %arg12[%add3A_345, %and3A_437] : memref<80x64xi32, #tpu.memory_space<vmem>>[vector<16xi32>, vector<16xi32>], vector<16xi32>,
        %bitcast3A_439 = vector.bitcast %gather3A_438 : vector<16xi32> to vector<32xbf16>
        %mul3A_440 = arith.mulf %bitcast3A, %bitcast3A_439 : vector<32xbf16>
        %unpack3A = tpu.unpack_subelements %mul3A_440, 0 {pack_format = #tpu.pack_format<interleaved>} : vector<32xbf16> -> vector<16xf32>
        %unpack3A_441 = tpu.unpack_subelements %mul3A_440, 1 {pack_format = #tpu.pack_format<interleaved>} : vector<32xbf16> -> vector<16xf32>
        %add3A_442 = arith.addf %scan3A_425, %unpack3A : vector<16xf32>
        %add3A_443 = arith.addf %scan3A_426, %unpack3A_441 : vector<16xf32>
        %add3A_444 = arith.constant 1 : i32
        %add3A_445 = vector.broadcast %add3A_444 : i32 to vector<16xi32>
        %add3A_446 = arith.addi %add3A_432, %add3A_445 : vector<16xi32>
        %and3A_447 = arith.constant 63 : i32
        %and3A_448 = vector.broadcast %and3A_447 : i32 to vector<16xi32>
        %and3A_449 = arith.andi %add3A_446, %and3A_448 : vector<16xi32>
        %gather3A_450 = tpu.vector_load_idx %arg10[%add3A_345, %and3A_449] : memref<80x64xi32, #tpu.memory_space<vmem>>[vector<16xi32>, vector<16xi32>], vector<16xi32>,
        %bitcast3A_451 = vector.bitcast %gather3A_450 : vector<16xi32> to vector<32xbf16>
        %gather3A_452 = tpu.vector_load_idx %arg12[%add3A_345, %and3A_449] : memref<80x64xi32, #tpu.memory_space<vmem>>[vector<16xi32>, vector<16xi32>], vector<16xi32>,
        %bitcast3A_453 = vector.bitcast %gather3A_452 : vector<16xi32> to vector<32xbf16>
        %mul3A_454 = arith.mulf %bitcast3A_451, %bitcast3A_453 : vector<32xbf16>
        %unpack3A_455 = tpu.unpack_subelements %mul3A_454, 0 {pack_format = #tpu.pack_format<interleaved>} : vector<32xbf16> -> vector<16xf32>
        %unpack3A_456 = tpu.unpack_subelements %mul3A_454, 1 {pack_format = #tpu.pack_format<interleaved>} : vector<32xbf16> -> vector<16xf32>
        %add3A_457 = arith.addf %scan3A_427, %unpack3A_455 : vector<16xf32>
        %add3A_458 = arith.addf %scan3A_428, %unpack3A_456 : vector<16xf32>
        %add3A_459 = arith.constant 2 : i32
        %add3A_460 = vector.broadcast %add3A_459 : i32 to vector<16xi32>
        %add3A_461 = arith.addi %add3A_432, %add3A_460 : vector<16xi32>
        %and3A_462 = arith.constant 63 : i32
        %and3A_463 = vector.broadcast %and3A_462 : i32 to vector<16xi32>
        %and3A_464 = arith.andi %add3A_461, %and3A_463 : vector<16xi32>
        %gather3A_465 = tpu.vector_load_idx %arg10[%add3A_345, %and3A_464] : memref<80x64xi32, #tpu.memory_space<vmem>>[vector<16xi32>, vector<16xi32>], vector<16xi32>,
        %bitcast3A_466 = vector.bitcast %gather3A_465 : vector<16xi32> to vector<32xbf16>
        %gather3A_467 = tpu.vector_load_idx %arg12[%add3A_345, %and3A_464] : memref<80x64xi32, #tpu.memory_space<vmem>>[vector<16xi32>, vector<16xi32>], vector<16xi32>,
        %bitcast3A_468 = vector.bitcast %gather3A_467 : vector<16xi32> to vector<32xbf16>
        %mul3A_469 = arith.mulf %bitcast3A_466, %bitcast3A_468 : vector<32xbf16>
        %unpack3A_470 = tpu.unpack_subelements %mul3A_469, 0 {pack_format = #tpu.pack_format<interleaved>} : vector<32xbf16> -> vector<16xf32>
        %unpack3A_471 = tpu.unpack_subelements %mul3A_469, 1 {pack_format = #tpu.pack_format<interleaved>} : vector<32xbf16> -> vector<16xf32>
        %add3A_472 = arith.addf %add3A_442, %unpack3A_470 : vector<16xf32>
        %add3A_473 = arith.addf %add3A_443, %unpack3A_471 : vector<16xf32>
        %add3A_474 = arith.constant 3 : i32
        %add3A_475 = vector.broadcast %add3A_474 : i32 to vector<16xi32>
        %add3A_476 = arith.addi %add3A_432, %add3A_475 : vector<16xi32>
        %and3A_477 = arith.constant 63 : i32
        %and3A_478 = vector.broadcast %and3A_477 : i32 to vector<16xi32>
        %and3A_479 = arith.andi %add3A_476, %and3A_478 : vector<16xi32>
        %gather3A_480 = tpu.vector_load_idx %arg10[%add3A_345, %and3A_479] : memref<80x64xi32, #tpu.memory_space<vmem>>[vector<16xi32>, vector<16xi32>], vector<16xi32>,
        %bitcast3A_481 = vector.bitcast %gather3A_480 : vector<16xi32> to vector<32xbf16>
        %gather3A_482 = tpu.vector_load_idx %arg12[%add3A_345, %and3A_479] : memref<80x64xi32, #tpu.memory_space<vmem>>[vector<16xi32>, vector<16xi32>], vector<16xi32>,
        %bitcast3A_483 = vector.bitcast %gather3A_482 : vector<16xi32> to vector<32xbf16>
        %mul3A_484 = arith.mulf %bitcast3A_481, %bitcast3A_483 : vector<32xbf16>
        %unpack3A_485 = tpu.unpack_subelements %mul3A_484, 0 {pack_format = #tpu.pack_format<interleaved>} : vector<32xbf16> -> vector<16xf32>
        %unpack3A_486 = tpu.unpack_subelements %mul3A_484, 1 {pack_format = #tpu.pack_format<interleaved>} : vector<32xbf16> -> vector<16xf32>
        %add3A_487 = arith.addf %add3A_457, %unpack3A_485 : vector<16xf32>
        %add3A_488 = arith.addf %add3A_458, %unpack3A_486 : vector<16xf32>
        scf.yield %add3A_472, %add3A_473, %add3A_487, %add3A_488 : vector<16xf32>, vector<16xf32>, vector<16xf32>, vector<16xf32>
      }
      %scan3A_353 = arith.constant 16 : i32
      %add3A_354 = arith.addf %scan3A_352#0, %scan3A_352#1 : vector<16xf32>
      %add3A_355 = arith.addf %scan3A_352#2, %scan3A_352#3 : vector<16xf32>
      %add3A_356 = arith.addf %add3A_354, %add3A_355 : vector<16xf32>
      %mul3A_357 = arith.constant 80 : i32
      %mul3A_358 = arith.muli %add3A_294, %mul3A_357 : i32
      %add3A_359 = arith.constant 16 : i32
      %add3A_360 = arith.addi %mul3A_358, %add3A_359 : i32
      %swap3A_361 = arith.index_cast %add3A_360 : i32 to index
      %swap3A_362 = tpu.vector_load %arg13[%swap3A_361] {strides = array<i32>} : memref<10000xf32, #tpu.memory_space<vmem>>, vector<16xf32>,
      tpu.vector_store %arg13[%swap3A_361], %add3A_356 {strides = array<i32>} : memref<10000xf32, #tpu.memory_space<vmem>>, vector<16xf32>,
      %add3A_363 = arith.constant 32 : i32
      %add3A_364 = vector.broadcast %add3A_363 : i32 to vector<16xi32>
      %add3A_365 = arith.addi %add3A_364, %iota3A : vector<16xi32>
      %broadcast_in_dim3A_366 = arith.constant 0.000000e+00 : f32
      %broadcast_in_dim3A_367 = vector.broadcast %broadcast_in_dim3A_366 : f32 to vector<16xf32>
      %scan3A_368 = arith.constant 0 : i32
      %scan3A_369 = arith.constant 16 : i32
      %scan3A_370 = arith.addi %scan3A_368, %scan3A_369 : i32
      %scan3A_371 = arith.constant 1 : i32
      %scan3A_372:4 = scf.for %scan3A_424 = %scan3A_368 to %scan3A_370 step %scan3A_371 iter_args(%scan3A_425 = %broadcast_in_dim3A_367, %scan3A_426 = %broadcast_in_dim3A_367, %scan3A_427 = %broadcast_in_dim3A_367, %scan3A_428 = %broadcast_in_dim3A_367) -> (vector<16xf32>, vector<16xf32>, vector<16xf32>, vector<16xf32>)  : i32 {
        %mul3A_429 = arith.constant 4 : i32
        %mul3A_430 = arith.muli %scan3A_424, %mul3A_429 : i32
        %add3A_431 = vector.broadcast %mul3A_430 : i32 to vector<16xi32>
        %add3A_432 = arith.addi %iota3A, %add3A_431 : vector<16xi32>
        %add3A_433 = arith.constant 0 : i32
        %add3A_434 = vector.broadcast %add3A_433 : i32 to vector<16xi32>
        %add3A_435 = arith.addi %add3A_432, %add3A_434 : vector<16xi32>
        %and3A = arith.constant 63 : i32
        %and3A_436 = vector.broadcast %and3A : i32 to vector<16xi32>
        %and3A_437 = arith.andi %add3A_435, %and3A_436 : vector<16xi32>
        %gather3A = tpu.vector_load_idx %arg10[%add3A_365, %and3A_437] : memref<80x64xi32, #tpu.memory_space<vmem>>[vector<16xi32>, vector<16xi32>], vector<16xi32>,
        %bitcast3A = vector.bitcast %gather3A : vector<16xi32> to vector<32xbf16>
        %gather3A_438 = tpu.vector_load_idx %arg12[%add3A_365, %and3A_437] : memref<80x64xi32, #tpu.memory_space<vmem>>[vector<16xi32>, vector<16xi32>], vector<16xi32>,
        %bitcast3A_439 = vector.bitcast %gather3A_438 : vector<16xi32> to vector<32xbf16>
        %mul3A_440 = arith.mulf %bitcast3A, %bitcast3A_439 : vector<32xbf16>
        %unpack3A = tpu.unpack_subelements %mul3A_440, 0 {pack_format = #tpu.pack_format<interleaved>} : vector<32xbf16> -> vector<16xf32>
        %unpack3A_441 = tpu.unpack_subelements %mul3A_440, 1 {pack_format = #tpu.pack_format<interleaved>} : vector<32xbf16> -> vector<16xf32>
        %add3A_442 = arith.addf %scan3A_425, %unpack3A : vector<16xf32>
        %add3A_443 = arith.addf %scan3A_426, %unpack3A_441 : vector<16xf32>
        %add3A_444 = arith.constant 1 : i32
        %add3A_445 = vector.broadcast %add3A_444 : i32 to vector<16xi32>
        %add3A_446 = arith.addi %add3A_432, %add3A_445 : vector<16xi32>
        %and3A_447 = arith.constant 63 : i32
        %and3A_448 = vector.broadcast %and3A_447 : i32 to vector<16xi32>
        %and3A_449 = arith.andi %add3A_446, %and3A_448 : vector<16xi32>
        %gather3A_450 = tpu.vector_load_idx %arg10[%add3A_365, %and3A_449] : memref<80x64xi32, #tpu.memory_space<vmem>>[vector<16xi32>, vector<16xi32>], vector<16xi32>,
        %bitcast3A_451 = vector.bitcast %gather3A_450 : vector<16xi32> to vector<32xbf16>
        %gather3A_452 = tpu.vector_load_idx %arg12[%add3A_365, %and3A_449] : memref<80x64xi32, #tpu.memory_space<vmem>>[vector<16xi32>, vector<16xi32>], vector<16xi32>,
        %bitcast3A_453 = vector.bitcast %gather3A_452 : vector<16xi32> to vector<32xbf16>
        %mul3A_454 = arith.mulf %bitcast3A_451, %bitcast3A_453 : vector<32xbf16>
        %unpack3A_455 = tpu.unpack_subelements %mul3A_454, 0 {pack_format = #tpu.pack_format<interleaved>} : vector<32xbf16> -> vector<16xf32>
        %unpack3A_456 = tpu.unpack_subelements %mul3A_454, 1 {pack_format = #tpu.pack_format<interleaved>} : vector<32xbf16> -> vector<16xf32>
        %add3A_457 = arith.addf %scan3A_427, %unpack3A_455 : vector<16xf32>
        %add3A_458 = arith.addf %scan3A_428, %unpack3A_456 : vector<16xf32>
        %add3A_459 = arith.constant 2 : i32
        %add3A_460 = vector.broadcast %add3A_459 : i32 to vector<16xi32>
        %add3A_461 = arith.addi %add3A_432, %add3A_460 : vector<16xi32>
        %and3A_462 = arith.constant 63 : i32
        %and3A_463 = vector.broadcast %and3A_462 : i32 to vector<16xi32>
        %and3A_464 = arith.andi %add3A_461, %and3A_463 : vector<16xi32>
        %gather3A_465 = tpu.vector_load_idx %arg10[%add3A_365, %and3A_464] : memref<80x64xi32, #tpu.memory_space<vmem>>[vector<16xi32>, vector<16xi32>], vector<16xi32>,
        %bitcast3A_466 = vector.bitcast %gather3A_465 : vector<16xi32> to vector<32xbf16>
        %gather3A_467 = tpu.vector_load_idx %arg12[%add3A_365, %and3A_464] : memref<80x64xi32, #tpu.memory_space<vmem>>[vector<16xi32>, vector<16xi32>], vector<16xi32>,
        %bitcast3A_468 = vector.bitcast %gather3A_467 : vector<16xi32> to vector<32xbf16>
        %mul3A_469 = arith.mulf %bitcast3A_466, %bitcast3A_468 : vector<32xbf16>
        %unpack3A_470 = tpu.unpack_subelements %mul3A_469, 0 {pack_format = #tpu.pack_format<interleaved>} : vector<32xbf16> -> vector<16xf32>
        %unpack3A_471 = tpu.unpack_subelements %mul3A_469, 1 {pack_format = #tpu.pack_format<interleaved>} : vector<32xbf16> -> vector<16xf32>
        %add3A_472 = arith.addf %add3A_442, %unpack3A_470 : vector<16xf32>
        %add3A_473 = arith.addf %add3A_443, %unpack3A_471 : vector<16xf32>
        %add3A_474 = arith.constant 3 : i32
        %add3A_475 = vector.broadcast %add3A_474 : i32 to vector<16xi32>
        %add3A_476 = arith.addi %add3A_432, %add3A_475 : vector<16xi32>
        %and3A_477 = arith.constant 63 : i32
        %and3A_478 = vector.broadcast %and3A_477 : i32 to vector<16xi32>
        %and3A_479 = arith.andi %add3A_476, %and3A_478 : vector<16xi32>
        %gather3A_480 = tpu.vector_load_idx %arg10[%add3A_365, %and3A_479] : memref<80x64xi32, #tpu.memory_space<vmem>>[vector<16xi32>, vector<16xi32>], vector<16xi32>,
        %bitcast3A_481 = vector.bitcast %gather3A_480 : vector<16xi32> to vector<32xbf16>
        %gather3A_482 = tpu.vector_load_idx %arg12[%add3A_365, %and3A_479] : memref<80x64xi32, #tpu.memory_space<vmem>>[vector<16xi32>, vector<16xi32>], vector<16xi32>,
        %bitcast3A_483 = vector.bitcast %gather3A_482 : vector<16xi32> to vector<32xbf16>
        %mul3A_484 = arith.mulf %bitcast3A_481, %bitcast3A_483 : vector<32xbf16>
        %unpack3A_485 = tpu.unpack_subelements %mul3A_484, 0 {pack_format = #tpu.pack_format<interleaved>} : vector<32xbf16> -> vector<16xf32>
        %unpack3A_486 = tpu.unpack_subelements %mul3A_484, 1 {pack_format = #tpu.pack_format<interleaved>} : vector<32xbf16> -> vector<16xf32>
        %add3A_487 = arith.addf %add3A_457, %unpack3A_485 : vector<16xf32>
        %add3A_488 = arith.addf %add3A_458, %unpack3A_486 : vector<16xf32>
        scf.yield %add3A_472, %add3A_473, %add3A_487, %add3A_488 : vector<16xf32>, vector<16xf32>, vector<16xf32>, vector<16xf32>
      }
      %scan3A_373 = arith.constant 16 : i32
      %add3A_374 = arith.addf %scan3A_372#0, %scan3A_372#1 : vector<16xf32>
      %add3A_375 = arith.addf %scan3A_372#2, %scan3A_372#3 : vector<16xf32>
      %add3A_376 = arith.addf %add3A_374, %add3A_375 : vector<16xf32>
      %mul3A_377 = arith.constant 80 : i32
      %mul3A_378 = arith.muli %add3A_294, %mul3A_377 : i32
      %add3A_379 = arith.constant 32 : i32
      %add3A_380 = arith.addi %mul3A_378, %add3A_379 : i32
      %swap3A_381 = arith.index_cast %add3A_380 : i32 to index
      %swap3A_382 = tpu.vector_load %arg13[%swap3A_381] {strides = array<i32>} : memref<10000xf32, #tpu.memory_space<vmem>>, vector<16xf32>,
      tpu.vector_store %arg13[%swap3A_381], %add3A_376 {strides = array<i32>} : memref<10000xf32, #tpu.memory_space<vmem>>, vector<16xf32>,
      %add3A_383 = arith.constant 48 : i32
      %add3A_384 = vector.broadcast %add3A_383 : i32 to vector<16xi32>
      %add3A_385 = arith.addi %add3A_384, %iota3A : vector<16xi32>
      %broadcast_in_dim3A_386 = arith.constant 0.000000e+00 : f32
      %broadcast_in_dim3A_387 = vector.broadcast %broadcast_in_dim3A_386 : f32 to vector<16xf32>
      %scan3A_388 = arith.constant 0 : i32
      %scan3A_389 = arith.constant 16 : i32
      %scan3A_390 = arith.addi %scan3A_388, %scan3A_389 : i32
      %scan3A_391 = arith.constant 1 : i32
      %scan3A_392:4 = scf.for %scan3A_424 = %scan3A_388 to %scan3A_390 step %scan3A_391 iter_args(%scan3A_425 = %broadcast_in_dim3A_387, %scan3A_426 = %broadcast_in_dim3A_387, %scan3A_427 = %broadcast_in_dim3A_387, %scan3A_428 = %broadcast_in_dim3A_387) -> (vector<16xf32>, vector<16xf32>, vector<16xf32>, vector<16xf32>)  : i32 {
        %mul3A_429 = arith.constant 4 : i32
        %mul3A_430 = arith.muli %scan3A_424, %mul3A_429 : i32
        %add3A_431 = vector.broadcast %mul3A_430 : i32 to vector<16xi32>
        %add3A_432 = arith.addi %iota3A, %add3A_431 : vector<16xi32>
        %add3A_433 = arith.constant 0 : i32
        %add3A_434 = vector.broadcast %add3A_433 : i32 to vector<16xi32>
        %add3A_435 = arith.addi %add3A_432, %add3A_434 : vector<16xi32>
        %and3A = arith.constant 63 : i32
        %and3A_436 = vector.broadcast %and3A : i32 to vector<16xi32>
        %and3A_437 = arith.andi %add3A_435, %and3A_436 : vector<16xi32>
        %gather3A = tpu.vector_load_idx %arg10[%add3A_385, %and3A_437] : memref<80x64xi32, #tpu.memory_space<vmem>>[vector<16xi32>, vector<16xi32>], vector<16xi32>,
        %bitcast3A = vector.bitcast %gather3A : vector<16xi32> to vector<32xbf16>
        %gather3A_438 = tpu.vector_load_idx %arg12[%add3A_385, %and3A_437] : memref<80x64xi32, #tpu.memory_space<vmem>>[vector<16xi32>, vector<16xi32>], vector<16xi32>,
        %bitcast3A_439 = vector.bitcast %gather3A_438 : vector<16xi32> to vector<32xbf16>
        %mul3A_440 = arith.mulf %bitcast3A, %bitcast3A_439 : vector<32xbf16>
        %unpack3A = tpu.unpack_subelements %mul3A_440, 0 {pack_format = #tpu.pack_format<interleaved>} : vector<32xbf16> -> vector<16xf32>
        %unpack3A_441 = tpu.unpack_subelements %mul3A_440, 1 {pack_format = #tpu.pack_format<interleaved>} : vector<32xbf16> -> vector<16xf32>
        %add3A_442 = arith.addf %scan3A_425, %unpack3A : vector<16xf32>
        %add3A_443 = arith.addf %scan3A_426, %unpack3A_441 : vector<16xf32>
        %add3A_444 = arith.constant 1 : i32
        %add3A_445 = vector.broadcast %add3A_444 : i32 to vector<16xi32>
        %add3A_446 = arith.addi %add3A_432, %add3A_445 : vector<16xi32>
        %and3A_447 = arith.constant 63 : i32
        %and3A_448 = vector.broadcast %and3A_447 : i32 to vector<16xi32>
        %and3A_449 = arith.andi %add3A_446, %and3A_448 : vector<16xi32>
        %gather3A_450 = tpu.vector_load_idx %arg10[%add3A_385, %and3A_449] : memref<80x64xi32, #tpu.memory_space<vmem>>[vector<16xi32>, vector<16xi32>], vector<16xi32>,
        %bitcast3A_451 = vector.bitcast %gather3A_450 : vector<16xi32> to vector<32xbf16>
        %gather3A_452 = tpu.vector_load_idx %arg12[%add3A_385, %and3A_449] : memref<80x64xi32, #tpu.memory_space<vmem>>[vector<16xi32>, vector<16xi32>], vector<16xi32>,
        %bitcast3A_453 = vector.bitcast %gather3A_452 : vector<16xi32> to vector<32xbf16>
        %mul3A_454 = arith.mulf %bitcast3A_451, %bitcast3A_453 : vector<32xbf16>
        %unpack3A_455 = tpu.unpack_subelements %mul3A_454, 0 {pack_format = #tpu.pack_format<interleaved>} : vector<32xbf16> -> vector<16xf32>
        %unpack3A_456 = tpu.unpack_subelements %mul3A_454, 1 {pack_format = #tpu.pack_format<interleaved>} : vector<32xbf16> -> vector<16xf32>
        %add3A_457 = arith.addf %scan3A_427, %unpack3A_455 : vector<16xf32>
        %add3A_458 = arith.addf %scan3A_428, %unpack3A_456 : vector<16xf32>
        %add3A_459 = arith.constant 2 : i32
        %add3A_460 = vector.broadcast %add3A_459 : i32 to vector<16xi32>
        %add3A_461 = arith.addi %add3A_432, %add3A_460 : vector<16xi32>
        %and3A_462 = arith.constant 63 : i32
        %and3A_463 = vector.broadcast %and3A_462 : i32 to vector<16xi32>
        %and3A_464 = arith.andi %add3A_461, %and3A_463 : vector<16xi32>
        %gather3A_465 = tpu.vector_load_idx %arg10[%add3A_385, %and3A_464] : memref<80x64xi32, #tpu.memory_space<vmem>>[vector<16xi32>, vector<16xi32>], vector<16xi32>,
        %bitcast3A_466 = vector.bitcast %gather3A_465 : vector<16xi32> to vector<32xbf16>
        %gather3A_467 = tpu.vector_load_idx %arg12[%add3A_385, %and3A_464] : memref<80x64xi32, #tpu.memory_space<vmem>>[vector<16xi32>, vector<16xi32>], vector<16xi32>,
        %bitcast3A_468 = vector.bitcast %gather3A_467 : vector<16xi32> to vector<32xbf16>
        %mul3A_469 = arith.mulf %bitcast3A_466, %bitcast3A_468 : vector<32xbf16>
        %unpack3A_470 = tpu.unpack_subelements %mul3A_469, 0 {pack_format = #tpu.pack_format<interleaved>} : vector<32xbf16> -> vector<16xf32>
        %unpack3A_471 = tpu.unpack_subelements %mul3A_469, 1 {pack_format = #tpu.pack_format<interleaved>} : vector<32xbf16> -> vector<16xf32>
        %add3A_472 = arith.addf %add3A_442, %unpack3A_470 : vector<16xf32>
        %add3A_473 = arith.addf %add3A_443, %unpack3A_471 : vector<16xf32>
        %add3A_474 = arith.constant 3 : i32
        %add3A_475 = vector.broadcast %add3A_474 : i32 to vector<16xi32>
        %add3A_476 = arith.addi %add3A_432, %add3A_475 : vector<16xi32>
        %and3A_477 = arith.constant 63 : i32
        %and3A_478 = vector.broadcast %and3A_477 : i32 to vector<16xi32>
        %and3A_479 = arith.andi %add3A_476, %and3A_478 : vector<16xi32>
        %gather3A_480 = tpu.vector_load_idx %arg10[%add3A_385, %and3A_479] : memref<80x64xi32, #tpu.memory_space<vmem>>[vector<16xi32>, vector<16xi32>], vector<16xi32>,
        %bitcast3A_481 = vector.bitcast %gather3A_480 : vector<16xi32> to vector<32xbf16>
        %gather3A_482 = tpu.vector_load_idx %arg12[%add3A_385, %and3A_479] : memref<80x64xi32, #tpu.memory_space<vmem>>[vector<16xi32>, vector<16xi32>], vector<16xi32>,
        %bitcast3A_483 = vector.bitcast %gather3A_482 : vector<16xi32> to vector<32xbf16>
        %mul3A_484 = arith.mulf %bitcast3A_481, %bitcast3A_483 : vector<32xbf16>
        %unpack3A_485 = tpu.unpack_subelements %mul3A_484, 0 {pack_format = #tpu.pack_format<interleaved>} : vector<32xbf16> -> vector<16xf32>
        %unpack3A_486 = tpu.unpack_subelements %mul3A_484, 1 {pack_format = #tpu.pack_format<interleaved>} : vector<32xbf16> -> vector<16xf32>
        %add3A_487 = arith.addf %add3A_457, %unpack3A_485 : vector<16xf32>
        %add3A_488 = arith.addf %add3A_458, %unpack3A_486 : vector<16xf32>
        scf.yield %add3A_472, %add3A_473, %add3A_487, %add3A_488 : vector<16xf32>, vector<16xf32>, vector<16xf32>, vector<16xf32>
      }
      %scan3A_393 = arith.constant 16 : i32
      %add3A_394 = arith.addf %scan3A_392#0, %scan3A_392#1 : vector<16xf32>
      %add3A_395 = arith.addf %scan3A_392#2, %scan3A_392#3 : vector<16xf32>
      %add3A_396 = arith.addf %add3A_394, %add3A_395 : vector<16xf32>
      %mul3A_397 = arith.constant 80 : i32
      %mul3A_398 = arith.muli %add3A_294, %mul3A_397 : i32
      %add3A_399 = arith.constant 48 : i32
      %add3A_400 = arith.addi %mul3A_398, %add3A_399 : i32
      %swap3A_401 = arith.index_cast %add3A_400 : i32 to index
      %swap3A_402 = tpu.vector_load %arg13[%swap3A_401] {strides = array<i32>} : memref<10000xf32, #tpu.memory_space<vmem>>, vector<16xf32>,
      tpu.vector_store %arg13[%swap3A_401], %add3A_396 {strides = array<i32>} : memref<10000xf32, #tpu.memory_space<vmem>>, vector<16xf32>,
      %add3A_403 = arith.constant 64 : i32
      %add3A_404 = vector.broadcast %add3A_403 : i32 to vector<16xi32>
      %add3A_405 = arith.addi %add3A_404, %iota3A : vector<16xi32>
      %broadcast_in_dim3A_406 = arith.constant 0.000000e+00 : f32
      %broadcast_in_dim3A_407 = vector.broadcast %broadcast_in_dim3A_406 : f32 to vector<16xf32>
      %scan3A_408 = arith.constant 0 : i32
      %scan3A_409 = arith.constant 16 : i32
      %scan3A_410 = arith.addi %scan3A_408, %scan3A_409 : i32
      %scan3A_411 = arith.constant 1 : i32
      %scan3A_412:4 = scf.for %scan3A_424 = %scan3A_408 to %scan3A_410 step %scan3A_411 iter_args(%scan3A_425 = %broadcast_in_dim3A_407, %scan3A_426 = %broadcast_in_dim3A_407, %scan3A_427 = %broadcast_in_dim3A_407, %scan3A_428 = %broadcast_in_dim3A_407) -> (vector<16xf32>, vector<16xf32>, vector<16xf32>, vector<16xf32>)  : i32 {
        %mul3A_429 = arith.constant 4 : i32
        %mul3A_430 = arith.muli %scan3A_424, %mul3A_429 : i32
        %add3A_431 = vector.broadcast %mul3A_430 : i32 to vector<16xi32>
        %add3A_432 = arith.addi %iota3A, %add3A_431 : vector<16xi32>
        %add3A_433 = arith.constant 0 : i32
        %add3A_434 = vector.broadcast %add3A_433 : i32 to vector<16xi32>
        %add3A_435 = arith.addi %add3A_432, %add3A_434 : vector<16xi32>
        %and3A = arith.constant 63 : i32
        %and3A_436 = vector.broadcast %and3A : i32 to vector<16xi32>
        %and3A_437 = arith.andi %add3A_435, %and3A_436 : vector<16xi32>
        %gather3A = tpu.vector_load_idx %arg10[%add3A_405, %and3A_437] : memref<80x64xi32, #tpu.memory_space<vmem>>[vector<16xi32>, vector<16xi32>], vector<16xi32>,
        %bitcast3A = vector.bitcast %gather3A : vector<16xi32> to vector<32xbf16>
        %gather3A_438 = tpu.vector_load_idx %arg12[%add3A_405, %and3A_437] : memref<80x64xi32, #tpu.memory_space<vmem>>[vector<16xi32>, vector<16xi32>], vector<16xi32>,
        %bitcast3A_439 = vector.bitcast %gather3A_438 : vector<16xi32> to vector<32xbf16>
        %mul3A_440 = arith.mulf %bitcast3A, %bitcast3A_439 : vector<32xbf16>
        %unpack3A = tpu.unpack_subelements %mul3A_440, 0 {pack_format = #tpu.pack_format<interleaved>} : vector<32xbf16> -> vector<16xf32>
        %unpack3A_441 = tpu.unpack_subelements %mul3A_440, 1 {pack_format = #tpu.pack_format<interleaved>} : vector<32xbf16> -> vector<16xf32>
        %add3A_442 = arith.addf %scan3A_425, %unpack3A : vector<16xf32>
        %add3A_443 = arith.addf %scan3A_426, %unpack3A_441 : vector<16xf32>
        %add3A_444 = arith.constant 1 : i32
        %add3A_445 = vector.broadcast %add3A_444 : i32 to vector<16xi32>
        %add3A_446 = arith.addi %add3A_432, %add3A_445 : vector<16xi32>
        %and3A_447 = arith.constant 63 : i32
        %and3A_448 = vector.broadcast %and3A_447 : i32 to vector<16xi32>
        %and3A_449 = arith.andi %add3A_446, %and3A_448 : vector<16xi32>
        %gather3A_450 = tpu.vector_load_idx %arg10[%add3A_405, %and3A_449] : memref<80x64xi32, #tpu.memory_space<vmem>>[vector<16xi32>, vector<16xi32>], vector<16xi32>,
        %bitcast3A_451 = vector.bitcast %gather3A_450 : vector<16xi32> to vector<32xbf16>
        %gather3A_452 = tpu.vector_load_idx %arg12[%add3A_405, %and3A_449] : memref<80x64xi32, #tpu.memory_space<vmem>>[vector<16xi32>, vector<16xi32>], vector<16xi32>,
        %bitcast3A_453 = vector.bitcast %gather3A_452 : vector<16xi32> to vector<32xbf16>
        %mul3A_454 = arith.mulf %bitcast3A_451, %bitcast3A_453 : vector<32xbf16>
        %unpack3A_455 = tpu.unpack_subelements %mul3A_454, 0 {pack_format = #tpu.pack_format<interleaved>} : vector<32xbf16> -> vector<16xf32>
        %unpack3A_456 = tpu.unpack_subelements %mul3A_454, 1 {pack_format = #tpu.pack_format<interleaved>} : vector<32xbf16> -> vector<16xf32>
        %add3A_457 = arith.addf %scan3A_427, %unpack3A_455 : vector<16xf32>
        %add3A_458 = arith.addf %scan3A_428, %unpack3A_456 : vector<16xf32>
        %add3A_459 = arith.constant 2 : i32
        %add3A_460 = vector.broadcast %add3A_459 : i32 to vector<16xi32>
        %add3A_461 = arith.addi %add3A_432, %add3A_460 : vector<16xi32>
        %and3A_462 = arith.constant 63 : i32
        %and3A_463 = vector.broadcast %and3A_462 : i32 to vector<16xi32>
        %and3A_464 = arith.andi %add3A_461, %and3A_463 : vector<16xi32>
        %gather3A_465 = tpu.vector_load_idx %arg10[%add3A_405, %and3A_464] : memref<80x64xi32, #tpu.memory_space<vmem>>[vector<16xi32>, vector<16xi32>], vector<16xi32>,
        %bitcast3A_466 = vector.bitcast %gather3A_465 : vector<16xi32> to vector<32xbf16>
        %gather3A_467 = tpu.vector_load_idx %arg12[%add3A_405, %and3A_464] : memref<80x64xi32, #tpu.memory_space<vmem>>[vector<16xi32>, vector<16xi32>], vector<16xi32>,
        %bitcast3A_468 = vector.bitcast %gather3A_467 : vector<16xi32> to vector<32xbf16>
        %mul3A_469 = arith.mulf %bitcast3A_466, %bitcast3A_468 : vector<32xbf16>
        %unpack3A_470 = tpu.unpack_subelements %mul3A_469, 0 {pack_format = #tpu.pack_format<interleaved>} : vector<32xbf16> -> vector<16xf32>
        %unpack3A_471 = tpu.unpack_subelements %mul3A_469, 1 {pack_format = #tpu.pack_format<interleaved>} : vector<32xbf16> -> vector<16xf32>
        %add3A_472 = arith.addf %add3A_442, %unpack3A_470 : vector<16xf32>
        %add3A_473 = arith.addf %add3A_443, %unpack3A_471 : vector<16xf32>
        %add3A_474 = arith.constant 3 : i32
        %add3A_475 = vector.broadcast %add3A_474 : i32 to vector<16xi32>
        %add3A_476 = arith.addi %add3A_432, %add3A_475 : vector<16xi32>
        %and3A_477 = arith.constant 63 : i32
        %and3A_478 = vector.broadcast %and3A_477 : i32 to vector<16xi32>
        %and3A_479 = arith.andi %add3A_476, %and3A_478 : vector<16xi32>
        %gather3A_480 = tpu.vector_load_idx %arg10[%add3A_405, %and3A_479] : memref<80x64xi32, #tpu.memory_space<vmem>>[vector<16xi32>, vector<16xi32>], vector<16xi32>,
        %bitcast3A_481 = vector.bitcast %gather3A_480 : vector<16xi32> to vector<32xbf16>
        %gather3A_482 = tpu.vector_load_idx %arg12[%add3A_405, %and3A_479] : memref<80x64xi32, #tpu.memory_space<vmem>>[vector<16xi32>, vector<16xi32>], vector<16xi32>,
        %bitcast3A_483 = vector.bitcast %gather3A_482 : vector<16xi32> to vector<32xbf16>
        %mul3A_484 = arith.mulf %bitcast3A_481, %bitcast3A_483 : vector<32xbf16>
        %unpack3A_485 = tpu.unpack_subelements %mul3A_484, 0 {pack_format = #tpu.pack_format<interleaved>} : vector<32xbf16> -> vector<16xf32>
        %unpack3A_486 = tpu.unpack_subelements %mul3A_484, 1 {pack_format = #tpu.pack_format<interleaved>} : vector<32xbf16> -> vector<16xf32>
        %add3A_487 = arith.addf %add3A_457, %unpack3A_485 : vector<16xf32>
        %add3A_488 = arith.addf %add3A_458, %unpack3A_486 : vector<16xf32>
        scf.yield %add3A_472, %add3A_473, %add3A_487, %add3A_488 : vector<16xf32>, vector<16xf32>, vector<16xf32>, vector<16xf32>
      }
      %scan3A_413 = arith.constant 16 : i32
      %add3A_414 = arith.addf %scan3A_412#0, %scan3A_412#1 : vector<16xf32>
      %add3A_415 = arith.addf %scan3A_412#2, %scan3A_412#3 : vector<16xf32>
      %add3A_416 = arith.addf %add3A_414, %add3A_415 : vector<16xf32>
      %mul3A_417 = arith.constant 80 : i32
      %mul3A_418 = arith.muli %add3A_294, %mul3A_417 : i32
      %add3A_419 = arith.constant 64 : i32
      %add3A_420 = arith.addi %mul3A_418, %add3A_419 : i32
      %swap3A_421 = arith.index_cast %add3A_420 : i32 to index
      %swap3A_422 = tpu.vector_load %arg13[%swap3A_421] {strides = array<i32>} : memref<10000xf32, #tpu.memory_space<vmem>>, vector<16xf32>,
      tpu.vector_store %arg13[%swap3A_421], %add3A_416 {strides = array<i32>} : memref<10000xf32, #tpu.memory_space<vmem>>, vector<16xf32>,
      %scan3A_423 = arith.constant 0 : i32
      scf.yield %scan3A_423 : i32
    }
    %scan3A_62 = arith.constant 62 : i32
    %dma_wait3A_63 = arith.constant 0 : i32
    %dma_wait3A_64 = arith.constant 0 : i32
    %dma_wait3A_65 = tpu.memref_slice %arg6[%dma_wait3A_63, %dma_wait3A_64] : memref<125x80xi32, #tpu.memory_space<vmem>> -> memref<1x80xi32, #tpu.memory_space<vmem>>
    %dma_wait3A_66 = tpu.memref_squeeze %dma_wait3A_65 : memref<1x80xi32, #tpu.memory_space<vmem>> -> memref<80xi32, #tpu.memory_space<vmem>>
    %dma_wait3A_67 = arith.constant 0 : i32
    %dma_wait3A_68 = arith.constant 0 : i32
    %dma_wait3A_69 = tpu.memref_slice %arg8[%dma_wait3A_67, %dma_wait3A_68] : memref<10000x64xi32, #tpu.memory_space<vmem_shared>> -> memref<10000x64xi32, #tpu.memory_space<vmem_shared>>
    tpu.wait_indirect_dma semaphore(%arg14 : memref<!tpu.dma_semaphore, #tpu.memory_space<semaphore_mem>>) src(%dma_wait3A_69 : memref<10000x64xi32, #tpu.memory_space<vmem_shared>>) dst(%arg9 : memref<80x64xi32, #tpu.memory_space<vmem>>)
    %dma_wait3A_70 = arith.constant 0 : i32
    %dma_wait3A_71 = arith.constant 0 : i32
    %dma_wait3A_72 = tpu.memref_slice %arg7[%dma_wait3A_70, %dma_wait3A_71] : memref<125x80xi32, #tpu.memory_space<vmem>> -> memref<1x80xi32, #tpu.memory_space<vmem>>
    %dma_wait3A_73 = tpu.memref_squeeze %dma_wait3A_72 : memref<1x80xi32, #tpu.memory_space<vmem>> -> memref<80xi32, #tpu.memory_space<vmem>>
    %dma_wait3A_74 = arith.constant 0 : i32
    %dma_wait3A_75 = arith.constant 0 : i32
    %dma_wait3A_76 = tpu.memref_slice %arg8[%dma_wait3A_74, %dma_wait3A_75] : memref<10000x64xi32, #tpu.memory_space<vmem_shared>> -> memref<10000x64xi32, #tpu.memory_space<vmem_shared>>
    tpu.wait_indirect_dma semaphore(%arg16 : memref<!tpu.dma_semaphore, #tpu.memory_space<semaphore_mem>>) src(%dma_wait3A_76 : memref<10000x64xi32, #tpu.memory_space<vmem_shared>>) dst(%arg11 : memref<80x64xi32, #tpu.memory_space<vmem>>)
    %add3A_77 = arith.constant 0 : i32
    %add3A_78 = vector.broadcast %add3A_77 : i32 to vector<16xi32>
    %add3A_79 = arith.addi %add3A_78, %iota3A : vector<16xi32>
    %broadcast_in_dim3A = arith.constant 0.000000e+00 : f32
    %broadcast_in_dim3A_80 = vector.broadcast %broadcast_in_dim3A : f32 to vector<16xf32>
    %scan3A_81 = arith.constant 0 : i32
    %scan3A_82 = arith.constant 16 : i32
    %scan3A_83 = arith.addi %scan3A_81, %scan3A_82 : i32
    %scan3A_84 = arith.constant 1 : i32
    %scan3A_85:4 = scf.for %scan3A_157 = %scan3A_81 to %scan3A_83 step %scan3A_84 iter_args(%scan3A_158 = %broadcast_in_dim3A_80, %scan3A_159 = %broadcast_in_dim3A_80, %scan3A_160 = %broadcast_in_dim3A_80, %scan3A_161 = %broadcast_in_dim3A_80) -> (vector<16xf32>, vector<16xf32>, vector<16xf32>, vector<16xf32>)  : i32 {
      %mul3A_162 = arith.constant 4 : i32
      %mul3A_163 = arith.muli %scan3A_157, %mul3A_162 : i32
      %add3A_164 = vector.broadcast %mul3A_163 : i32 to vector<16xi32>
      %add3A_165 = arith.addi %iota3A, %add3A_164 : vector<16xi32>
      %add3A_166 = arith.constant 0 : i32
      %add3A_167 = vector.broadcast %add3A_166 : i32 to vector<16xi32>
      %add3A_168 = arith.addi %add3A_165, %add3A_167 : vector<16xi32>
      %and3A = arith.constant 63 : i32
      %and3A_169 = vector.broadcast %and3A : i32 to vector<16xi32>
      %and3A_170 = arith.andi %add3A_168, %and3A_169 : vector<16xi32>
      %gather3A = tpu.vector_load_idx %arg9[%add3A_79, %and3A_170] : memref<80x64xi32, #tpu.memory_space<vmem>>[vector<16xi32>, vector<16xi32>], vector<16xi32>,
      %bitcast3A = vector.bitcast %gather3A : vector<16xi32> to vector<32xbf16>
      %gather3A_171 = tpu.vector_load_idx %arg11[%add3A_79, %and3A_170] : memref<80x64xi32, #tpu.memory_space<vmem>>[vector<16xi32>, vector<16xi32>], vector<16xi32>,
      %bitcast3A_172 = vector.bitcast %gather3A_171 : vector<16xi32> to vector<32xbf16>
      %mul3A_173 = arith.mulf %bitcast3A, %bitcast3A_172 : vector<32xbf16>
      %unpack3A = tpu.unpack_subelements %mul3A_173, 0 {pack_format = #tpu.pack_format<interleaved>} : vector<32xbf16> -> vector<16xf32>
      %unpack3A_174 = tpu.unpack_subelements %mul3A_173, 1 {pack_format = #tpu.pack_format<interleaved>} : vector<32xbf16> -> vector<16xf32>
      %add3A_175 = arith.addf %scan3A_158, %unpack3A : vector<16xf32>
      %add3A_176 = arith.addf %scan3A_159, %unpack3A_174 : vector<16xf32>
      %add3A_177 = arith.constant 1 : i32
      %add3A_178 = vector.broadcast %add3A_177 : i32 to vector<16xi32>
      %add3A_179 = arith.addi %add3A_165, %add3A_178 : vector<16xi32>
      %and3A_180 = arith.constant 63 : i32
      %and3A_181 = vector.broadcast %and3A_180 : i32 to vector<16xi32>
      %and3A_182 = arith.andi %add3A_179, %and3A_181 : vector<16xi32>
      %gather3A_183 = tpu.vector_load_idx %arg9[%add3A_79, %and3A_182] : memref<80x64xi32, #tpu.memory_space<vmem>>[vector<16xi32>, vector<16xi32>], vector<16xi32>,
      %bitcast3A_184 = vector.bitcast %gather3A_183 : vector<16xi32> to vector<32xbf16>
      %gather3A_185 = tpu.vector_load_idx %arg11[%add3A_79, %and3A_182] : memref<80x64xi32, #tpu.memory_space<vmem>>[vector<16xi32>, vector<16xi32>], vector<16xi32>,
      %bitcast3A_186 = vector.bitcast %gather3A_185 : vector<16xi32> to vector<32xbf16>
      %mul3A_187 = arith.mulf %bitcast3A_184, %bitcast3A_186 : vector<32xbf16>
      %unpack3A_188 = tpu.unpack_subelements %mul3A_187, 0 {pack_format = #tpu.pack_format<interleaved>} : vector<32xbf16> -> vector<16xf32>
      %unpack3A_189 = tpu.unpack_subelements %mul3A_187, 1 {pack_format = #tpu.pack_format<interleaved>} : vector<32xbf16> -> vector<16xf32>
      %add3A_190 = arith.addf %scan3A_160, %unpack3A_188 : vector<16xf32>
      %add3A_191 = arith.addf %scan3A_161, %unpack3A_189 : vector<16xf32>
      %add3A_192 = arith.constant 2 : i32
      %add3A_193 = vector.broadcast %add3A_192 : i32 to vector<16xi32>
      %add3A_194 = arith.addi %add3A_165, %add3A_193 : vector<16xi32>
      %and3A_195 = arith.constant 63 : i32
      %and3A_196 = vector.broadcast %and3A_195 : i32 to vector<16xi32>
      %and3A_197 = arith.andi %add3A_194, %and3A_196 : vector<16xi32>
      %gather3A_198 = tpu.vector_load_idx %arg9[%add3A_79, %and3A_197] : memref<80x64xi32, #tpu.memory_space<vmem>>[vector<16xi32>, vector<16xi32>], vector<16xi32>,
      %bitcast3A_199 = vector.bitcast %gather3A_198 : vector<16xi32> to vector<32xbf16>
      %gather3A_200 = tpu.vector_load_idx %arg11[%add3A_79, %and3A_197] : memref<80x64xi32, #tpu.memory_space<vmem>>[vector<16xi32>, vector<16xi32>], vector<16xi32>,
      %bitcast3A_201 = vector.bitcast %gather3A_200 : vector<16xi32> to vector<32xbf16>
      %mul3A_202 = arith.mulf %bitcast3A_199, %bitcast3A_201 : vector<32xbf16>
      %unpack3A_203 = tpu.unpack_subelements %mul3A_202, 0 {pack_format = #tpu.pack_format<interleaved>} : vector<32xbf16> -> vector<16xf32>
      %unpack3A_204 = tpu.unpack_subelements %mul3A_202, 1 {pack_format = #tpu.pack_format<interleaved>} : vector<32xbf16> -> vector<16xf32>
      %add3A_205 = arith.addf %add3A_175, %unpack3A_203 : vector<16xf32>
      %add3A_206 = arith.addf %add3A_176, %unpack3A_204 : vector<16xf32>
      %add3A_207 = arith.constant 3 : i32
      %add3A_208 = vector.broadcast %add3A_207 : i32 to vector<16xi32>
      %add3A_209 = arith.addi %add3A_165, %add3A_208 : vector<16xi32>
      %and3A_210 = arith.constant 63 : i32
      %and3A_211 = vector.broadcast %and3A_210 : i32 to vector<16xi32>
      %and3A_212 = arith.andi %add3A_209, %and3A_211 : vector<16xi32>
      %gather3A_213 = tpu.vector_load_idx %arg9[%add3A_79, %and3A_212] : memref<80x64xi32, #tpu.memory_space<vmem>>[vector<16xi32>, vector<16xi32>], vector<16xi32>,
      %bitcast3A_214 = vector.bitcast %gather3A_213 : vector<16xi32> to vector<32xbf16>
      %gather3A_215 = tpu.vector_load_idx %arg11[%add3A_79, %and3A_212] : memref<80x64xi32, #tpu.memory_space<vmem>>[vector<16xi32>, vector<16xi32>], vector<16xi32>,
      %bitcast3A_216 = vector.bitcast %gather3A_215 : vector<16xi32> to vector<32xbf16>
      %mul3A_217 = arith.mulf %bitcast3A_214, %bitcast3A_216 : vector<32xbf16>
      %unpack3A_218 = tpu.unpack_subelements %mul3A_217, 0 {pack_format = #tpu.pack_format<interleaved>} : vector<32xbf16> -> vector<16xf32>
      %unpack3A_219 = tpu.unpack_subelements %mul3A_217, 1 {pack_format = #tpu.pack_format<interleaved>} : vector<32xbf16> -> vector<16xf32>
      %add3A_220 = arith.addf %add3A_190, %unpack3A_218 : vector<16xf32>
      %add3A_221 = arith.addf %add3A_191, %unpack3A_219 : vector<16xf32>
      scf.yield %add3A_205, %add3A_206, %add3A_220, %add3A_221 : vector<16xf32>, vector<16xf32>, vector<16xf32>, vector<16xf32>
    }
    %scan3A_86 = arith.constant 16 : i32
    %add3A_87 = arith.addf %scan3A_85#0, %scan3A_85#1 : vector<16xf32>
    %add3A_88 = arith.addf %scan3A_85#2, %scan3A_85#3 : vector<16xf32>
    %add3A_89 = arith.addf %add3A_87, %add3A_88 : vector<16xf32>
    %swap3A = arith.constant 9920 : index
    %swap3A_90 = tpu.vector_load %arg13[%swap3A] {strides = array<i32>} : memref<10000xf32, #tpu.memory_space<vmem>>, vector<16xf32>,
    tpu.vector_store %arg13[%swap3A], %add3A_89 {strides = array<i32>} : memref<10000xf32, #tpu.memory_space<vmem>>, vector<16xf32>,
    %add3A_91 = arith.constant 16 : i32
    %add3A_92 = vector.broadcast %add3A_91 : i32 to vector<16xi32>
    %add3A_93 = arith.addi %add3A_92, %iota3A : vector<16xi32>
    %broadcast_in_dim3A_94 = arith.constant 0.000000e+00 : f32
    %broadcast_in_dim3A_95 = vector.broadcast %broadcast_in_dim3A_94 : f32 to vector<16xf32>
    %scan3A_96 = arith.constant 0 : i32
    %scan3A_97 = arith.constant 16 : i32
    %scan3A_98 = arith.addi %scan3A_96, %scan3A_97 : i32
    %scan3A_99 = arith.constant 1 : i32
    %scan3A_100:4 = scf.for %scan3A_157 = %scan3A_96 to %scan3A_98 step %scan3A_99 iter_args(%scan3A_158 = %broadcast_in_dim3A_95, %scan3A_159 = %broadcast_in_dim3A_95, %scan3A_160 = %broadcast_in_dim3A_95, %scan3A_161 = %broadcast_in_dim3A_95) -> (vector<16xf32>, vector<16xf32>, vector<16xf32>, vector<16xf32>)  : i32 {
      %mul3A_162 = arith.constant 4 : i32
      %mul3A_163 = arith.muli %scan3A_157, %mul3A_162 : i32
      %add3A_164 = vector.broadcast %mul3A_163 : i32 to vector<16xi32>
      %add3A_165 = arith.addi %iota3A, %add3A_164 : vector<16xi32>
      %add3A_166 = arith.constant 0 : i32
      %add3A_167 = vector.broadcast %add3A_166 : i32 to vector<16xi32>
      %add3A_168 = arith.addi %add3A_165, %add3A_167 : vector<16xi32>
      %and3A = arith.constant 63 : i32
      %and3A_169 = vector.broadcast %and3A : i32 to vector<16xi32>
      %and3A_170 = arith.andi %add3A_168, %and3A_169 : vector<16xi32>
      %gather3A = tpu.vector_load_idx %arg9[%add3A_93, %and3A_170] : memref<80x64xi32, #tpu.memory_space<vmem>>[vector<16xi32>, vector<16xi32>], vector<16xi32>,
      %bitcast3A = vector.bitcast %gather3A : vector<16xi32> to vector<32xbf16>
      %gather3A_171 = tpu.vector_load_idx %arg11[%add3A_93, %and3A_170] : memref<80x64xi32, #tpu.memory_space<vmem>>[vector<16xi32>, vector<16xi32>], vector<16xi32>,
      %bitcast3A_172 = vector.bitcast %gather3A_171 : vector<16xi32> to vector<32xbf16>
      %mul3A_173 = arith.mulf %bitcast3A, %bitcast3A_172 : vector<32xbf16>
      %unpack3A = tpu.unpack_subelements %mul3A_173, 0 {pack_format = #tpu.pack_format<interleaved>} : vector<32xbf16> -> vector<16xf32>
      %unpack3A_174 = tpu.unpack_subelements %mul3A_173, 1 {pack_format = #tpu.pack_format<interleaved>} : vector<32xbf16> -> vector<16xf32>
      %add3A_175 = arith.addf %scan3A_158, %unpack3A : vector<16xf32>
      %add3A_176 = arith.addf %scan3A_159, %unpack3A_174 : vector<16xf32>
      %add3A_177 = arith.constant 1 : i32
      %add3A_178 = vector.broadcast %add3A_177 : i32 to vector<16xi32>
      %add3A_179 = arith.addi %add3A_165, %add3A_178 : vector<16xi32>
      %and3A_180 = arith.constant 63 : i32
      %and3A_181 = vector.broadcast %and3A_180 : i32 to vector<16xi32>
      %and3A_182 = arith.andi %add3A_179, %and3A_181 : vector<16xi32>
      %gather3A_183 = tpu.vector_load_idx %arg9[%add3A_93, %and3A_182] : memref<80x64xi32, #tpu.memory_space<vmem>>[vector<16xi32>, vector<16xi32>], vector<16xi32>,
      %bitcast3A_184 = vector.bitcast %gather3A_183 : vector<16xi32> to vector<32xbf16>
      %gather3A_185 = tpu.vector_load_idx %arg11[%add3A_93, %and3A_182] : memref<80x64xi32, #tpu.memory_space<vmem>>[vector<16xi32>, vector<16xi32>], vector<16xi32>,
      %bitcast3A_186 = vector.bitcast %gather3A_185 : vector<16xi32> to vector<32xbf16>
      %mul3A_187 = arith.mulf %bitcast3A_184, %bitcast3A_186 : vector<32xbf16>
      %unpack3A_188 = tpu.unpack_subelements %mul3A_187, 0 {pack_format = #tpu.pack_format<interleaved>} : vector<32xbf16> -> vector<16xf32>
      %unpack3A_189 = tpu.unpack_subelements %mul3A_187, 1 {pack_format = #tpu.pack_format<interleaved>} : vector<32xbf16> -> vector<16xf32>
      %add3A_190 = arith.addf %scan3A_160, %unpack3A_188 : vector<16xf32>
      %add3A_191 = arith.addf %scan3A_161, %unpack3A_189 : vector<16xf32>
      %add3A_192 = arith.constant 2 : i32
      %add3A_193 = vector.broadcast %add3A_192 : i32 to vector<16xi32>
      %add3A_194 = arith.addi %add3A_165, %add3A_193 : vector<16xi32>
      %and3A_195 = arith.constant 63 : i32
      %and3A_196 = vector.broadcast %and3A_195 : i32 to vector<16xi32>
      %and3A_197 = arith.andi %add3A_194, %and3A_196 : vector<16xi32>
      %gather3A_198 = tpu.vector_load_idx %arg9[%add3A_93, %and3A_197] : memref<80x64xi32, #tpu.memory_space<vmem>>[vector<16xi32>, vector<16xi32>], vector<16xi32>,
      %bitcast3A_199 = vector.bitcast %gather3A_198 : vector<16xi32> to vector<32xbf16>
      %gather3A_200 = tpu.vector_load_idx %arg11[%add3A_93, %and3A_197] : memref<80x64xi32, #tpu.memory_space<vmem>>[vector<16xi32>, vector<16xi32>], vector<16xi32>,
      %bitcast3A_201 = vector.bitcast %gather3A_200 : vector<16xi32> to vector<32xbf16>
      %mul3A_202 = arith.mulf %bitcast3A_199, %bitcast3A_201 : vector<32xbf16>
      %unpack3A_203 = tpu.unpack_subelements %mul3A_202, 0 {pack_format = #tpu.pack_format<interleaved>} : vector<32xbf16> -> vector<16xf32>
      %unpack3A_204 = tpu.unpack_subelements %mul3A_202, 1 {pack_format = #tpu.pack_format<interleaved>} : vector<32xbf16> -> vector<16xf32>
      %add3A_205 = arith.addf %add3A_175, %unpack3A_203 : vector<16xf32>
      %add3A_206 = arith.addf %add3A_176, %unpack3A_204 : vector<16xf32>
      %add3A_207 = arith.constant 3 : i32
      %add3A_208 = vector.broadcast %add3A_207 : i32 to vector<16xi32>
      %add3A_209 = arith.addi %add3A_165, %add3A_208 : vector<16xi32>
      %and3A_210 = arith.constant 63 : i32
      %and3A_211 = vector.broadcast %and3A_210 : i32 to vector<16xi32>
      %and3A_212 = arith.andi %add3A_209, %and3A_211 : vector<16xi32>
      %gather3A_213 = tpu.vector_load_idx %arg9[%add3A_93, %and3A_212] : memref<80x64xi32, #tpu.memory_space<vmem>>[vector<16xi32>, vector<16xi32>], vector<16xi32>,
      %bitcast3A_214 = vector.bitcast %gather3A_213 : vector<16xi32> to vector<32xbf16>
      %gather3A_215 = tpu.vector_load_idx %arg11[%add3A_93, %and3A_212] : memref<80x64xi32, #tpu.memory_space<vmem>>[vector<16xi32>, vector<16xi32>], vector<16xi32>,
      %bitcast3A_216 = vector.bitcast %gather3A_215 : vector<16xi32> to vector<32xbf16>
      %mul3A_217 = arith.mulf %bitcast3A_214, %bitcast3A_216 : vector<32xbf16>
      %unpack3A_218 = tpu.unpack_subelements %mul3A_217, 0 {pack_format = #tpu.pack_format<interleaved>} : vector<32xbf16> -> vector<16xf32>
      %unpack3A_219 = tpu.unpack_subelements %mul3A_217, 1 {pack_format = #tpu.pack_format<interleaved>} : vector<32xbf16> -> vector<16xf32>
      %add3A_220 = arith.addf %add3A_190, %unpack3A_218 : vector<16xf32>
      %add3A_221 = arith.addf %add3A_191, %unpack3A_219 : vector<16xf32>
      scf.yield %add3A_205, %add3A_206, %add3A_220, %add3A_221 : vector<16xf32>, vector<16xf32>, vector<16xf32>, vector<16xf32>
    }
    %scan3A_101 = arith.constant 16 : i32
    %add3A_102 = arith.addf %scan3A_100#0, %scan3A_100#1 : vector<16xf32>
    %add3A_103 = arith.addf %scan3A_100#2, %scan3A_100#3 : vector<16xf32>
    %add3A_104 = arith.addf %add3A_102, %add3A_103 : vector<16xf32>
    %swap3A_105 = arith.constant 9936 : index
    %swap3A_106 = tpu.vector_load %arg13[%swap3A_105] {strides = array<i32>} : memref<10000xf32, #tpu.memory_space<vmem>>, vector<16xf32>,
    tpu.vector_store %arg13[%swap3A_105], %add3A_104 {strides = array<i32>} : memref<10000xf32, #tpu.memory_space<vmem>>, vector<16xf32>,
    %add3A_107 = arith.constant 32 : i32
    %add3A_108 = vector.broadcast %add3A_107 : i32 to vector<16xi32>
    %add3A_109 = arith.addi %add3A_108, %iota3A : vector<16xi32>
    %broadcast_in_dim3A_110 = arith.constant 0.000000e+00 : f32
    %broadcast_in_dim3A_111 = vector.broadcast %broadcast_in_dim3A_110 : f32 to vector<16xf32>
    %scan3A_112 = arith.constant 0 : i32
    %scan3A_113 = arith.constant 16 : i32
    %scan3A_114 = arith.addi %scan3A_112, %scan3A_113 : i32
    %scan3A_115 = arith.constant 1 : i32
    %scan3A_116:4 = scf.for %scan3A_157 = %scan3A_112 to %scan3A_114 step %scan3A_115 iter_args(%scan3A_158 = %broadcast_in_dim3A_111, %scan3A_159 = %broadcast_in_dim3A_111, %scan3A_160 = %broadcast_in_dim3A_111, %scan3A_161 = %broadcast_in_dim3A_111) -> (vector<16xf32>, vector<16xf32>, vector<16xf32>, vector<16xf32>)  : i32 {
      %mul3A_162 = arith.constant 4 : i32
      %mul3A_163 = arith.muli %scan3A_157, %mul3A_162 : i32
      %add3A_164 = vector.broadcast %mul3A_163 : i32 to vector<16xi32>
      %add3A_165 = arith.addi %iota3A, %add3A_164 : vector<16xi32>
      %add3A_166 = arith.constant 0 : i32
      %add3A_167 = vector.broadcast %add3A_166 : i32 to vector<16xi32>
      %add3A_168 = arith.addi %add3A_165, %add3A_167 : vector<16xi32>
      %and3A = arith.constant 63 : i32
      %and3A_169 = vector.broadcast %and3A : i32 to vector<16xi32>
      %and3A_170 = arith.andi %add3A_168, %and3A_169 : vector<16xi32>
      %gather3A = tpu.vector_load_idx %arg9[%add3A_109, %and3A_170] : memref<80x64xi32, #tpu.memory_space<vmem>>[vector<16xi32>, vector<16xi32>], vector<16xi32>,
      %bitcast3A = vector.bitcast %gather3A : vector<16xi32> to vector<32xbf16>
      %gather3A_171 = tpu.vector_load_idx %arg11[%add3A_109, %and3A_170] : memref<80x64xi32, #tpu.memory_space<vmem>>[vector<16xi32>, vector<16xi32>], vector<16xi32>,
      %bitcast3A_172 = vector.bitcast %gather3A_171 : vector<16xi32> to vector<32xbf16>
      %mul3A_173 = arith.mulf %bitcast3A, %bitcast3A_172 : vector<32xbf16>
      %unpack3A = tpu.unpack_subelements %mul3A_173, 0 {pack_format = #tpu.pack_format<interleaved>} : vector<32xbf16> -> vector<16xf32>
      %unpack3A_174 = tpu.unpack_subelements %mul3A_173, 1 {pack_format = #tpu.pack_format<interleaved>} : vector<32xbf16> -> vector<16xf32>
      %add3A_175 = arith.addf %scan3A_158, %unpack3A : vector<16xf32>
      %add3A_176 = arith.addf %scan3A_159, %unpack3A_174 : vector<16xf32>
      %add3A_177 = arith.constant 1 : i32
      %add3A_178 = vector.broadcast %add3A_177 : i32 to vector<16xi32>
      %add3A_179 = arith.addi %add3A_165, %add3A_178 : vector<16xi32>
      %and3A_180 = arith.constant 63 : i32
      %and3A_181 = vector.broadcast %and3A_180 : i32 to vector<16xi32>
      %and3A_182 = arith.andi %add3A_179, %and3A_181 : vector<16xi32>
      %gather3A_183 = tpu.vector_load_idx %arg9[%add3A_109, %and3A_182] : memref<80x64xi32, #tpu.memory_space<vmem>>[vector<16xi32>, vector<16xi32>], vector<16xi32>,
      %bitcast3A_184 = vector.bitcast %gather3A_183 : vector<16xi32> to vector<32xbf16>
      %gather3A_185 = tpu.vector_load_idx %arg11[%add3A_109, %and3A_182] : memref<80x64xi32, #tpu.memory_space<vmem>>[vector<16xi32>, vector<16xi32>], vector<16xi32>,
      %bitcast3A_186 = vector.bitcast %gather3A_185 : vector<16xi32> to vector<32xbf16>
      %mul3A_187 = arith.mulf %bitcast3A_184, %bitcast3A_186 : vector<32xbf16>
      %unpack3A_188 = tpu.unpack_subelements %mul3A_187, 0 {pack_format = #tpu.pack_format<interleaved>} : vector<32xbf16> -> vector<16xf32>
      %unpack3A_189 = tpu.unpack_subelements %mul3A_187, 1 {pack_format = #tpu.pack_format<interleaved>} : vector<32xbf16> -> vector<16xf32>
      %add3A_190 = arith.addf %scan3A_160, %unpack3A_188 : vector<16xf32>
      %add3A_191 = arith.addf %scan3A_161, %unpack3A_189 : vector<16xf32>
      %add3A_192 = arith.constant 2 : i32
      %add3A_193 = vector.broadcast %add3A_192 : i32 to vector<16xi32>
      %add3A_194 = arith.addi %add3A_165, %add3A_193 : vector<16xi32>
      %and3A_195 = arith.constant 63 : i32
      %and3A_196 = vector.broadcast %and3A_195 : i32 to vector<16xi32>
      %and3A_197 = arith.andi %add3A_194, %and3A_196 : vector<16xi32>
      %gather3A_198 = tpu.vector_load_idx %arg9[%add3A_109, %and3A_197] : memref<80x64xi32, #tpu.memory_space<vmem>>[vector<16xi32>, vector<16xi32>], vector<16xi32>,
      %bitcast3A_199 = vector.bitcast %gather3A_198 : vector<16xi32> to vector<32xbf16>
      %gather3A_200 = tpu.vector_load_idx %arg11[%add3A_109, %and3A_197] : memref<80x64xi32, #tpu.memory_space<vmem>>[vector<16xi32>, vector<16xi32>], vector<16xi32>,
      %bitcast3A_201 = vector.bitcast %gather3A_200 : vector<16xi32> to vector<32xbf16>
      %mul3A_202 = arith.mulf %bitcast3A_199, %bitcast3A_201 : vector<32xbf16>
      %unpack3A_203 = tpu.unpack_subelements %mul3A_202, 0 {pack_format = #tpu.pack_format<interleaved>} : vector<32xbf16> -> vector<16xf32>
      %unpack3A_204 = tpu.unpack_subelements %mul3A_202, 1 {pack_format = #tpu.pack_format<interleaved>} : vector<32xbf16> -> vector<16xf32>
      %add3A_205 = arith.addf %add3A_175, %unpack3A_203 : vector<16xf32>
      %add3A_206 = arith.addf %add3A_176, %unpack3A_204 : vector<16xf32>
      %add3A_207 = arith.constant 3 : i32
      %add3A_208 = vector.broadcast %add3A_207 : i32 to vector<16xi32>
      %add3A_209 = arith.addi %add3A_165, %add3A_208 : vector<16xi32>
      %and3A_210 = arith.constant 63 : i32
      %and3A_211 = vector.broadcast %and3A_210 : i32 to vector<16xi32>
      %and3A_212 = arith.andi %add3A_209, %and3A_211 : vector<16xi32>
      %gather3A_213 = tpu.vector_load_idx %arg9[%add3A_109, %and3A_212] : memref<80x64xi32, #tpu.memory_space<vmem>>[vector<16xi32>, vector<16xi32>], vector<16xi32>,
      %bitcast3A_214 = vector.bitcast %gather3A_213 : vector<16xi32> to vector<32xbf16>
      %gather3A_215 = tpu.vector_load_idx %arg11[%add3A_109, %and3A_212] : memref<80x64xi32, #tpu.memory_space<vmem>>[vector<16xi32>, vector<16xi32>], vector<16xi32>,
      %bitcast3A_216 = vector.bitcast %gather3A_215 : vector<16xi32> to vector<32xbf16>
      %mul3A_217 = arith.mulf %bitcast3A_214, %bitcast3A_216 : vector<32xbf16>
      %unpack3A_218 = tpu.unpack_subelements %mul3A_217, 0 {pack_format = #tpu.pack_format<interleaved>} : vector<32xbf16> -> vector<16xf32>
      %unpack3A_219 = tpu.unpack_subelements %mul3A_217, 1 {pack_format = #tpu.pack_format<interleaved>} : vector<32xbf16> -> vector<16xf32>
      %add3A_220 = arith.addf %add3A_190, %unpack3A_218 : vector<16xf32>
      %add3A_221 = arith.addf %add3A_191, %unpack3A_219 : vector<16xf32>
      scf.yield %add3A_205, %add3A_206, %add3A_220, %add3A_221 : vector<16xf32>, vector<16xf32>, vector<16xf32>, vector<16xf32>
    }
    %scan3A_117 = arith.constant 16 : i32
    %add3A_118 = arith.addf %scan3A_116#0, %scan3A_116#1 : vector<16xf32>
    %add3A_119 = arith.addf %scan3A_116#2, %scan3A_116#3 : vector<16xf32>
    %add3A_120 = arith.addf %add3A_118, %add3A_119 : vector<16xf32>
    %swap3A_121 = arith.constant 9952 : index
    %swap3A_122 = tpu.vector_load %arg13[%swap3A_121] {strides = array<i32>} : memref<10000xf32, #tpu.memory_space<vmem>>, vector<16xf32>,
    tpu.vector_store %arg13[%swap3A_121], %add3A_120 {strides = array<i32>} : memref<10000xf32, #tpu.memory_space<vmem>>, vector<16xf32>,
    %add3A_123 = arith.constant 48 : i32
    %add3A_124 = vector.broadcast %add3A_123 : i32 to vector<16xi32>
    %add3A_125 = arith.addi %add3A_124, %iota3A : vector<16xi32>
    %broadcast_in_dim3A_126 = arith.constant 0.000000e+00 : f32
    %broadcast_in_dim3A_127 = vector.broadcast %broadcast_in_dim3A_126 : f32 to vector<16xf32>
    %scan3A_128 = arith.constant 0 : i32
    %scan3A_129 = arith.constant 16 : i32
    %scan3A_130 = arith.addi %scan3A_128, %scan3A_129 : i32
    %scan3A_131 = arith.constant 1 : i32
    %scan3A_132:4 = scf.for %scan3A_157 = %scan3A_128 to %scan3A_130 step %scan3A_131 iter_args(%scan3A_158 = %broadcast_in_dim3A_127, %scan3A_159 = %broadcast_in_dim3A_127, %scan3A_160 = %broadcast_in_dim3A_127, %scan3A_161 = %broadcast_in_dim3A_127) -> (vector<16xf32>, vector<16xf32>, vector<16xf32>, vector<16xf32>)  : i32 {
      %mul3A_162 = arith.constant 4 : i32
      %mul3A_163 = arith.muli %scan3A_157, %mul3A_162 : i32
      %add3A_164 = vector.broadcast %mul3A_163 : i32 to vector<16xi32>
      %add3A_165 = arith.addi %iota3A, %add3A_164 : vector<16xi32>
      %add3A_166 = arith.constant 0 : i32
      %add3A_167 = vector.broadcast %add3A_166 : i32 to vector<16xi32>
      %add3A_168 = arith.addi %add3A_165, %add3A_167 : vector<16xi32>
      %and3A = arith.constant 63 : i32
      %and3A_169 = vector.broadcast %and3A : i32 to vector<16xi32>
      %and3A_170 = arith.andi %add3A_168, %and3A_169 : vector<16xi32>
      %gather3A = tpu.vector_load_idx %arg9[%add3A_125, %and3A_170] : memref<80x64xi32, #tpu.memory_space<vmem>>[vector<16xi32>, vector<16xi32>], vector<16xi32>,
      %bitcast3A = vector.bitcast %gather3A : vector<16xi32> to vector<32xbf16>
      %gather3A_171 = tpu.vector_load_idx %arg11[%add3A_125, %and3A_170] : memref<80x64xi32, #tpu.memory_space<vmem>>[vector<16xi32>, vector<16xi32>], vector<16xi32>,
      %bitcast3A_172 = vector.bitcast %gather3A_171 : vector<16xi32> to vector<32xbf16>
      %mul3A_173 = arith.mulf %bitcast3A, %bitcast3A_172 : vector<32xbf16>
      %unpack3A = tpu.unpack_subelements %mul3A_173, 0 {pack_format = #tpu.pack_format<interleaved>} : vector<32xbf16> -> vector<16xf32>
      %unpack3A_174 = tpu.unpack_subelements %mul3A_173, 1 {pack_format = #tpu.pack_format<interleaved>} : vector<32xbf16> -> vector<16xf32>
      %add3A_175 = arith.addf %scan3A_158, %unpack3A : vector<16xf32>
      %add3A_176 = arith.addf %scan3A_159, %unpack3A_174 : vector<16xf32>
      %add3A_177 = arith.constant 1 : i32
      %add3A_178 = vector.broadcast %add3A_177 : i32 to vector<16xi32>
      %add3A_179 = arith.addi %add3A_165, %add3A_178 : vector<16xi32>
      %and3A_180 = arith.constant 63 : i32
      %and3A_181 = vector.broadcast %and3A_180 : i32 to vector<16xi32>
      %and3A_182 = arith.andi %add3A_179, %and3A_181 : vector<16xi32>
      %gather3A_183 = tpu.vector_load_idx %arg9[%add3A_125, %and3A_182] : memref<80x64xi32, #tpu.memory_space<vmem>>[vector<16xi32>, vector<16xi32>], vector<16xi32>,
      %bitcast3A_184 = vector.bitcast %gather3A_183 : vector<16xi32> to vector<32xbf16>
      %gather3A_185 = tpu.vector_load_idx %arg11[%add3A_125, %and3A_182] : memref<80x64xi32, #tpu.memory_space<vmem>>[vector<16xi32>, vector<16xi32>], vector<16xi32>,
      %bitcast3A_186 = vector.bitcast %gather3A_185 : vector<16xi32> to vector<32xbf16>
      %mul3A_187 = arith.mulf %bitcast3A_184, %bitcast3A_186 : vector<32xbf16>
      %unpack3A_188 = tpu.unpack_subelements %mul3A_187, 0 {pack_format = #tpu.pack_format<interleaved>} : vector<32xbf16> -> vector<16xf32>
      %unpack3A_189 = tpu.unpack_subelements %mul3A_187, 1 {pack_format = #tpu.pack_format<interleaved>} : vector<32xbf16> -> vector<16xf32>
      %add3A_190 = arith.addf %scan3A_160, %unpack3A_188 : vector<16xf32>
      %add3A_191 = arith.addf %scan3A_161, %unpack3A_189 : vector<16xf32>
      %add3A_192 = arith.constant 2 : i32
      %add3A_193 = vector.broadcast %add3A_192 : i32 to vector<16xi32>
      %add3A_194 = arith.addi %add3A_165, %add3A_193 : vector<16xi32>
      %and3A_195 = arith.constant 63 : i32
      %and3A_196 = vector.broadcast %and3A_195 : i32 to vector<16xi32>
      %and3A_197 = arith.andi %add3A_194, %and3A_196 : vector<16xi32>
      %gather3A_198 = tpu.vector_load_idx %arg9[%add3A_125, %and3A_197] : memref<80x64xi32, #tpu.memory_space<vmem>>[vector<16xi32>, vector<16xi32>], vector<16xi32>,
      %bitcast3A_199 = vector.bitcast %gather3A_198 : vector<16xi32> to vector<32xbf16>
      %gather3A_200 = tpu.vector_load_idx %arg11[%add3A_125, %and3A_197] : memref<80x64xi32, #tpu.memory_space<vmem>>[vector<16xi32>, vector<16xi32>], vector<16xi32>,
      %bitcast3A_201 = vector.bitcast %gather3A_200 : vector<16xi32> to vector<32xbf16>
      %mul3A_202 = arith.mulf %bitcast3A_199, %bitcast3A_201 : vector<32xbf16>
      %unpack3A_203 = tpu.unpack_subelements %mul3A_202, 0 {pack_format = #tpu.pack_format<interleaved>} : vector<32xbf16> -> vector<16xf32>
      %unpack3A_204 = tpu.unpack_subelements %mul3A_202, 1 {pack_format = #tpu.pack_format<interleaved>} : vector<32xbf16> -> vector<16xf32>
      %add3A_205 = arith.addf %add3A_175, %unpack3A_203 : vector<16xf32>
      %add3A_206 = arith.addf %add3A_176, %unpack3A_204 : vector<16xf32>
      %add3A_207 = arith.constant 3 : i32
      %add3A_208 = vector.broadcast %add3A_207 : i32 to vector<16xi32>
      %add3A_209 = arith.addi %add3A_165, %add3A_208 : vector<16xi32>
      %and3A_210 = arith.constant 63 : i32
      %and3A_211 = vector.broadcast %and3A_210 : i32 to vector<16xi32>
      %and3A_212 = arith.andi %add3A_209, %and3A_211 : vector<16xi32>
      %gather3A_213 = tpu.vector_load_idx %arg9[%add3A_125, %and3A_212] : memref<80x64xi32, #tpu.memory_space<vmem>>[vector<16xi32>, vector<16xi32>], vector<16xi32>,
      %bitcast3A_214 = vector.bitcast %gather3A_213 : vector<16xi32> to vector<32xbf16>
      %gather3A_215 = tpu.vector_load_idx %arg11[%add3A_125, %and3A_212] : memref<80x64xi32, #tpu.memory_space<vmem>>[vector<16xi32>, vector<16xi32>], vector<16xi32>,
      %bitcast3A_216 = vector.bitcast %gather3A_215 : vector<16xi32> to vector<32xbf16>
      %mul3A_217 = arith.mulf %bitcast3A_214, %bitcast3A_216 : vector<32xbf16>
      %unpack3A_218 = tpu.unpack_subelements %mul3A_217, 0 {pack_format = #tpu.pack_format<interleaved>} : vector<32xbf16> -> vector<16xf32>
      %unpack3A_219 = tpu.unpack_subelements %mul3A_217, 1 {pack_format = #tpu.pack_format<interleaved>} : vector<32xbf16> -> vector<16xf32>
      %add3A_220 = arith.addf %add3A_190, %unpack3A_218 : vector<16xf32>
      %add3A_221 = arith.addf %add3A_191, %unpack3A_219 : vector<16xf32>
      scf.yield %add3A_205, %add3A_206, %add3A_220, %add3A_221 : vector<16xf32>, vector<16xf32>, vector<16xf32>, vector<16xf32>
    }
    %scan3A_133 = arith.constant 16 : i32
    %add3A_134 = arith.addf %scan3A_132#0, %scan3A_132#1 : vector<16xf32>
    %add3A_135 = arith.addf %scan3A_132#2, %scan3A_132#3 : vector<16xf32>
    %add3A_136 = arith.addf %add3A_134, %add3A_135 : vector<16xf32>
    %swap3A_137 = arith.constant 9968 : index
    %swap3A_138 = tpu.vector_load %arg13[%swap3A_137] {strides = array<i32>} : memref<10000xf32, #tpu.memory_space<vmem>>, vector<16xf32>,
    tpu.vector_store %arg13[%swap3A_137], %add3A_136 {strides = array<i32>} : memref<10000xf32, #tpu.memory_space<vmem>>, vector<16xf32>,
    %add3A_139 = arith.constant 64 : i32
    %add3A_140 = vector.broadcast %add3A_139 : i32 to vector<16xi32>
    %add3A_141 = arith.addi %add3A_140, %iota3A : vector<16xi32>
    %broadcast_in_dim3A_142 = arith.constant 0.000000e+00 : f32
    %broadcast_in_dim3A_143 = vector.broadcast %broadcast_in_dim3A_142 : f32 to vector<16xf32>
    %scan3A_144 = arith.constant 0 : i32
    %scan3A_145 = arith.constant 16 : i32
    %scan3A_146 = arith.addi %scan3A_144, %scan3A_145 : i32
    %scan3A_147 = arith.constant 1 : i32
    %scan3A_148:4 = scf.for %scan3A_157 = %scan3A_144 to %scan3A_146 step %scan3A_147 iter_args(%scan3A_158 = %broadcast_in_dim3A_143, %scan3A_159 = %broadcast_in_dim3A_143, %scan3A_160 = %broadcast_in_dim3A_143, %scan3A_161 = %broadcast_in_dim3A_143) -> (vector<16xf32>, vector<16xf32>, vector<16xf32>, vector<16xf32>)  : i32 {
      %mul3A_162 = arith.constant 4 : i32
      %mul3A_163 = arith.muli %scan3A_157, %mul3A_162 : i32
      %add3A_164 = vector.broadcast %mul3A_163 : i32 to vector<16xi32>
      %add3A_165 = arith.addi %iota3A, %add3A_164 : vector<16xi32>
      %add3A_166 = arith.constant 0 : i32
      %add3A_167 = vector.broadcast %add3A_166 : i32 to vector<16xi32>
      %add3A_168 = arith.addi %add3A_165, %add3A_167 : vector<16xi32>
      %and3A = arith.constant 63 : i32
      %and3A_169 = vector.broadcast %and3A : i32 to vector<16xi32>
      %and3A_170 = arith.andi %add3A_168, %and3A_169 : vector<16xi32>
      %gather3A = tpu.vector_load_idx %arg9[%add3A_141, %and3A_170] : memref<80x64xi32, #tpu.memory_space<vmem>>[vector<16xi32>, vector<16xi32>], vector<16xi32>,
      %bitcast3A = vector.bitcast %gather3A : vector<16xi32> to vector<32xbf16>
      %gather3A_171 = tpu.vector_load_idx %arg11[%add3A_141, %and3A_170] : memref<80x64xi32, #tpu.memory_space<vmem>>[vector<16xi32>, vector<16xi32>], vector<16xi32>,
      %bitcast3A_172 = vector.bitcast %gather3A_171 : vector<16xi32> to vector<32xbf16>
      %mul3A_173 = arith.mulf %bitcast3A, %bitcast3A_172 : vector<32xbf16>
      %unpack3A = tpu.unpack_subelements %mul3A_173, 0 {pack_format = #tpu.pack_format<interleaved>} : vector<32xbf16> -> vector<16xf32>
      %unpack3A_174 = tpu.unpack_subelements %mul3A_173, 1 {pack_format = #tpu.pack_format<interleaved>} : vector<32xbf16> -> vector<16xf32>
      %add3A_175 = arith.addf %scan3A_158, %unpack3A : vector<16xf32>
      %add3A_176 = arith.addf %scan3A_159, %unpack3A_174 : vector<16xf32>
      %add3A_177 = arith.constant 1 : i32
      %add3A_178 = vector.broadcast %add3A_177 : i32 to vector<16xi32>
      %add3A_179 = arith.addi %add3A_165, %add3A_178 : vector<16xi32>
      %and3A_180 = arith.constant 63 : i32
      %and3A_181 = vector.broadcast %and3A_180 : i32 to vector<16xi32>
      %and3A_182 = arith.andi %add3A_179, %and3A_181 : vector<16xi32>
      %gather3A_183 = tpu.vector_load_idx %arg9[%add3A_141, %and3A_182] : memref<80x64xi32, #tpu.memory_space<vmem>>[vector<16xi32>, vector<16xi32>], vector<16xi32>,
      %bitcast3A_184 = vector.bitcast %gather3A_183 : vector<16xi32> to vector<32xbf16>
      %gather3A_185 = tpu.vector_load_idx %arg11[%add3A_141, %and3A_182] : memref<80x64xi32, #tpu.memory_space<vmem>>[vector<16xi32>, vector<16xi32>], vector<16xi32>,
      %bitcast3A_186 = vector.bitcast %gather3A_185 : vector<16xi32> to vector<32xbf16>
      %mul3A_187 = arith.mulf %bitcast3A_184, %bitcast3A_186 : vector<32xbf16>
      %unpack3A_188 = tpu.unpack_subelements %mul3A_187, 0 {pack_format = #tpu.pack_format<interleaved>} : vector<32xbf16> -> vector<16xf32>
      %unpack3A_189 = tpu.unpack_subelements %mul3A_187, 1 {pack_format = #tpu.pack_format<interleaved>} : vector<32xbf16> -> vector<16xf32>
      %add3A_190 = arith.addf %scan3A_160, %unpack3A_188 : vector<16xf32>
      %add3A_191 = arith.addf %scan3A_161, %unpack3A_189 : vector<16xf32>
      %add3A_192 = arith.constant 2 : i32
      %add3A_193 = vector.broadcast %add3A_192 : i32 to vector<16xi32>
      %add3A_194 = arith.addi %add3A_165, %add3A_193 : vector<16xi32>
      %and3A_195 = arith.constant 63 : i32
      %and3A_196 = vector.broadcast %and3A_195 : i32 to vector<16xi32>
      %and3A_197 = arith.andi %add3A_194, %and3A_196 : vector<16xi32>
      %gather3A_198 = tpu.vector_load_idx %arg9[%add3A_141, %and3A_197] : memref<80x64xi32, #tpu.memory_space<vmem>>[vector<16xi32>, vector<16xi32>], vector<16xi32>,
      %bitcast3A_199 = vector.bitcast %gather3A_198 : vector<16xi32> to vector<32xbf16>
      %gather3A_200 = tpu.vector_load_idx %arg11[%add3A_141, %and3A_197] : memref<80x64xi32, #tpu.memory_space<vmem>>[vector<16xi32>, vector<16xi32>], vector<16xi32>,
      %bitcast3A_201 = vector.bitcast %gather3A_200 : vector<16xi32> to vector<32xbf16>
      %mul3A_202 = arith.mulf %bitcast3A_199, %bitcast3A_201 : vector<32xbf16>
      %unpack3A_203 = tpu.unpack_subelements %mul3A_202, 0 {pack_format = #tpu.pack_format<interleaved>} : vector<32xbf16> -> vector<16xf32>
      %unpack3A_204 = tpu.unpack_subelements %mul3A_202, 1 {pack_format = #tpu.pack_format<interleaved>} : vector<32xbf16> -> vector<16xf32>
      %add3A_205 = arith.addf %add3A_175, %unpack3A_203 : vector<16xf32>
      %add3A_206 = arith.addf %add3A_176, %unpack3A_204 : vector<16xf32>
      %add3A_207 = arith.constant 3 : i32
      %add3A_208 = vector.broadcast %add3A_207 : i32 to vector<16xi32>
      %add3A_209 = arith.addi %add3A_165, %add3A_208 : vector<16xi32>
      %and3A_210 = arith.constant 63 : i32
      %and3A_211 = vector.broadcast %and3A_210 : i32 to vector<16xi32>
      %and3A_212 = arith.andi %add3A_209, %and3A_211 : vector<16xi32>
      %gather3A_213 = tpu.vector_load_idx %arg9[%add3A_141, %and3A_212] : memref<80x64xi32, #tpu.memory_space<vmem>>[vector<16xi32>, vector<16xi32>], vector<16xi32>,
      %bitcast3A_214 = vector.bitcast %gather3A_213 : vector<16xi32> to vector<32xbf16>
      %gather3A_215 = tpu.vector_load_idx %arg11[%add3A_141, %and3A_212] : memref<80x64xi32, #tpu.memory_space<vmem>>[vector<16xi32>, vector<16xi32>], vector<16xi32>,
      %bitcast3A_216 = vector.bitcast %gather3A_215 : vector<16xi32> to vector<32xbf16>
      %mul3A_217 = arith.mulf %bitcast3A_214, %bitcast3A_216 : vector<32xbf16>
      %unpack3A_218 = tpu.unpack_subelements %mul3A_217, 0 {pack_format = #tpu.pack_format<interleaved>} : vector<32xbf16> -> vector<16xf32>
      %unpack3A_219 = tpu.unpack_subelements %mul3A_217, 1 {pack_format = #tpu.pack_format<interleaved>} : vector<32xbf16> -> vector<16xf32>
      %add3A_220 = arith.addf %add3A_190, %unpack3A_218 : vector<16xf32>
      %add3A_221 = arith.addf %add3A_191, %unpack3A_219 : vector<16xf32>
      scf.yield %add3A_205, %add3A_206, %add3A_220, %add3A_221 : vector<16xf32>, vector<16xf32>, vector<16xf32>, vector<16xf32>
    }
    %scan3A_149 = arith.constant 16 : i32
    %add3A_150 = arith.addf %scan3A_148#0, %scan3A_148#1 : vector<16xf32>
    %add3A_151 = arith.addf %scan3A_148#2, %scan3A_148#3 : vector<16xf32>
    %add3A_152 = arith.addf %add3A_150, %add3A_151 : vector<16xf32>
    %swap3A_153 = arith.constant 9984 : index
    %swap3A_154 = tpu.vector_load %arg13[%swap3A_153] {strides = array<i32>} : memref<10000xf32, #tpu.memory_space<vmem>>, vector<16xf32>,
    tpu.vector_store %arg13[%swap3A_153], %add3A_152 {strides = array<i32>} : memref<10000xf32, #tpu.memory_space<vmem>>, vector<16xf32>,
    %mul3A_155 = arith.constant 10000 : i32
    %mul3A_156 = arith.muli %add3A, %mul3A_155 : i32
    "tpu.region"() ({
      %run_scoped3A = tpu.sem_alloc : memref<!tpu.dma_semaphore, #tpu.memory_space<semaphore_mem>>
      %dma_start3A_157 = tpu.memref_slice %arg5[%mul3A_156] : memref<320000xf32, #tpu.memory_space<hbm>> -> memref<10000xf32, #tpu.memory_space<hbm>>
      %dma_start3A_158 = tpu.memref_slice %arg5[%mul3A_156] : memref<320000xf32, #tpu.memory_space<hbm>> -> memref<10000xf32, #tpu.memory_space<hbm>>
      tpu.enqueue_dma source(%arg13 : memref<10000xf32, #tpu.memory_space<vmem>>) target(%dma_start3A_158 : memref<10000xf32, #tpu.memory_space<hbm>>) target_semaphore(%run_scoped3A : memref<!tpu.dma_semaphore, #tpu.memory_space<semaphore_mem>>)
      %dma_wait3A_159 = tpu.memref_slice %arg5[%mul3A_156] : memref<320000xf32, #tpu.memory_space<hbm>> -> memref<10000xf32, #tpu.memory_space<hbm>>
      %dma_wait3A_160 = tpu.memref_slice %arg5[%mul3A_156] : memref<320000xf32, #tpu.memory_space<hbm>> -> memref<10000xf32, #tpu.memory_space<hbm>>
      tpu.wait_dma2 semaphore(%run_scoped3A : memref<!tpu.dma_semaphore, #tpu.memory_space<semaphore_mem>>) src(%arg13 : memref<10000xf32, #tpu.memory_space<vmem>>) dst(%dma_wait3A_160 : memref<10000xf32, #tpu.memory_space<hbm>>)
      tpu.yield
    }) : () -> ()
    return
  }
}

</mosaic_0001>

<sc_bundles>
// kernel: kernel.3.cloned.1.call-start
scs
__scs_entry_jumppad:
0x0: {  	(pc) =	sbr.rel $0x88, $3  }
0x1: {  	(tag) =	ssettag $0x0;
	lr =	simm.s32 $0x1  }
0x2: {  	[smem:$0x3F9F] =	sst lr;
	_ =	strace $0xD0000000  }
0x3: {  	_ = 	snop  }
0x4: {  	_ = 	snop  }
0x5: {  	_ = 	snop  }
0x6: {  	_ = 	snop  }
0x7: {  	_ = 	snop  }
__scs_overlays_trampoline_lowered:
0x8: {  	[smem:$0x3FAE] =	sst s0  }
0x9: {  	[smem:$0x3FAF] =	sst s1  }
0xa: {  	[smem:$0x3FB0] =	sst s2  }
0xb: {  	[smem:$0x3FB1] =	sst s3  }
0xc: {  	[smem:$0x3FB2] =	sst s4  }
0xd: {  	[smem:$0x3FB3] =	sst s5  }
0xe: {  	[smem:$0x3FB4] =	sst s6  }
0xf: {  	[smem:$0x3FB5] =	sst s7  }
0x10: {  	[smem:$0x3FB6] =	sst s8  }
0x11: {  	[smem:$0x3FB7] =	sst s9;
	s0 =	simm.s32 @!p0 $0x0  }
0x12: {  	s1 =	sld [smem:$0x3F9D];
	s0 =	simm.s32 @p0 $0x1  }
0x13: {  	[smem:$0x3FB8] =	sst s0;
	s0 =	simm.s32 @!p1 $0x0  }
0x14: {  	s2 =	sld [smem:$0x3F9C];
	s0 =	simm.s32 @p1 $0x1  }
0x15: {  	[smem:$0x3FB9] =	sst s0;
	s0 =	simm.s32 @!p2 $0x0  }
0x16: {  	s3 =	sld [smem:$0x3FDB];
	s0 =	simm.s32 @p2 $0x1  }
0x17: {  	s4 =	simm.s32 $0x1BF5;
	[smem:$0x3FBB] =	sst s0  }
0x18: {  	s0 =	sld [smem:$0x3F9E];
	_ =	swait.ge [sflag:s4], $0x0  }
0x19: {  	s7 =	sld [smem:$0x3F9F]  }
0x1a: {  	s8 =	sadd.s32 $0xFFFFE003, lr  }
0x1b: {  	s9 =	sadd.s32 $0xFFFFFEF7, lr;
	s5 =	simm.s32 $0xFFFFFFFF;
	p2 =	slt.u32 s8, $0xFFFFF086  }
0x1c: {  	p1 =	slt.u32 s9, $0xF7A;
	s5 =	simm.s32 @!p2 $0x0  }
0x1d: {  	s5 =	simm.s32 @p1 $0x1;
	p0 =	seq.s32 s7, s2  }
0x1e: {  	s7 =	smul.u32 @!p0 $0xF7A, s2;
	p2 =	seq.s32 @!p0 s5, $0x0  }
0x1f: {  	s9 =	smul.u32 $0xF7A, s1;
	s8 =	simm.s32 @!p0 $0x1BF5;
	p2 =	por !p2, p0  }
0x20: {  	[sflag:s8] =	ssyncset.s32 @!p0 $0xFFFFF086;
	s6 =	sadd.s32 @!p0 s3, s7;
	s7 =	simm.s32 @!p0 $0x108  }
0x21: {  	s3 =	sadd.s32 s3, s9;
	s6 =	sadd.s32 @!p0 $0x88, s6;
	s7 =	simm.s32 @p2 $0x1082  }
0x22: {  	[simem:s7], [sflag:s8] =	dma.local @!p0 [hbm:s6], $0xF7A  }
0x23: {  	s9 =	sor.u32 $0xD0000000, s2;
	s6 =	simm.s32 $0x108;
	_ =	swait.ge @!p0 [sflag:s8], $0x0  }
0x24: {  	s3 =	sadd.s32 $0x88, s3;
	s6 =	simm.s32 @!p1 $0x1082;
	[sflag:s4] =	ssyncset.s32 $0xFFFFF086  }
0x25: {  	[simem:s6], [sflag:s4] =	dma.local [hbm:s3], $0xF7A  }
0x26: {  	[smem:$0x3F9F] =	sst s1;
	(tag) =	ssettag s2;
	_ =	strace s9  }
0x27: {  	s1 =	sld [smem:$0x3FAF]  }
0x28: {  	s2 =	sld [smem:$0x3FB0]  }
0x29: {  	s4 =	sld [smem:$0x3FB2]  }
0x2a: {  	p0 =	seq.s32 s5, $0x0;
	s5 =	sld [smem:$0x3FB3]  }
0x2b: {  	s6 =	sld [smem:$0x3FB4]  }
0x2c: {  	s7 =	sld [smem:$0x3FB5]  }
0x2d: {  	s3 =	simm.s32 $0x108;
	s8 =	sld [smem:$0x3FB6]  }
0x2e: {  	s3 =	simm.s32 @!p0 $0x1082;
	s9 =	sld [smem:$0x3FB7]  }
0x2f: {  	lr =	sadd.s32 s0, s3;
	s0 =	sld [smem:$0x3FAE]  }
0x30: {  	s3 =	sld [smem:$0x3FB1]  }
0x31: {  	[smem:$0x3FBA] =	sst s10  }
0x32: {  	s10 =	sld [smem:$0x3FB8];
	_ =	sdelay $0x3  }
0x33: {  	p0 =	seq.s32 s10, $0x1;
	s10 =	sld [smem:$0x3FBA];
	_ =	sdelay $0x3  }
0x34: {  	[smem:$0x3FBA] =	sst s10  }
0x35: {  	s10 =	sld [smem:$0x3FB9];
	_ =	sdelay $0x3  }
0x36: {  	p1 =	seq.s32 s10, $0x1;
	s10 =	sld [smem:$0x3FBA];
	_ =	sdelay $0x3  }
0x37: {  	[smem:$0x3FBA] =	sst s10  }
0x38: {  	s10 =	sld [smem:$0x3FBB]  }
0x39: {  	_ = 	snop;
	(pc) =	sbr.ind lr, $3  }
0x3a: {  	_ = 	snop  }
0x3b: {  	_ = 	snop  }
0x3c: {  	p2 =	seq.s32 s10, $0x1;
	s10 =	sld [smem:$0x3FBA]  }
0x3d: {  	_ =	shalt  }
0x3e: {  	_ =	shalt  }
0x3f: {  	_ =	shalt  }
0x40: {  	_ =	shalt  }
0x41: {  	_ =	shalt  }
0x42: {  	_ =	shalt  }
0x43: {  	_ =	shalt  }
0x44: {  	_ =	shalt  }
0x45: {  	_ =	shalt  }
0x46: {  	_ =	shalt  }
0x47: {  	_ =	shalt  }
0x48: {  	_ =	shalt  }
0x49: {  	_ =	shalt  }
0x4a: {  	_ =	shalt  }
0x4b: {  	_ =	shalt  }
0x4c: {  	_ =	shalt  }
0x4d: {  	_ =	shalt  }
0x4e: {  	_ =	shalt  }
0x4f: {  	_ =	shalt  }
0x50: {  	_ =	shalt  }
0x51: {  	_ =	shalt  }
0x52: {  	_ =	shalt  }
0x53: {  	_ =	shalt  }
0x54: {  	_ =	shalt  }
0x55: {  	_ =	shalt  }
0x56: {  	_ =	shalt  }
0x57: {  	_ =	shalt  }
0x58: {  	_ =	shalt  }
0x59: {  	_ =	shalt  }
0x5a: {  	_ =	shalt  }
0x5b: {  	_ =	shalt  }
0x5c: {  	_ =	shalt  }
0x5d: {  	_ =	shalt  }
0x5e: {  	_ =	shalt  }
0x5f: {  	_ =	shalt  }
0x60: {  	_ =	shalt  }
0x61: {  	_ =	shalt  }
0x62: {  	_ =	shalt  }
0x63: {  	_ =	shalt  }
0x64: {  	_ =	shalt  }
0x65: {  	_ =	shalt  }
0x66: {  	_ =	shalt  }
0x67: {  	_ =	shalt  }
0x68: {  	_ =	shalt  }
0x69: {  	_ =	shalt  }
0x6a: {  	_ =	shalt  }
0x6b: {  	_ =	shalt  }
0x6c: {  	_ =	shalt  }
0x6d: {  	_ =	shalt  }
0x6e: {  	_ =	shalt  }
0x6f: {  	_ =	shalt  }
0x70: {  	_ =	shalt  }
0x71: {  	_ =	shalt  }
0x72: {  	_ =	shalt  }
0x73: {  	_ =	shalt  }
0x74: {  	_ =	shalt  }
0x75: {  	_ =	shalt  }
0x76: {  	_ =	shalt  }
0x77: {  	_ =	shalt  }
0x78: {  	_ =	shalt  }
0x79: {  	_ =	shalt  }
0x7a: {  	_ =	shalt  }
0x7b: {  	_ =	shalt  }
0x7c: {  	_ =	shalt  }
0x7d: {  	_ =	shalt  }
0x7e: {  	_ =	shalt  }
0x7f: {  	_ =	shalt  }
0x80: {  	_ =	shalt  }
0x81: {  	_ =	shalt  }
0x82: {  	_ =	shalt  }
0x83: {  	_ =	shalt  }
0x84: {  	_ =	shalt  }
0x85: {  	_ =	shalt  }
0x86: {  	_ =	shalt  }
0x87: {  	_ =	shalt  }
.Lfunc_end0:
.L_simem_size_0:
called_computation_lowered:
.L_overlay_start_0:
0x88: {  	s2 =	sld [smem:$0x3FD9]  }
0x89: {  	s3 =	sld [smem:$0x3FFE];
	_ =	sdelay $0x1  }
0x8a: {  	s1 =	srdreg.scid  }
0x8b: {  	s0 =	sand.u32 $0x1, s1  }
0x8c: {  	s16 =	sshll.u32 s0, $0xA;
	s2 =	sadd.s32 s3, s2  }
0x8d: {  	s2 =	sadd.s32 s2, s16  }
0x8e: {  	[smem:$0x3FC6] =	sst s2  }
0x8f: {  	_ = 	snop  }
0x90: {  	(tm) =	ssettm $0x1  }
0x91: {  	s17 =	sld [smem:$0x3FFB];
	_ =	sdelay $0x3  }
0x92: {  	_ =	strace s17  }
0x93: {  	s2 =	sld [smem:$0x3FFC];
	_ =	sdelay $0x3  }
0x94: {  	_ =	strace s2  }
0x95: {  	s2 =	sld [smem:$0x3FFD];
	_ =	sdelay $0x3  }
0x96: {  	_ =	strace s2  }
0x97: {  	_ =	strace $0x8FFFFFFF  }
0x98: {  	s18 =	sld [smem:$0x3FDB];
	_ =	sdelay $0x1  }
0x99: {  	s19 =	simm.s32 $_scs_section_size  }
0x9a: {  	s4 =	simm.s32 $_size__tile_overlayer_lowered;
	s5 =	simm.s32 $_tile_overlayer_lowered  }
0x9b: {  	s22 =	simm.s32 $0x1BFF;
	s21 =	sshll.u32 s5, $0x1;
	s2 =	sadd.s32 s19, s18  }
0x9c: {  	s6 =	simm.s32 $0x0;
	s20 =	sshll.u32 s4, $0x1;
	s4 =	sadd.s32 s21, s2  }
0x9d: {  	[timem:s6], [sflag:s22] =	dma.local [hbm:s4], s20  }
0x9e: {  	_ =	swait.ge [sflag:s22], s20  }
0x9f: {  	s3 =	ssub.s32 $0x0, s20;
	[sflag:s22] =	ssyncset.done $0x0  }
0xa0: {  	[sflag:s22] =	ssyncadd.s32 s3;
	_ =	sdelay $0x1  }
0xa1: {  	s23 =	simm.s32 $0x1B8B  }
0xa2: {  	_ =	swait.ge [sflag:s23], $0x1  }
0xa3: {  	[sflag:s23] =	ssyncset.done $0x0  }
0xa4: {  	s25 =	simm.s32 $0x1B8E;
	s24 =	sld [smem:$0x3FFE];
	[sflag:s23] =	ssyncadd.s32 $0xFFFFFFFF  }
0xa5: {  	s26 =	simm.s32 $execute0_lowered;
	[smem:$0x3FD2] =	sst s25  }
0xa6: {  	s4 =	sshll.u32 s26, $0x1;
	_ =	strace $0x80000046;
	[dreg:$0x1] =	wrdreg $0xFFFFFFFF  }
0xa7: {  	s28 =	simm.s32 $_size_execute0_lowered;
	s2 =	sadd.s32 s2, s4;
	[dreg:$0x0] =	wrdreg $0x0  }
0xa8: {  	s4 =	sshll.u32 s28, $0x1;
	[dreg:$0x2] =	wrdreg s2  }
0xa9: {  	[dreg:$0x3] =	wrdreg s4  }
0xaa: {  	[dreg:$0x4] =	wrdreg $0xC0  }
0xab: {  	_ =	task [dreg:s6], $0x5FFFF  }
0xac: {  	[dreg:$0x1] =	wrdreg $0xFFFFFFFF  }
0xad: {  	[dreg:$0x0] =	wrdreg $0x60  }
0xae: {  	[dreg:$0x2] =	wrdreg s24  }
0xaf: {  	[dreg:$0x3] =	wrdreg $0x4E200  }
0xb0: {  	[dreg:$0x4] =	wrdreg $0x9  }
0xb1: {  	_ =	task.clear_ibuf [dreg:s6], $0x5FFFF;
	_ =	strace $0x90000046  }
0xb2: {  	s29 =	simm.s32 $0x9;
	_ =	strace $0x80000048  }
0xb3: {  	_ =	swait.ge [sflag:s29], $0x1  }
0xb4: {  	[sflag:s29] =	ssyncadd.s32 $0xFFFFFFFF  }
0xb5: {  	_ =	strace $0x90000048  }
0xb6: {  	_ =	sfence  }
0xb7: {  	s30 =	sld [smem:$0x0];
	_ =	sdelay $0x2  }
0xb8: {  	s31 =	sshll.u32 s1, $0xD;
	s1 =	sshrl.u32 s1, $0x2  }
0xb9: {  	s3 =	sand.u32 $0x4000, s31;
	s1 =	sadd.s32 s1, s30  }
0xba: {  	s0 =	sor.u32 s3, s0;
	s1 =	sshll.u32 s1, $0x11  }
0xbb: {  	s0 =	sor.u32 s1, s0  }
0xbc: {  	s0 =	sadd.s32 $0x8F2B, s0  }
0xbd: {  	[sflag:s0] =	ssyncadd.remote.s32 $0x1  }
0xbe: {  	_ =	sfence.sel $0xFFFF  }
0xbf: {  	[dreg:$0x0] =	wrdreg $0xFFFFFFFF;
	(pc) =	sbr.abs _section_cstart, $3  }
0xc0: {  	[dreg:$0x1] =	wrdreg $0xFFFFFFFF  }
0xc1: {  	_ =	task.clear_ibuf [dreg:s6], $0x2FFFF;
	_ =	strace $0x9FFFFFFF  }
0xc2: {  	(tm) =	ssettm $0x7FFFFFFF  }
0xc3: {  	_ =	shalt  }
tec
execute0_lowered:
.L_overlay_start_1:
0x0: {  	(tag) =	ssettag $0x1  }
0x1: {  	s6 =	rddreg [dreg:$0x0];
	s1 =	srdreg.scid  }
0x2: {  	s0 =	stileid.u32;
	s2 =	rddreg [dreg:$0x1]  }
0x3: {  	s3 =	simm.s32 $0x0;
	s12 =	simm.s32 $0x1;
	s13 =	simm.s32 $0x2  }
0x4: {  	s14 =	simm.s32 $0x3;
	s15 =	simm.s32 $0x50;
	s16 =	simm.s32 $0xEA60  }
0x5: {  	s17 =	simm.s32 $0x11260;
	s18 =	simm.s32 $0xFE60;
	s19 =	simm.s32 $0x12660  }
0x6: {  	s20 =	simm.s32 $0x4;
	s21 =	simm.s32 $0x13A60;
	s22 =	simm.s32 $0x5  }
0x7: {  	s23 =	simm.s32 $0x0;
	s4 =	sand.u32 $0x1, s1;
	s1 =	rddreg [dreg:$0x2]  }
0x8: {  	s5 =	sshll.u32 s0, $0x1;
	[smem:$0x7FF] =	sst s3;
	s7 =	smul.u32 $0x9C40, s0  }
0x9: {  	s10 =	sshll.u32 s0, $0x6;
	s5 =	sor.u32 s4, s5;
	s4 =	ssub.s32 $0x2, s4  }
0xa: {  	v0 =	vlaneseq.u32;
	_ =	strace $0x80000047;
	s5 =	smul.u32 $0x4E2, s5;
	s31 =	sshrl.u32 s4, $0x1  }
0xb: {  	v1 =	vmul.u32 $0x40, v0;
	s11 =	sadd.s32 s7, s2;
	s7 =	sshrl.u32 s7, $0x3;
	s9 =	ssub.s32 s4, s31  }
0xc: {  	v2 =	vadd.s32 $0x1, v0;
	s11 =	sshrl.u32 s11, $0x3;
	s8 =	sadd.s32 s5, s6;
	s6 =	sadd.s32 s6, s7  }
0xd: {  	v3 =	vadd.s32 $0x2, v0;
	v4 =	vadd.s32 $0x3, v0;
	v5 =	vor.u32 $0x400, v1;
	s7 =	sor.u32 $0x1C03, s10;
	s9 =	smax.u32 s9, $0x1;
	s10 =	simm.s32 $0x2710  }
0xe: {  	v6 =	vor.u32 $0x800, v1;
	v7 =	vor.u32 $0xC00, v1;
	v8 =	vor.u32 $0x1000, v1;
	s4 =	sadd.s32 $0x1D800, s8;
	s5 =	sadd.s32 $0x13A00, s8;
	s8 =	sadd.s32 $0x27600, s8  }
.LBB2_1:
0xf: {  	[tilespmem:s3], [sflag:$0x1] =	stream.linear.gather [hbm4b:s4+s3], $0x2710, $0x38;
	[tilespmem:$0x16170] =	vst v63  }
0x10: {  	_ = 	snop  }
0x11: {  	[tilespmem:s10], [sflag:$0x2] =	stream.linear.gather [hbm4b:s5+s3], $0x2710, $0x38;
	[tilespmem:$0x16170] =	vst v63  }
0x12: {  	[spmem:s11], [sflag:s7] =	dma.local [hbm:s6], $0x1388  }
0x13: {  	_ =	swait.ge [sflag:s12], $0x2710  }
0x14: {  	[sflag:s12] =	ssyncset.done $0x0  }
0x15: {  	[sflag:s12] =	ssyncadd.s32 $0xFFFFD8F0  }
0x16: {  	_ =	swait.ge [sflag:s13], $0x2710  }
0x17: {  	[sflag:s13] =	ssyncset.done $0x0  }
0x18: {  	[sflag:s13] =	ssyncadd.s32 $0xFFFFD8F0  }
0x19: {  	_ =	swait.ge [sflag:s14], $0x1388  }
0x1a: {  	[sflag:s14] =	ssyncset.done $0x0  }
0x1b: {  	[sflag:s14] =	ssyncadd.s32 $0xFFFFEC78  }
0x1c: {  	[bflag:$0x0] =	sbarrier.arrive $0xFFFF  }
0x1d: {  	[tilespmem:s16], [sflag:$0x1] =	stream.indirect.gather [spmem:s2], $0x40, s3, s15, $0xb8;
	[tilespmem:$0x16170] =	vst v63  }
0x1e: {  	s24 =	simm.s32 $0x0  }
0x1f: {  	[tilespmem:s17], [sflag:$0x3] =	stream.indirect.gather [spmem:s2], $0x40, s10, s15, $0xb8;
	[tilespmem:$0x16170] =	vst v63  }
.LBB2_2:
0x20: {  	_ =	swait.ge [sflag:s12], $0x1400  }
0x21: {  	s28 =	simm.s32 $0x0;
	[sflag:s12] =	ssyncset.done $0x0  }
0x22: {  	v9 =	vadd.s32 s28, v2;
	[sflag:s12] =	ssyncadd.s32 $0xFFFFEC00  }
0x23: {  	s25 =	smul.u32 $0xA0, s24;
	v9 =	vand.u32 $0x3F, v9;
	_ =	swait.ge [sflag:s14], $0x1400  }
0x24: {  	v10 =	vadd.s32 s28, v0;
	v9 =	vor.u32 v1, v9;
	[sflag:s14] =	ssyncset.done $0x0  }
0x25: {  	v10 =	vand.u32 $0x3F, v10;
	s26 =	sadd.s32 $0x50, s25;
	[sflag:s14] =	ssyncadd.s32 $0xFFFFEC00  }
0x26: {  	v10 =	vor.u32 v1, v10;
	[tilespmem:s18], [sflag:$0x2] =	stream.indirect.gather [spmem:s2], $0x40, s26, s15, $0xb8;
	[tilespmem:$0x16170] =	vst v63  }
0x27: {  	v11 =	vadd.s32 s28, v4;
	s29 =	sadd.s32 $0x2760, s25  }
0x28: {  	v13 =	vadd.s32 s28, v3;
	v11 =	vand.u32 $0x3F, v11;
	[tilespmem:s19], [sflag:$0x4] =	stream.indirect.gather [spmem:s2], $0x40, s29, s15, $0xb8;
	[tilespmem:$0x16170] =	vst v63  }
0x29: {  	v13 =	vand.u32 $0x3F, v13;
	v16 =	vor.u32 v1, v11;
	v12 =	vld.idx.msk [tilespmem:v9+s17+$0x0], $0xffff  }
0x2a: {  	v13 =	vor.u32 v1, v13;
	v17 =	vld.idx.msk [tilespmem:v9+s16+$0x0], $0xffff  }
0x2b: {  	s28 =	simm.s32 $0x4;
	v15 =	vld.idx.msk [tilespmem:v10+s17+$0x0], $0xffff  }
0x2c: {  	v18 =	vld.idx.msk [tilespmem:v10+s16+$0x0], $0xffff;
	v9 =	vadd.s32 s28, v0;
	v10 =	vadd.s32 s28, v2  }
0x2d: {  	v14 =	vand.u32 $0x3F, v9;
	v19 =	vand.u32 $0x3F, v10  }
0x2e: {  	v9 =	vld.idx.msk [tilespmem:v16+s17+$0x0], $0xffff;
	v10 =	vor.u32 v1, v14;
	v14 =	vor.u32 v1, v19  }
0x2f: {  	v19 =	vadd.s32 s28, v4;
	v20 =	vmul.bf16 v12, v17;
	v12 =	vld.idx.msk [tilespmem:v13+s16+$0x0], $0xffff  }
0x30: {  	v11 =	vimm.f32 $0.0e+00;
	v23 =	vand.u32 $0x3F, v19;
	v19 =	vimm.f32 $0.0e+00;
	v13 =	vld.idx.msk [tilespmem:v13+s17+$0x0], $0xffff  }
0x31: {  	v17 =	vadd.s32 s28, v3;
	v21 =	vmul.bf16 v15, v18;
	v18 =	vld.idx.msk [tilespmem:v16+s16+$0x0], $0xffff;
	v15 =	vimm.f32 $0.0e+00  }
0x32: {  	s28 =	simm.s32 $0x8;
	v16 =	vimm.f32 $0.0e+00;
	v22 =	vand.u32 $0x3F, v17;
	v17 =	vunpack.i.u.bf16.f32 v20  }
.LBB2_3:
0x33: {  	p0 =	sne.s32 s28, $0x3C;
	v24 =	vld.idx.msk [tilespmem:v14+s17+$0x0], $0xffff;
	v22 =	vor.u32 v1, v22;
	v23 =	vor.u32 v1, v23;
	v20 =	vunpack.i.l.bf16.f32 v20;
	s29 =	smov.u32 s28;
	s28 =	sadd.s32 $0x4, s28  }
0x34: {  	v26 =	vunpack.i.u.bf16.f32 v21;
	v21 =	vunpack.i.l.bf16.f32 v21;
	v25 =	vld.idx.msk [tilespmem:v10+s17+$0x0], $0xffff;
	v11 =	vadd.f32 v20, v11  }
0x35: {  	v19 =	vadd.f32 v21, v19;
	v15 =	vadd.f32 v26, v15;
	v21 =	vmul.bf16 v13, v12;
	v20 =	vld.idx.msk [tilespmem:v14+s16+$0x0], $0xffff  }
0x36: {  	v16 =	vadd.f32 v17, v16;
	v17 =	vmul.bf16 v9, v18;
	v26 =	vld.idx.msk [tilespmem:v10+s16+$0x0], $0xffff  }
0x37: {  	v9 =	vadd.s32 s29, v0;
	v10 =	vadd.s32 s29, v2;
	v18 =	vunpack.i.u.bf16.f32 v21  }
0x38: {  	v12 =	vand.u32 $0x3F, v9;
	v13 =	vand.u32 $0x3F, v10;
	v27 =	vunpack.i.l.bf16.f32 v17;
	v9 =	vld.idx.msk [tilespmem:v23+s17+$0x0], $0xffff  }
.Ltmp0:
0x39: {  	v10 =	vor.u32 v1, v12;
	v14 =	vor.u32 v1, v13;
	v11 =	vadd.f32 v27, v11;
	v12 =	vld.idx.msk [tilespmem:v22+s16+$0x0], $0xffff;
	(pc) =	sbr.rel @p0 .LBB2_3-.Ltmp0, $4  }
0x3a: {  	v21 =	vunpack.i.l.bf16.f32 v21;
	v15 =	vadd.f32 v18, v15;
	v17 =	vunpack.i.u.bf16.f32 v17;
	v13 =	vld.idx.msk [tilespmem:v22+s17+$0x0], $0xffff  }
0x3b: {  	v19 =	vadd.f32 v21, v19;
	v16 =	vadd.f32 v17, v16;
	v20 =	vmul.bf16 v24, v20;
	v18 =	vld.idx.msk [tilespmem:v23+s16+$0x0], $0xffff  }
0x3c: {  	v17 =	vadd.s32 s29, v3;
	v23 =	vadd.s32 s29, v4;
	v21 =	vmul.bf16 v25, v26  }
0x3d: {  	v22 =	vand.u32 $0x3F, v17;
	v23 =	vand.u32 $0x3F, v23;
	v17 =	vunpack.i.u.bf16.f32 v20  }
0x3e: {  	_ =	sdelay $0x2  }
0x3f: {  	v23 =	vor.u32 v1, v23  }
0x40: {  	v24 =	vld.idx.msk [tilespmem:v14+s17+$0x0], $0xffff;
	v22 =	vor.u32 v1, v22  }
0x41: {  	v25 =	vld.idx.msk [tilespmem:v10+s17+$0x0], $0xffff  }
0x42: {  	v14 =	vld.idx.msk [tilespmem:v14+s16+$0x0], $0xffff  }
0x43: {  	v10 =	vld.idx.msk [tilespmem:v10+s16+$0x0], $0xffff  }
0x44: {  	v20 =	vunpack.i.l.bf16.f32 v20;
	v26 =	vunpack.i.u.bf16.f32 v21;
	v9 =	vmul.bf16 v9, v18;
	v18 =	vld.idx.msk [tilespmem:v23+s17+$0x0], $0xffff  }
0x45: {  	v21 =	vunpack.i.l.bf16.f32 v21;
	v11 =	vadd.f32 v20, v11;
	v12 =	vmul.bf16 v13, v12;
	v13 =	vld.idx.msk [tilespmem:v22+s16+$0x0], $0xffff  }
0x46: {  	v19 =	vadd.f32 v21, v19;
	v15 =	vadd.f32 v26, v15;
	v20 =	vunpack.i.l.bf16.f32 v9;
	v21 =	vld.idx.msk [tilespmem:v22+s17+$0x0], $0xffff  }
0x47: {  	v16 =	vadd.f32 v17, v16;
	v17 =	vunpack.i.u.bf16.f32 v12;
	v11 =	vadd.f32 v20, v11;
	v20 =	vld.idx.msk [tilespmem:v23+s16+$0x0], $0xffff  }
0x48: {  	v12 =	vunpack.i.l.bf16.f32 v12;
	v15 =	vadd.f32 v17, v15;
	v14 =	vmul.bf16 v24, v14  }
0x49: {  	v9 =	vunpack.i.u.bf16.f32 v9;
	v12 =	vadd.f32 v12, v19;
	v10 =	vmul.bf16 v25, v10  }
0x4a: {  	v9 =	vadd.f32 v9, v16;
	v16 =	vunpack.i.u.bf16.f32 v14;
	v14 =	vunpack.i.l.bf16.f32 v14  }
0x4b: {  	v17 =	vunpack.i.u.bf16.f32 v10;
	v10 =	vunpack.i.l.bf16.f32 v10;
	v11 =	vadd.f32 v14, v11  }
0x4c: {  	v10 =	vadd.f32 v10, v12;
	v12 =	vmul.bf16 v21, v13;
	v13 =	vmul.bf16 v18, v20  }
0x4d: {  	v14 =	vadd.f32 v17, v15;
	v9 =	vadd.f32 v16, v9  }
0x4e: {  	v15 =	vunpack.i.u.bf16.f32 v12;
	v16 =	vunpack.i.l.bf16.f32 v13;
	v12 =	vunpack.i.l.bf16.f32 v12  }
0x4f: {  	s28 =	simm.s32 $0x0;
	v13 =	vunpack.i.u.bf16.f32 v13;
	v14 =	vadd.f32 v15, v14;
	v10 =	vadd.f32 v12, v10  }
0x50: {  	v11 =	vadd.f32 v16, v11;
	v9 =	vadd.f32 v13, v9;
	v12 =	vadd.s32 s28, v2  }
0x51: {  	v12 =	vand.u32 $0x3F, v12  }
0x52: {  	v10 =	vadd.f32 v14, v10;
	v9 =	vadd.f32 v9, v11;
	v12 =	vor.u32 v5, v12  }
0x53: {  	v13 =	vadd.s32 s28, v0  }
0x54: {  	v11 =	vand.u32 $0x3F, v13;
	v9 =	vadd.f32 v9, v10  }
0x55: {  	v11 =	vor.u32 v5, v11  }
0x56: {  	v10 =	vadd.s32 s28, v3;
	[tilespmem:s25+$0x13A60] =	vst v9  }
0x57: {  	v10 =	vand.u32 $0x3F, v10;
	v13 =	vld.idx.msk [tilespmem:v12+s17+$0x0], $0xffff  }
0x58: {  	v9 =	vadd.s32 s28, v4;
	v17 =	vor.u32 v5, v10;
	v12 =	vld.idx.msk [tilespmem:v12+s16+$0x0], $0xffff  }
0x59: {  	v9 =	vand.u32 $0x3F, v9  }
0x5a: {  	s28 =	simm.s32 $0x4;
	v15 =	vld.idx.msk [tilespmem:v11+s17+$0x0], $0xffff;
	v16 =	vor.u32 v5, v9  }
0x5b: {  	v10 =	vadd.s32 s28, v2;
	v18 =	vld.idx.msk [tilespmem:v11+s16+$0x0], $0xffff;
	v9 =	vadd.s32 s28, v0  }
0x5c: {  	v19 =	vand.u32 $0x3F, v10;
	v14 =	vand.u32 $0x3F, v9  }
0x5d: {  	v10 =	vor.u32 v5, v14;
	v14 =	vor.u32 v5, v19;
	v20 =	vmul.bf16 v13, v12;
	v12 =	vld.idx.msk [tilespmem:v17+s16+$0x0], $0xffff  }
0x5e: {  	v23 =	vadd.s32 s28, v4;
	v13 =	vld.idx.msk [tilespmem:v17+s17+$0x0], $0xffff  }
0x5f: {  	v11 =	vimm.f32 $0.0e+00;
	v23 =	vand.u32 $0x3F, v23;
	v19 =	vadd.s32 s28, v3;
	v9 =	vld.idx.msk [tilespmem:v16+s17+$0x0], $0xffff  }
0x60: {  	v22 =	vand.u32 $0x3F, v19;
	v19 =	vimm.f32 $0.0e+00;
	v21 =	vmul.bf16 v15, v18;
	v18 =	vld.idx.msk [tilespmem:v16+s16+$0x0], $0xffff  }
0x61: {  	s28 =	simm.s32 $0x8;
	v15 =	vimm.f32 $0.0e+00;
	v16 =	vimm.f32 $0.0e+00;
	v17 =	vunpack.i.u.bf16.f32 v20  }
.LBB2_5:
0x62: {  	p0 =	sne.s32 s28, $0x3C;
	v24 =	vld.idx.msk [tilespmem:v14+s17+$0x0], $0xffff;
	v22 =	vor.u32 v5, v22;
	v23 =	vor.u32 v5, v23;
	v20 =	vunpack.i.l.bf16.f32 v20;
	s29 =	smov.u32 s28;
	s28 =	sadd.s32 $0x4, s28  }
0x63: {  	v26 =	vunpack.i.u.bf16.f32 v21;
	v21 =	vunpack.i.l.bf16.f32 v21;
	v25 =	vld.idx.msk [tilespmem:v10+s17+$0x0], $0xffff;
	v11 =	vadd.f32 v20, v11  }
0x64: {  	v19 =	vadd.f32 v21, v19;
	v15 =	vadd.f32 v26, v15;
	v21 =	vmul.bf16 v13, v12;
	v20 =	vld.idx.msk [tilespmem:v14+s16+$0x0], $0xffff  }
0x65: {  	v16 =	vadd.f32 v17, v16;
	v17 =	vmul.bf16 v9, v18;
	v26 =	vld.idx.msk [tilespmem:v10+s16+$0x0], $0xffff  }
0x66: {  	v9 =	vadd.s32 s29, v0;
	v10 =	vadd.s32 s29, v2;
	v18 =	vunpack.i.u.bf16.f32 v21  }
0x67: {  	v12 =	vand.u32 $0x3F, v9;
	v13 =	vand.u32 $0x3F, v10;
	v27 =	vunpack.i.l.bf16.f32 v17;
	v9 =	vld.idx.msk [tilespmem:v23+s17+$0x0], $0xffff  }
.Ltmp1:
0x68: {  	v10 =	vor.u32 v5, v12;
	v14 =	vor.u32 v5, v13;
	v11 =	vadd.f32 v27, v11;
	v12 =	vld.idx.msk [tilespmem:v22+s16+$0x0], $0xffff;
	(pc) =	sbr.rel @p0 .LBB2_5-.Ltmp1, $4  }
0x69: {  	v21 =	vunpack.i.l.bf16.f32 v21;
	v15 =	vadd.f32 v18, v15;
	v17 =	vunpack.i.u.bf16.f32 v17;
	v13 =	vld.idx.msk [tilespmem:v22+s17+$0x0], $0xffff  }
0x6a: {  	v19 =	vadd.f32 v21, v19;
	v16 =	vadd.f32 v17, v16;
	v20 =	vmul.bf16 v24, v20;
	v18 =	vld.idx.msk [tilespmem:v23+s16+$0x0], $0xffff  }
0x6b: {  	v17 =	vadd.s32 s29, v3;
	v23 =	vadd.s32 s29, v4;
	v21 =	vmul.bf16 v25, v26  }
0x6c: {  	v22 =	vand.u32 $0x3F, v17;
	v23 =	vand.u32 $0x3F, v23;
	v17 =	vunpack.i.u.bf16.f32 v20  }
0x6d: {  	_ =	sdelay $0x2  }
0x6e: {  	v23 =	vor.u32 v5, v23  }
0x6f: {  	v24 =	vld.idx.msk [tilespmem:v14+s17+$0x0], $0xffff;
	v22 =	vor.u32 v5, v22  }
0x70: {  	v25 =	vld.idx.msk [tilespmem:v10+s17+$0x0], $0xffff  }
0x71: {  	v14 =	vld.idx.msk [tilespmem:v14+s16+$0x0], $0xffff  }
0x72: {  	v10 =	vld.idx.msk [tilespmem:v10+s16+$0x0], $0xffff  }
0x73: {  	v20 =	vunpack.i.l.bf16.f32 v20;
	v26 =	vunpack.i.u.bf16.f32 v21;
	v9 =	vmul.bf16 v9, v18;
	v18 =	vld.idx.msk [tilespmem:v23+s17+$0x0], $0xffff  }
0x74: {  	v21 =	vunpack.i.l.bf16.f32 v21;
	v11 =	vadd.f32 v20, v11;
	v12 =	vmul.bf16 v13, v12;
	v13 =	vld.idx.msk [tilespmem:v22+s16+$0x0], $0xffff  }
0x75: {  	v19 =	vadd.f32 v21, v19;
	v15 =	vadd.f32 v26, v15;
	v20 =	vunpack.i.l.bf16.f32 v9;
	v21 =	vld.idx.msk [tilespmem:v22+s17+$0x0], $0xffff  }
0x76: {  	v16 =	vadd.f32 v17, v16;
	v17 =	vunpack.i.u.bf16.f32 v12;
	v11 =	vadd.f32 v20, v11;
	v20 =	vld.idx.msk [tilespmem:v23+s16+$0x0], $0xffff  }
0x77: {  	v12 =	vunpack.i.l.bf16.f32 v12;
	v15 =	vadd.f32 v17, v15;
	v14 =	vmul.bf16 v24, v14  }
0x78: {  	v9 =	vunpack.i.u.bf16.f32 v9;
	v12 =	vadd.f32 v12, v19;
	v10 =	vmul.bf16 v25, v10  }
0x79: {  	v9 =	vadd.f32 v9, v16;
	v16 =	vunpack.i.u.bf16.f32 v14;
	v14 =	vunpack.i.l.bf16.f32 v14  }
0x7a: {  	v17 =	vunpack.i.u.bf16.f32 v10;
	v10 =	vunpack.i.l.bf16.f32 v10;
	v11 =	vadd.f32 v14, v11  }
0x7b: {  	v10 =	vadd.f32 v10, v12;
	v12 =	vmul.bf16 v21, v13;
	v13 =	vmul.bf16 v18, v20  }
0x7c: {  	v14 =	vadd.f32 v17, v15;
	v9 =	vadd.f32 v16, v9  }
0x7d: {  	v15 =	vunpack.i.u.bf16.f32 v12;
	v16 =	vunpack.i.l.bf16.f32 v13;
	v12 =	vunpack.i.l.bf16.f32 v12  }
0x7e: {  	s28 =	simm.s32 $0x0;
	v13 =	vunpack.i.u.bf16.f32 v13;
	v14 =	vadd.f32 v15, v14;
	v10 =	vadd.f32 v12, v10  }
0x7f: {  	v11 =	vadd.f32 v16, v11;
	v9 =	vadd.f32 v13, v9;
	v12 =	vadd.s32 s28, v2  }
0x80: {  	v12 =	vand.u32 $0x3F, v12  }
0x81: {  	v10 =	vadd.f32 v14, v10;
	v9 =	vadd.f32 v9, v11;
	v12 =	vor.u32 v6, v12  }
0x82: {  	v13 =	vadd.s32 s28, v0  }
0x83: {  	v11 =	vand.u32 $0x3F, v13;
	v9 =	vadd.f32 v9, v10  }
0x84: {  	v11 =	vor.u32 v6, v11  }
0x85: {  	v10 =	vadd.s32 s28, v3;
	[tilespmem:s25+$0x13A70] =	vst v9  }
0x86: {  	v10 =	vand.u32 $0x3F, v10;
	v13 =	vld.idx.msk [tilespmem:v12+s17+$0x0], $0xffff  }
0x87: {  	v9 =	vadd.s32 s28, v4;
	v17 =	vor.u32 v6, v10;
	v12 =	vld.idx.msk [tilespmem:v12+s16+$0x0], $0xffff  }
0x88: {  	v9 =	vand.u32 $0x3F, v9  }
0x89: {  	s28 =	simm.s32 $0x4;
	v15 =	vld.idx.msk [tilespmem:v11+s17+$0x0], $0xffff;
	v16 =	vor.u32 v6, v9  }
0x8a: {  	v10 =	vadd.s32 s28, v2;
	v18 =	vld.idx.msk [tilespmem:v11+s16+$0x0], $0xffff;
	v9 =	vadd.s32 s28, v0  }
0x8b: {  	v19 =	vand.u32 $0x3F, v10;
	v14 =	vand.u32 $0x3F, v9  }
0x8c: {  	v10 =	vor.u32 v6, v14;
	v14 =	vor.u32 v6, v19;
	v20 =	vmul.bf16 v13, v12;
	v12 =	vld.idx.msk [tilespmem:v17+s16+$0x0], $0xffff  }
0x8d: {  	v23 =	vadd.s32 s28, v4;
	v13 =	vld.idx.msk [tilespmem:v17+s17+$0x0], $0xffff  }
0x8e: {  	v11 =	vimm.f32 $0.0e+00;
	v23 =	vand.u32 $0x3F, v23;
	v19 =	vadd.s32 s28, v3;
	v9 =	vld.idx.msk [tilespmem:v16+s17+$0x0], $0xffff  }
0x8f: {  	v22 =	vand.u32 $0x3F, v19;
	v19 =	vimm.f32 $0.0e+00;
	v21 =	vmul.bf16 v15, v18;
	v18 =	vld.idx.msk [tilespmem:v16+s16+$0x0], $0xffff  }
0x90: {  	s28 =	simm.s32 $0x8;
	v15 =	vimm.f32 $0.0e+00;
	v16 =	vimm.f32 $0.0e+00;
	v17 =	vunpack.i.u.bf16.f32 v20  }
.LBB2_7:
0x91: {  	p0 =	sne.s32 s28, $0x3C;
	v24 =	vld.idx.msk [tilespmem:v14+s17+$0x0], $0xffff;
	v22 =	vor.u32 v6, v22;
	v23 =	vor.u32 v6, v23;
	v20 =	vunpack.i.l.bf16.f32 v20;
	s29 =	smov.u32 s28;
	s28 =	sadd.s32 $0x4, s28  }
0x92: {  	v26 =	vunpack.i.u.bf16.f32 v21;
	v21 =	vunpack.i.l.bf16.f32 v21;
	v25 =	vld.idx.msk [tilespmem:v10+s17+$0x0], $0xffff;
	v11 =	vadd.f32 v20, v11  }
0x93: {  	v19 =	vadd.f32 v21, v19;
	v15 =	vadd.f32 v26, v15;
	v21 =	vmul.bf16 v13, v12;
	v20 =	vld.idx.msk [tilespmem:v14+s16+$0x0], $0xffff  }
0x94: {  	v16 =	vadd.f32 v17, v16;
	v17 =	vmul.bf16 v9, v18;
	v26 =	vld.idx.msk [tilespmem:v10+s16+$0x0], $0xffff  }
0x95: {  	v9 =	vadd.s32 s29, v0;
	v10 =	vadd.s32 s29, v2;
	v18 =	vunpack.i.u.bf16.f32 v21  }
0x96: {  	v12 =	vand.u32 $0x3F, v9;
	v13 =	vand.u32 $0x3F, v10;
	v27 =	vunpack.i.l.bf16.f32 v17;
	v9 =	vld.idx.msk [tilespmem:v23+s17+$0x0], $0xffff  }
.Ltmp2:
0x97: {  	v10 =	vor.u32 v6, v12;
	v14 =	vor.u32 v6, v13;
	v11 =	vadd.f32 v27, v11;
	v12 =	vld.idx.msk [tilespmem:v22+s16+$0x0], $0xffff;
	(pc) =	sbr.rel @p0 .LBB2_7-.Ltmp2, $4  }
0x98: {  	v21 =	vunpack.i.l.bf16.f32 v21;
	v15 =	vadd.f32 v18, v15;
	v17 =	vunpack.i.u.bf16.f32 v17;
	v13 =	vld.idx.msk [tilespmem:v22+s17+$0x0], $0xffff  }
0x99: {  	v19 =	vadd.f32 v21, v19;
	v16 =	vadd.f32 v17, v16;
	v20 =	vmul.bf16 v24, v20;
	v18 =	vld.idx.msk [tilespmem:v23+s16+$0x0], $0xffff  }
0x9a: {  	v17 =	vadd.s32 s29, v3;
	v23 =	vadd.s32 s29, v4;
	v21 =	vmul.bf16 v25, v26  }
0x9b: {  	v22 =	vand.u32 $0x3F, v17;
	v23 =	vand.u32 $0x3F, v23;
	v17 =	vunpack.i.u.bf16.f32 v20  }
0x9c: {  	_ =	sdelay $0x2  }
0x9d: {  	v23 =	vor.u32 v6, v23  }
0x9e: {  	v24 =	vld.idx.msk [tilespmem:v14+s17+$0x0], $0xffff;
	v22 =	vor.u32 v6, v22  }
0x9f: {  	v25 =	vld.idx.msk [tilespmem:v10+s17+$0x0], $0xffff  }
0xa0: {  	v14 =	vld.idx.msk [tilespmem:v14+s16+$0x0], $0xffff  }
0xa1: {  	v10 =	vld.idx.msk [tilespmem:v10+s16+$0x0], $0xffff  }
0xa2: {  	v20 =	vunpack.i.l.bf16.f32 v20;
	v26 =	vunpack.i.u.bf16.f32 v21;
	v9 =	vmul.bf16 v9, v18;
	v18 =	vld.idx.msk [tilespmem:v23+s17+$0x0], $0xffff  }
0xa3: {  	v21 =	vunpack.i.l.bf16.f32 v21;
	v11 =	vadd.f32 v20, v11;
	v12 =	vmul.bf16 v13, v12;
	v13 =	vld.idx.msk [tilespmem:v22+s16+$0x0], $0xffff  }
0xa4: {  	v19 =	vadd.f32 v21, v19;
	v15 =	vadd.f32 v26, v15;
	v20 =	vunpack.i.l.bf16.f32 v9;
	v21 =	vld.idx.msk [tilespmem:v22+s17+$0x0], $0xffff  }
0xa5: {  	v16 =	vadd.f32 v17, v16;
	v17 =	vunpack.i.u.bf16.f32 v12;
	v11 =	vadd.f32 v20, v11;
	v20 =	vld.idx.msk [tilespmem:v23+s16+$0x0], $0xffff  }
0xa6: {  	v12 =	vunpack.i.l.bf16.f32 v12;
	v15 =	vadd.f32 v17, v15;
	v14 =	vmul.bf16 v24, v14  }
0xa7: {  	v9 =	vunpack.i.u.bf16.f32 v9;
	v12 =	vadd.f32 v12, v19;
	v10 =	vmul.bf16 v25, v10  }
0xa8: {  	v9 =	vadd.f32 v9, v16;
	v16 =	vunpack.i.u.bf16.f32 v14;
	v14 =	vunpack.i.l.bf16.f32 v14  }
0xa9: {  	v17 =	vunpack.i.u.bf16.f32 v10;
	v10 =	vunpack.i.l.bf16.f32 v10;
	v11 =	vadd.f32 v14, v11  }
0xaa: {  	v10 =	vadd.f32 v10, v12;
	v12 =	vmul.bf16 v21, v13;
	v13 =	vmul.bf16 v18, v20  }
0xab: {  	v14 =	vadd.f32 v17, v15;
	v9 =	vadd.f32 v16, v9  }
0xac: {  	v15 =	vunpack.i.u.bf16.f32 v12;
	v16 =	vunpack.i.l.bf16.f32 v13;
	v12 =	vunpack.i.l.bf16.f32 v12  }
0xad: {  	s28 =	simm.s32 $0x0;
	v13 =	vunpack.i.u.bf16.f32 v13;
	v14 =	vadd.f32 v15, v14;
	v10 =	vadd.f32 v12, v10  }
0xae: {  	v11 =	vadd.f32 v16, v11;
	v9 =	vadd.f32 v13, v9;
	v12 =	vadd.s32 s28, v2  }
0xaf: {  	v12 =	vand.u32 $0x3F, v12  }
0xb0: {  	v10 =	vadd.f32 v14, v10;
	v9 =	vadd.f32 v9, v11;
	v12 =	vor.u32 v7, v12  }
0xb1: {  	v13 =	vadd.s32 s28, v0  }
0xb2: {  	v11 =	vand.u32 $0x3F, v13;
	v9 =	vadd.f32 v9, v10  }
0xb3: {  	v11 =	vor.u32 v7, v11  }
0xb4: {  	v10 =	vadd.s32 s28, v3;
	[tilespmem:s25+$0x13A80] =	vst v9  }
0xb5: {  	v10 =	vand.u32 $0x3F, v10;
	v13 =	vld.idx.msk [tilespmem:v12+s17+$0x0], $0xffff  }
0xb6: {  	v9 =	vadd.s32 s28, v4;
	v17 =	vor.u32 v7, v10;
	v12 =	vld.idx.msk [tilespmem:v12+s16+$0x0], $0xffff  }
0xb7: {  	v9 =	vand.u32 $0x3F, v9  }
0xb8: {  	s28 =	simm.s32 $0x4;
	v15 =	vld.idx.msk [tilespmem:v11+s17+$0x0], $0xffff;
	v16 =	vor.u32 v7, v9  }
0xb9: {  	v10 =	vadd.s32 s28, v2;
	v18 =	vld.idx.msk [tilespmem:v11+s16+$0x0], $0xffff;
	v9 =	vadd.s32 s28, v0  }
0xba: {  	v19 =	vand.u32 $0x3F, v10;
	v14 =	vand.u32 $0x3F, v9  }
0xbb: {  	v10 =	vor.u32 v7, v14;
	v14 =	vor.u32 v7, v19;
	v20 =	vmul.bf16 v13, v12;
	v12 =	vld.idx.msk [tilespmem:v17+s16+$0x0], $0xffff  }
0xbc: {  	v23 =	vadd.s32 s28, v4;
	v13 =	vld.idx.msk [tilespmem:v17+s17+$0x0], $0xffff  }
0xbd: {  	v11 =	vimm.f32 $0.0e+00;
	v23 =	vand.u32 $0x3F, v23;
	v19 =	vadd.s32 s28, v3;
	v9 =	vld.idx.msk [tilespmem:v16+s17+$0x0], $0xffff  }
0xbe: {  	v22 =	vand.u32 $0x3F, v19;
	v19 =	vimm.f32 $0.0e+00;
	v21 =	vmul.bf16 v15, v18;
	v18 =	vld.idx.msk [tilespmem:v16+s16+$0x0], $0xffff  }
0xbf: {  	s28 =	simm.s32 $0x8;
	v15 =	vimm.f32 $0.0e+00;
	v16 =	vimm.f32 $0.0e+00;
	v17 =	vunpack.i.u.bf16.f32 v20  }
.LBB2_9:
0xc0: {  	p0 =	sne.s32 s28, $0x3C;
	v24 =	vld.idx.msk [tilespmem:v14+s17+$0x0], $0xffff;
	v22 =	vor.u32 v7, v22;
	v23 =	vor.u32 v7, v23;
	v20 =	vunpack.i.l.bf16.f32 v20;
	s29 =	smov.u32 s28;
	s28 =	sadd.s32 $0x4, s28  }
0xc1: {  	v26 =	vunpack.i.u.bf16.f32 v21;
	v21 =	vunpack.i.l.bf16.f32 v21;
	v25 =	vld.idx.msk [tilespmem:v10+s17+$0x0], $0xffff;
	v11 =	vadd.f32 v20, v11  }
0xc2: {  	v19 =	vadd.f32 v21, v19;
	v15 =	vadd.f32 v26, v15;
	v21 =	vmul.bf16 v13, v12;
	v20 =	vld.idx.msk [tilespmem:v14+s16+$0x0], $0xffff  }
0xc3: {  	v16 =	vadd.f32 v17, v16;
	v17 =	vmul.bf16 v9, v18;
	v26 =	vld.idx.msk [tilespmem:v10+s16+$0x0], $0xffff  }
0xc4: {  	v9 =	vadd.s32 s29, v0;
	v10 =	vadd.s32 s29, v2;
	v18 =	vunpack.i.u.bf16.f32 v21  }
0xc5: {  	v12 =	vand.u32 $0x3F, v9;
	v13 =	vand.u32 $0x3F, v10;
	v27 =	vunpack.i.l.bf16.f32 v17;
	v9 =	vld.idx.msk [tilespmem:v23+s17+$0x0], $0xffff  }
.Ltmp3:
0xc6: {  	v10 =	vor.u32 v7, v12;
	v14 =	vor.u32 v7, v13;
	v11 =	vadd.f32 v27, v11;
	v12 =	vld.idx.msk [tilespmem:v22+s16+$0x0], $0xffff;
	(pc) =	sbr.rel @p0 .LBB2_9-.Ltmp3, $4  }
0xc7: {  	v21 =	vunpack.i.l.bf16.f32 v21;
	v15 =	vadd.f32 v18, v15;
	v17 =	vunpack.i.u.bf16.f32 v17;
	v13 =	vld.idx.msk [tilespmem:v22+s17+$0x0], $0xffff  }
0xc8: {  	v19 =	vadd.f32 v21, v19;
	v16 =	vadd.f32 v17, v16;
	v20 =	vmul.bf16 v24, v20;
	v18 =	vld.idx.msk [tilespmem:v23+s16+$0x0], $0xffff  }
0xc9: {  	v17 =	vadd.s32 s29, v3;
	v23 =	vadd.s32 s29, v4;
	v21 =	vmul.bf16 v25, v26  }
0xca: {  	v22 =	vand.u32 $0x3F, v17;
	v23 =	vand.u32 $0x3F, v23;
	v17 =	vunpack.i.u.bf16.f32 v20  }
0xcb: {  	_ =	sdelay $0x2  }
0xcc: {  	v23 =	vor.u32 v7, v23  }
0xcd: {  	v24 =	vld.idx.msk [tilespmem:v14+s17+$0x0], $0xffff;
	v22 =	vor.u32 v7, v22  }
0xce: {  	v25 =	vld.idx.msk [tilespmem:v10+s17+$0x0], $0xffff  }
0xcf: {  	v14 =	vld.idx.msk [tilespmem:v14+s16+$0x0], $0xffff  }
0xd0: {  	v10 =	vld.idx.msk [tilespmem:v10+s16+$0x0], $0xffff  }
0xd1: {  	v20 =	vunpack.i.l.bf16.f32 v20;
	v26 =	vunpack.i.u.bf16.f32 v21;
	v9 =	vmul.bf16 v9, v18;
	v18 =	vld.idx.msk [tilespmem:v23+s17+$0x0], $0xffff  }
0xd2: {  	v21 =	vunpack.i.l.bf16.f32 v21;
	v11 =	vadd.f32 v20, v11;
	v12 =	vmul.bf16 v13, v12;
	v13 =	vld.idx.msk [tilespmem:v22+s16+$0x0], $0xffff  }
0xd3: {  	v19 =	vadd.f32 v21, v19;
	v15 =	vadd.f32 v26, v15;
	v20 =	vunpack.i.l.bf16.f32 v9;
	v21 =	vld.idx.msk [tilespmem:v22+s17+$0x0], $0xffff  }
0xd4: {  	v16 =	vadd.f32 v17, v16;
	v17 =	vunpack.i.u.bf16.f32 v12;
	v11 =	vadd.f32 v20, v11;
	v20 =	vld.idx.msk [tilespmem:v23+s16+$0x0], $0xffff  }
0xd5: {  	v12 =	vunpack.i.l.bf16.f32 v12;
	v15 =	vadd.f32 v17, v15;
	v14 =	vmul.bf16 v24, v14  }
0xd6: {  	v9 =	vunpack.i.u.bf16.f32 v9;
	v12 =	vadd.f32 v12, v19;
	v10 =	vmul.bf16 v25, v10  }
0xd7: {  	v9 =	vadd.f32 v9, v16;
	v16 =	vunpack.i.u.bf16.f32 v14;
	v14 =	vunpack.i.l.bf16.f32 v14  }
0xd8: {  	v17 =	vunpack.i.u.bf16.f32 v10;
	v10 =	vunpack.i.l.bf16.f32 v10;
	v11 =	vadd.f32 v14, v11  }
0xd9: {  	v10 =	vadd.f32 v10, v12;
	v12 =	vmul.bf16 v21, v13;
	v13 =	vmul.bf16 v18, v20  }
0xda: {  	v14 =	vadd.f32 v17, v15;
	v9 =	vadd.f32 v16, v9  }
0xdb: {  	v15 =	vunpack.i.u.bf16.f32 v12;
	v16 =	vunpack.i.l.bf16.f32 v13;
	v12 =	vunpack.i.l.bf16.f32 v12  }
0xdc: {  	s28 =	simm.s32 $0x0;
	v13 =	vunpack.i.u.bf16.f32 v13;
	v14 =	vadd.f32 v15, v14;
	v10 =	vadd.f32 v12, v10  }
0xdd: {  	v11 =	vadd.f32 v16, v11;
	v9 =	vadd.f32 v13, v9;
	v12 =	vadd.s32 s28, v2  }
0xde: {  	v13 =	vadd.s32 s28, v0;
	v12 =	vand.u32 $0x3F, v12  }
0xdf: {  	v10 =	vadd.f32 v14, v10;
	v9 =	vadd.f32 v9, v11;
	v12 =	vor.u32 v8, v12  }
0xe0: {  	v11 =	vand.u32 $0x3F, v13  }
0xe1: {  	v11 =	vor.u32 v8, v11;
	v9 =	vadd.f32 v9, v10  }
0xe2: {  	v10 =	vadd.s32 s28, v3  }
0xe3: {  	v10 =	vand.u32 $0x3F, v10;
	[tilespmem:s25+$0x13A90] =	vst v9  }
0xe4: {  	v9 =	vadd.s32 s28, v4;
	v18 =	vor.u32 v8, v10;
	v14 =	vld.idx.msk [tilespmem:v12+s17+$0x0], $0xffff  }
0xe5: {  	v9 =	vand.u32 $0x3F, v9;
	v17 =	vld.idx.msk [tilespmem:v12+s16+$0x0], $0xffff  }
0xe6: {  	s28 =	simm.s32 $0x4;
	v15 =	vld.idx.msk [tilespmem:v11+s17+$0x0], $0xffff;
	v16 =	vor.u32 v8, v9  }
0xe7: {  	v10 =	vadd.s32 s28, v2;
	v19 =	vld.idx.msk [tilespmem:v11+s16+$0x0], $0xffff;
	v9 =	vadd.s32 s28, v0  }
0xe8: {  	v13 =	vand.u32 $0x3F, v10;
	v11 =	vand.u32 $0x3F, v9  }
0xe9: {  	v13 =	vor.u32 v8, v13;
	v10 =	vor.u32 v8, v11;
	v11 =	vld.idx.msk [tilespmem:v18+s16+$0x0], $0xffff  }
0xea: {  	v23 =	vadd.s32 s28, v4;
	v20 =	vmul.bf16 v14, v17;
	v14 =	vld.idx.msk [tilespmem:v18+s17+$0x0], $0xffff  }
0xeb: {  	v12 =	vimm.f32 $0.0e+00;
	v23 =	vand.u32 $0x3F, v23;
	v17 =	vadd.s32 s28, v3;
	v9 =	vld.idx.msk [tilespmem:v16+s17+$0x0], $0xffff  }
0xec: {  	v21 =	vmul.bf16 v15, v19;
	v22 =	vand.u32 $0x3F, v17;
	v16 =	vld.idx.msk [tilespmem:v16+s16+$0x0], $0xffff;
	v19 =	vimm.f32 $0.0e+00  }
0xed: {  	s28 =	simm.s32 $0x8;
	v15 =	vimm.f32 $0.0e+00;
	v17 =	vimm.f32 $0.0e+00;
	v18 =	vunpack.i.u.bf16.f32 v20  }
.LBB2_11:
0xee: {  	p0 =	sne.s32 s28, $0x3C;
	v24 =	vld.idx.msk [tilespmem:v13+s17+$0x0], $0xffff;
	v22 =	vor.u32 v8, v22;
	v23 =	vor.u32 v8, v23;
	v20 =	vunpack.i.l.bf16.f32 v20;
	s29 =	smov.u32 s28;
	s28 =	sadd.s32 $0x4, s28  }
0xef: {  	v26 =	vunpack.i.u.bf16.f32 v21;
	v21 =	vunpack.i.l.bf16.f32 v21;
	v25 =	vld.idx.msk [tilespmem:v10+s17+$0x0], $0xffff;
	v12 =	vadd.f32 v20, v12  }
0xf0: {  	v19 =	vadd.f32 v21, v19;
	v15 =	vadd.f32 v26, v15;
	v21 =	vmul.bf16 v14, v11;
	v20 =	vld.idx.msk [tilespmem:v13+s16+$0x0], $0xffff  }
0xf1: {  	v17 =	vadd.f32 v18, v17;
	v16 =	vmul.bf16 v9, v16;
	v26 =	vld.idx.msk [tilespmem:v10+s16+$0x0], $0xffff  }
0xf2: {  	v9 =	vadd.s32 s29, v0;
	v10 =	vadd.s32 s29, v2;
	v18 =	vunpack.i.u.bf16.f32 v21  }
0xf3: {  	v11 =	vand.u32 $0x3F, v9;
	v13 =	vand.u32 $0x3F, v10;
	v14 =	vunpack.i.l.bf16.f32 v16;
	v9 =	vld.idx.msk [tilespmem:v23+s17+$0x0], $0xffff  }
.Ltmp4:
0xf4: {  	v10 =	vor.u32 v8, v11;
	v13 =	vor.u32 v8, v13;
	v12 =	vadd.f32 v14, v12;
	v11 =	vld.idx.msk [tilespmem:v22+s16+$0x0], $0xffff;
	(pc) =	sbr.rel @p0 .LBB2_11-.Ltmp4, $4  }
0xf5: {  	v21 =	vunpack.i.l.bf16.f32 v21;
	v15 =	vadd.f32 v18, v15;
	v18 =	vunpack.i.u.bf16.f32 v16;
	v14 =	vld.idx.msk [tilespmem:v22+s17+$0x0], $0xffff  }
0xf6: {  	v19 =	vadd.f32 v21, v19;
	v17 =	vadd.f32 v18, v17;
	v20 =	vmul.bf16 v24, v20;
	v16 =	vld.idx.msk [tilespmem:v23+s16+$0x0], $0xffff  }
0xf7: {  	v18 =	vadd.s32 s29, v3;
	v23 =	vadd.s32 s29, v4;
	v21 =	vmul.bf16 v25, v26  }
0xf8: {  	v22 =	vand.u32 $0x3F, v18;
	v23 =	vand.u32 $0x3F, v23;
	v18 =	vunpack.i.u.bf16.f32 v20  }
0xf9: {  	_ =	sdelay $0x2  }
0xfa: {  	v23 =	vor.u32 v8, v23  }
0xfb: {  	v24 =	vld.idx.msk [tilespmem:v13+s17+$0x0], $0xffff;
	v22 =	vor.u32 v8, v22  }
0xfc: {  	v25 =	vld.idx.msk [tilespmem:v10+s17+$0x0], $0xffff  }
0xfd: {  	v13 =	vld.idx.msk [tilespmem:v13+s16+$0x0], $0xffff  }
0xfe: {  	v20 =	vunpack.i.l.bf16.f32 v20;
	v10 =	vld.idx.msk [tilespmem:v10+s16+$0x0], $0xffff  }
0xff: {  	v26 =	vunpack.i.u.bf16.f32 v21;
	v21 =	vunpack.i.l.bf16.f32 v21;
	v12 =	vadd.f32 v20, v12;
	v20 =	vld.idx.msk [tilespmem:v23+s17+$0x0], $0xffff  }
0x100: {  	v17 =	vadd.f32 v18, v17;
	v11 =	vmul.bf16 v14, v11;
	v9 =	vmul.bf16 v9, v16;
	v14 =	vld.idx.msk [tilespmem:v22+s16+$0x0], $0xffff  }
0x101: {  	v15 =	vadd.f32 v26, v15;
	v16 =	vadd.f32 v21, v19;
	v19 =	vld.idx.msk [tilespmem:v23+s16+$0x0], $0xffff  }
0x102: {  	v18 =	vunpack.i.u.bf16.f32 v11;
	v11 =	vunpack.i.l.bf16.f32 v11;
	v21 =	vunpack.i.l.bf16.f32 v9;
	v22 =	vld.idx.msk [tilespmem:v22+s17+$0x0], $0xffff  }
0x103: {  	v15 =	vadd.f32 v18, v15;
	v9 =	vunpack.i.u.bf16.f32 v9;
	v13 =	vmul.bf16 v24, v13  }
0x104: {  	v11 =	vadd.f32 v11, v16;
	v12 =	vadd.f32 v21, v12;
	v10 =	vmul.bf16 v25, v10  }
0x105: {  	v9 =	vadd.f32 v9, v17;
	v16 =	vunpack.i.u.bf16.f32 v13;
	v13 =	vunpack.i.l.bf16.f32 v13  }
0x106: {  	v17 =	vunpack.i.u.bf16.f32 v10;
	v10 =	vunpack.i.l.bf16.f32 v10;
	v12 =	vadd.f32 v13, v12  }
0x107: {  	v10 =	vadd.f32 v10, v11;
	v18 =	vmul.bf16 v20, v19;
	v13 =	vmul.bf16 v22, v14  }
0x108: {  	v11 =	vadd.f32 v17, v15;
	v9 =	vadd.f32 v16, v9  }
0x109: {  	v14 =	vunpack.i.l.bf16.f32 v18;
	v15 =	vunpack.i.u.bf16.f32 v13;
	v13 =	vunpack.i.l.bf16.f32 v13  }
0x10a: {  	v12 =	vadd.f32 v14, v12;
	v11 =	vadd.f32 v15, v11;
	v14 =	vunpack.i.u.bf16.f32 v18  }
0x10b: {  	v10 =	vadd.f32 v13, v10;
	v9 =	vadd.f32 v14, v9;
	_ =	sdelay $0x1  }
0x10c: {  	v10 =	vadd.f32 v11, v10;
	v9 =	vadd.f32 v9, v12;
	_ =	sdelay $0x1  }
0x10d: {  	v9 =	vadd.f32 v9, v10;
	_ =	sdelay $0x1  }
0x10e: {  	[tilespmem:s25+$0x13AA0] =	vst v9  }
0x10f: {  	_ =	swait.ge [sflag:s13], $0x1400  }
0x110: {  	s28 =	simm.s32 $0x0;
	[sflag:s13] =	ssyncset.done $0x0  }
0x111: {  	v9 =	vadd.s32 s28, v2;
	[sflag:s13] =	ssyncadd.s32 $0xFFFFEC00  }
0x112: {  	v9 =	vand.u32 $0x3F, v9;
	_ =	swait.ge [sflag:s20], $0x1400  }
0x113: {  	v10 =	vadd.s32 s28, v0;
	v9 =	vor.u32 v1, v9;
	[sflag:s20] =	ssyncset.done $0x0  }
0x114: {  	s29 =	sadd.s32 $0xA0, s25;
	v10 =	vand.u32 $0x3F, v10;
	[sflag:s20] =	ssyncadd.s32 $0xFFFFEC00  }
0x115: {  	v10 =	vor.u32 v1, v10;
	[tilespmem:s16], [sflag:$0x1] =	stream.indirect.gather [spmem:s2], $0x40, s29, s15, $0xb8;
	[tilespmem:$0x16170] =	vst v63  }
0x116: {  	s31 =	sadd.s32 $0x27B0, s25;
	v11 =	vadd.s32 s28, v4  }
0x117: {  	v13 =	vadd.s32 s28, v3;
	v11 =	vand.u32 $0x3F, v11;
	[tilespmem:s17], [sflag:$0x3] =	stream.indirect.gather [spmem:s2], $0x40, s31, s15, $0xb8;
	[tilespmem:$0x16170] =	vst v63  }
0x118: {  	v13 =	vand.u32 $0x3F, v13;
	v16 =	vor.u32 v1, v11;
	v12 =	vld.idx.msk [tilespmem:v9+s19+$0x0], $0xffff  }
0x119: {  	v13 =	vor.u32 v1, v13;
	v17 =	vld.idx.msk [tilespmem:v9+s18+$0x0], $0xffff  }
0x11a: {  	s28 =	simm.s32 $0x4;
	v15 =	vld.idx.msk [tilespmem:v10+s19+$0x0], $0xffff  }
0x11b: {  	v18 =	vld.idx.msk [tilespmem:v10+s18+$0x0], $0xffff;
	v9 =	vadd.s32 s28, v0;
	v10 =	vadd.s32 s28, v2  }
0x11c: {  	v14 =	vand.u32 $0x3F, v9;
	v19 =	vand.u32 $0x3F, v10  }
0x11d: {  	v9 =	vld.idx.msk [tilespmem:v16+s19+$0x0], $0xffff;
	v10 =	vor.u32 v1, v14;
	v14 =	vor.u32 v1, v19  }
0x11e: {  	v19 =	vadd.s32 s28, v4;
	v20 =	vmul.bf16 v12, v17;
	v12 =	vld.idx.msk [tilespmem:v13+s18+$0x0], $0xffff  }
0x11f: {  	v11 =	vimm.f32 $0.0e+00;
	v23 =	vand.u32 $0x3F, v19;
	v19 =	vimm.f32 $0.0e+00;
	v13 =	vld.idx.msk [tilespmem:v13+s19+$0x0], $0xffff  }
0x120: {  	v17 =	vadd.s32 s28, v3;
	v21 =	vmul.bf16 v15, v18;
	v18 =	vld.idx.msk [tilespmem:v16+s18+$0x0], $0xffff;
	v15 =	vimm.f32 $0.0e+00  }
0x121: {  	s28 =	simm.s32 $0x8;
	v16 =	vimm.f32 $0.0e+00;
	v22 =	vand.u32 $0x3F, v17;
	v17 =	vunpack.i.u.bf16.f32 v20  }
.LBB2_13:
0x122: {  	p0 =	sne.s32 s28, $0x3C;
	v24 =	vld.idx.msk [tilespmem:v14+s19+$0x0], $0xffff;
	v22 =	vor.u32 v1, v22;
	v23 =	vor.u32 v1, v23;
	v20 =	vunpack.i.l.bf16.f32 v20;
	s29 =	smov.u32 s28;
	s28 =	sadd.s32 $0x4, s28  }
0x123: {  	v26 =	vunpack.i.u.bf16.f32 v21;
	v21 =	vunpack.i.l.bf16.f32 v21;
	v25 =	vld.idx.msk [tilespmem:v10+s19+$0x0], $0xffff;
	v11 =	vadd.f32 v20, v11  }
0x124: {  	v19 =	vadd.f32 v21, v19;
	v15 =	vadd.f32 v26, v15;
	v21 =	vmul.bf16 v13, v12;
	v20 =	vld.idx.msk [tilespmem:v14+s18+$0x0], $0xffff  }
0x125: {  	v16 =	vadd.f32 v17, v16;
	v17 =	vmul.bf16 v9, v18;
	v26 =	vld.idx.msk [tilespmem:v10+s18+$0x0], $0xffff  }
0x126: {  	v9 =	vadd.s32 s29, v0;
	v10 =	vadd.s32 s29, v2;
	v18 =	vunpack.i.u.bf16.f32 v21  }
0x127: {  	v12 =	vand.u32 $0x3F, v9;
	v13 =	vand.u32 $0x3F, v10;
	v27 =	vunpack.i.l.bf16.f32 v17;
	v9 =	vld.idx.msk [tilespmem:v23+s19+$0x0], $0xffff  }
.Ltmp5:
0x128: {  	v10 =	vor.u32 v1, v12;
	v14 =	vor.u32 v1, v13;
	v11 =	vadd.f32 v27, v11;
	v12 =	vld.idx.msk [tilespmem:v22+s18+$0x0], $0xffff;
	(pc) =	sbr.rel @p0 .LBB2_13-.Ltmp5, $4  }
0x129: {  	v21 =	vunpack.i.l.bf16.f32 v21;
	v15 =	vadd.f32 v18, v15;
	v17 =	vunpack.i.u.bf16.f32 v17;
	v13 =	vld.idx.msk [tilespmem:v22+s19+$0x0], $0xffff  }
0x12a: {  	v19 =	vadd.f32 v21, v19;
	v16 =	vadd.f32 v17, v16;
	v20 =	vmul.bf16 v24, v20;
	v18 =	vld.idx.msk [tilespmem:v23+s18+$0x0], $0xffff  }
0x12b: {  	v17 =	vadd.s32 s29, v3;
	v23 =	vadd.s32 s29, v4;
	v21 =	vmul.bf16 v25, v26  }
0x12c: {  	v22 =	vand.u32 $0x3F, v17;
	v23 =	vand.u32 $0x3F, v23;
	v17 =	vunpack.i.u.bf16.f32 v20  }
0x12d: {  	_ =	sdelay $0x2  }
0x12e: {  	v23 =	vor.u32 v1, v23  }
0x12f: {  	v24 =	vld.idx.msk [tilespmem:v14+s19+$0x0], $0xffff;
	v22 =	vor.u32 v1, v22  }
0x130: {  	v25 =	vld.idx.msk [tilespmem:v10+s19+$0x0], $0xffff  }
0x131: {  	v14 =	vld.idx.msk [tilespmem:v14+s18+$0x0], $0xffff  }
0x132: {  	v10 =	vld.idx.msk [tilespmem:v10+s18+$0x0], $0xffff  }
0x133: {  	v20 =	vunpack.i.l.bf16.f32 v20;
	v26 =	vunpack.i.u.bf16.f32 v21;
	v9 =	vmul.bf16 v9, v18;
	v18 =	vld.idx.msk [tilespmem:v23+s19+$0x0], $0xffff  }
0x134: {  	v21 =	vunpack.i.l.bf16.f32 v21;
	v11 =	vadd.f32 v20, v11;
	v12 =	vmul.bf16 v13, v12;
	v13 =	vld.idx.msk [tilespmem:v22+s18+$0x0], $0xffff  }
0x135: {  	v19 =	vadd.f32 v21, v19;
	v15 =	vadd.f32 v26, v15;
	v20 =	vunpack.i.l.bf16.f32 v9;
	v21 =	vld.idx.msk [tilespmem:v22+s19+$0x0], $0xffff  }
0x136: {  	v16 =	vadd.f32 v17, v16;
	v17 =	vunpack.i.u.bf16.f32 v12;
	v11 =	vadd.f32 v20, v11;
	v20 =	vld.idx.msk [tilespmem:v23+s18+$0x0], $0xffff  }
0x137: {  	v12 =	vunpack.i.l.bf16.f32 v12;
	v15 =	vadd.f32 v17, v15;
	v14 =	vmul.bf16 v24, v14  }
0x138: {  	v9 =	vunpack.i.u.bf16.f32 v9;
	v12 =	vadd.f32 v12, v19;
	v10 =	vmul.bf16 v25, v10  }
0x139: {  	v9 =	vadd.f32 v9, v16;
	v16 =	vunpack.i.u.bf16.f32 v14;
	v14 =	vunpack.i.l.bf16.f32 v14  }
0x13a: {  	v17 =	vunpack.i.u.bf16.f32 v10;
	v10 =	vunpack.i.l.bf16.f32 v10;
	v11 =	vadd.f32 v14, v11  }
0x13b: {  	v10 =	vadd.f32 v10, v12;
	v12 =	vmul.bf16 v21, v13;
	v13 =	vmul.bf16 v18, v20  }
0x13c: {  	v14 =	vadd.f32 v17, v15;
	v9 =	vadd.f32 v16, v9  }
0x13d: {  	v15 =	vunpack.i.u.bf16.f32 v12;
	v16 =	vunpack.i.l.bf16.f32 v13;
	v12 =	vunpack.i.l.bf16.f32 v12  }
0x13e: {  	s28 =	simm.s32 $0x0;
	v13 =	vunpack.i.u.bf16.f32 v13;
	v14 =	vadd.f32 v15, v14;
	v10 =	vadd.f32 v12, v10  }
0x13f: {  	v11 =	vadd.f32 v16, v11;
	v9 =	vadd.f32 v13, v9;
	v12 =	vadd.s32 s28, v2  }
0x140: {  	v12 =	vand.u32 $0x3F, v12  }
0x141: {  	v10 =	vadd.f32 v14, v10;
	v9 =	vadd.f32 v9, v11;
	v12 =	vor.u32 v5, v12  }
0x142: {  	v13 =	vadd.s32 s28, v0  }
0x143: {  	v11 =	vand.u32 $0x3F, v13;
	v9 =	vadd.f32 v9, v10  }
0x144: {  	v11 =	vor.u32 v5, v11  }
0x145: {  	v10 =	vadd.s32 s28, v3;
	[tilespmem:s26+$0x13A60] =	vst v9  }
0x146: {  	v10 =	vand.u32 $0x3F, v10;
	v13 =	vld.idx.msk [tilespmem:v12+s19+$0x0], $0xffff  }
0x147: {  	v9 =	vadd.s32 s28, v4;
	v17 =	vor.u32 v5, v10;
	v12 =	vld.idx.msk [tilespmem:v12+s18+$0x0], $0xffff  }
0x148: {  	v9 =	vand.u32 $0x3F, v9  }
0x149: {  	s31 =	simm.s32 $0x4;
	v15 =	vld.idx.msk [tilespmem:v11+s19+$0x0], $0xffff;
	v16 =	vor.u32 v5, v9  }
0x14a: {  	v10 =	vadd.s32 s31, v2;
	v18 =	vld.idx.msk [tilespmem:v11+s18+$0x0], $0xffff;
	v9 =	vadd.s32 s31, v0  }
0x14b: {  	v19 =	vand.u32 $0x3F, v10;
	v14 =	vand.u32 $0x3F, v9  }
0x14c: {  	v10 =	vor.u32 v5, v14;
	v14 =	vor.u32 v5, v19;
	v20 =	vmul.bf16 v13, v12;
	v12 =	vld.idx.msk [tilespmem:v17+s18+$0x0], $0xffff  }
0x14d: {  	v23 =	vadd.s32 s31, v4;
	v13 =	vld.idx.msk [tilespmem:v17+s19+$0x0], $0xffff  }
0x14e: {  	v23 =	vand.u32 $0x3F, v23;
	v11 =	vimm.f32 $0.0e+00;
	v19 =	vadd.s32 s31, v3;
	v9 =	vld.idx.msk [tilespmem:v16+s19+$0x0], $0xffff  }
0x14f: {  	v22 =	vand.u32 $0x3F, v19;
	v19 =	vimm.f32 $0.0e+00;
	v21 =	vmul.bf16 v15, v18;
	v18 =	vld.idx.msk [tilespmem:v16+s18+$0x0], $0xffff  }
0x150: {  	s26 =	simm.s32 $0x8;
	v15 =	vimm.f32 $0.0e+00;
	v16 =	vimm.f32 $0.0e+00;
	v17 =	vunpack.i.u.bf16.f32 v20  }
.LBB2_15:
0x151: {  	p0 =	sne.s32 s26, $0x3C;
	v24 =	vld.idx.msk [tilespmem:v14+s19+$0x0], $0xffff;
	v22 =	vor.u32 v5, v22;
	v23 =	vor.u32 v5, v23;
	v20 =	vunpack.i.l.bf16.f32 v20;
	s28 =	smov.u32 s26;
	s26 =	sadd.s32 $0x4, s26  }
0x152: {  	v26 =	vunpack.i.u.bf16.f32 v21;
	v21 =	vunpack.i.l.bf16.f32 v21;
	v25 =	vld.idx.msk [tilespmem:v10+s19+$0x0], $0xffff;
	v11 =	vadd.f32 v20, v11  }
0x153: {  	v19 =	vadd.f32 v21, v19;
	v15 =	vadd.f32 v26, v15;
	v21 =	vmul.bf16 v13, v12;
	v20 =	vld.idx.msk [tilespmem:v14+s18+$0x0], $0xffff  }
0x154: {  	v16 =	vadd.f32 v17, v16;
	v17 =	vmul.bf16 v9, v18;
	v26 =	vld.idx.msk [tilespmem:v10+s18+$0x0], $0xffff  }
0x155: {  	v9 =	vadd.s32 s28, v0;
	v10 =	vadd.s32 s28, v2;
	v18 =	vunpack.i.u.bf16.f32 v21  }
0x156: {  	v12 =	vand.u32 $0x3F, v9;
	v13 =	vand.u32 $0x3F, v10;
	v27 =	vunpack.i.l.bf16.f32 v17;
	v9 =	vld.idx.msk [tilespmem:v23+s19+$0x0], $0xffff  }
.Ltmp6:
0x157: {  	v10 =	vor.u32 v5, v12;
	v14 =	vor.u32 v5, v13;
	v11 =	vadd.f32 v27, v11;
	v12 =	vld.idx.msk [tilespmem:v22+s18+$0x0], $0xffff;
	(pc) =	sbr.rel @p0 .LBB2_15-.Ltmp6, $4  }
0x158: {  	v21 =	vunpack.i.l.bf16.f32 v21;
	v15 =	vadd.f32 v18, v15;
	v17 =	vunpack.i.u.bf16.f32 v17;
	v13 =	vld.idx.msk [tilespmem:v22+s19+$0x0], $0xffff  }
0x159: {  	v19 =	vadd.f32 v21, v19;
	v16 =	vadd.f32 v17, v16;
	v20 =	vmul.bf16 v24, v20;
	v18 =	vld.idx.msk [tilespmem:v23+s18+$0x0], $0xffff  }
0x15a: {  	v17 =	vadd.s32 s28, v3;
	v23 =	vadd.s32 s28, v4;
	v21 =	vmul.bf16 v25, v26  }
0x15b: {  	v22 =	vand.u32 $0x3F, v17;
	v23 =	vand.u32 $0x3F, v23;
	v17 =	vunpack.i.u.bf16.f32 v20  }
0x15c: {  	_ =	sdelay $0x2  }
0x15d: {  	v23 =	vor.u32 v5, v23  }
0x15e: {  	v24 =	vld.idx.msk [tilespmem:v14+s19+$0x0], $0xffff;
	v22 =	vor.u32 v5, v22  }
0x15f: {  	v25 =	vld.idx.msk [tilespmem:v10+s19+$0x0], $0xffff  }
0x160: {  	v14 =	vld.idx.msk [tilespmem:v14+s18+$0x0], $0xffff  }
0x161: {  	v10 =	vld.idx.msk [tilespmem:v10+s18+$0x0], $0xffff  }
0x162: {  	v20 =	vunpack.i.l.bf16.f32 v20;
	v26 =	vunpack.i.u.bf16.f32 v21;
	v9 =	vmul.bf16 v9, v18;
	v18 =	vld.idx.msk [tilespmem:v23+s19+$0x0], $0xffff  }
0x163: {  	v21 =	vunpack.i.l.bf16.f32 v21;
	v11 =	vadd.f32 v20, v11;
	v12 =	vmul.bf16 v13, v12;
	v13 =	vld.idx.msk [tilespmem:v22+s18+$0x0], $0xffff  }
0x164: {  	v19 =	vadd.f32 v21, v19;
	v15 =	vadd.f32 v26, v15;
	v20 =	vunpack.i.l.bf16.f32 v9;
	v21 =	vld.idx.msk [tilespmem:v22+s19+$0x0], $0xffff  }
0x165: {  	v16 =	vadd.f32 v17, v16;
	v17 =	vunpack.i.u.bf16.f32 v12;
	v11 =	vadd.f32 v20, v11;
	v20 =	vld.idx.msk [tilespmem:v23+s18+$0x0], $0xffff  }
0x166: {  	v12 =	vunpack.i.l.bf16.f32 v12;
	v15 =	vadd.f32 v17, v15;
	v14 =	vmul.bf16 v24, v14  }
0x167: {  	v9 =	vunpack.i.u.bf16.f32 v9;
	v12 =	vadd.f32 v12, v19;
	v10 =	vmul.bf16 v25, v10  }
0x168: {  	v9 =	vadd.f32 v9, v16;
	v16 =	vunpack.i.u.bf16.f32 v14;
	v14 =	vunpack.i.l.bf16.f32 v14  }
0x169: {  	v17 =	vunpack.i.u.bf16.f32 v10;
	v10 =	vunpack.i.l.bf16.f32 v10;
	v11 =	vadd.f32 v14, v11  }
0x16a: {  	v10 =	vadd.f32 v10, v12;
	v12 =	vmul.bf16 v21, v13;
	v13 =	vmul.bf16 v18, v20  }
0x16b: {  	v14 =	vadd.f32 v17, v15;
	v9 =	vadd.f32 v16, v9  }
0x16c: {  	v15 =	vunpack.i.u.bf16.f32 v12;
	v16 =	vunpack.i.l.bf16.f32 v13;
	v12 =	vunpack.i.l.bf16.f32 v12  }
0x16d: {  	s26 =	simm.s32 $0x0;
	v13 =	vunpack.i.u.bf16.f32 v13;
	v14 =	vadd.f32 v15, v14;
	v10 =	vadd.f32 v12, v10  }
0x16e: {  	v11 =	vadd.f32 v16, v11;
	v9 =	vadd.f32 v13, v9;
	v12 =	vadd.s32 s26, v2  }
0x16f: {  	v12 =	vand.u32 $0x3F, v12  }
0x170: {  	v10 =	vadd.f32 v14, v10;
	v9 =	vadd.f32 v9, v11;
	v12 =	vor.u32 v6, v12  }
0x171: {  	v13 =	vadd.s32 s26, v0  }
0x172: {  	v11 =	vand.u32 $0x3F, v13;
	v9 =	vadd.f32 v9, v10  }
0x173: {  	v11 =	vor.u32 v6, v11  }
0x174: {  	v10 =	vadd.s32 s26, v3;
	[tilespmem:s25+$0x13AC0] =	vst v9  }
0x175: {  	v10 =	vand.u32 $0x3F, v10;
	v13 =	vld.idx.msk [tilespmem:v12+s19+$0x0], $0xffff  }
0x176: {  	v9 =	vadd.s32 s26, v4;
	v17 =	vor.u32 v6, v10;
	v12 =	vld.idx.msk [tilespmem:v12+s18+$0x0], $0xffff  }
0x177: {  	v9 =	vand.u32 $0x3F, v9  }
0x178: {  	s31 =	simm.s32 $0x4;
	v15 =	vld.idx.msk [tilespmem:v11+s19+$0x0], $0xffff;
	v16 =	vor.u32 v6, v9  }
0x179: {  	v10 =	vadd.s32 s31, v2;
	v18 =	vld.idx.msk [tilespmem:v11+s18+$0x0], $0xffff;
	v9 =	vadd.s32 s31, v0  }
0x17a: {  	v19 =	vand.u32 $0x3F, v10;
	v14 =	vand.u32 $0x3F, v9  }
0x17b: {  	v10 =	vor.u32 v6, v14;
	v14 =	vor.u32 v6, v19;
	v20 =	vmul.bf16 v13, v12;
	v12 =	vld.idx.msk [tilespmem:v17+s18+$0x0], $0xffff  }
0x17c: {  	v23 =	vadd.s32 s31, v4;
	v13 =	vld.idx.msk [tilespmem:v17+s19+$0x0], $0xffff  }
0x17d: {  	v23 =	vand.u32 $0x3F, v23;
	v11 =	vimm.f32 $0.0e+00;
	v19 =	vadd.s32 s31, v3;
	v9 =	vld.idx.msk [tilespmem:v16+s19+$0x0], $0xffff  }
0x17e: {  	v22 =	vand.u32 $0x3F, v19;
	v19 =	vimm.f32 $0.0e+00;
	v21 =	vmul.bf16 v15, v18;
	v18 =	vld.idx.msk [tilespmem:v16+s18+$0x0], $0xffff  }
0x17f: {  	s26 =	simm.s32 $0x8;
	v15 =	vimm.f32 $0.0e+00;
	v16 =	vimm.f32 $0.0e+00;
	v17 =	vunpack.i.u.bf16.f32 v20  }
.LBB2_17:
0x180: {  	p0 =	sne.s32 s26, $0x3C;
	v24 =	vld.idx.msk [tilespmem:v14+s19+$0x0], $0xffff;
	v22 =	vor.u32 v6, v22;
	v23 =	vor.u32 v6, v23;
	v20 =	vunpack.i.l.bf16.f32 v20;
	s28 =	smov.u32 s26;
	s26 =	sadd.s32 $0x4, s26  }
0x181: {  	v26 =	vunpack.i.u.bf16.f32 v21;
	v21 =	vunpack.i.l.bf16.f32 v21;
	v25 =	vld.idx.msk [tilespmem:v10+s19+$0x0], $0xffff;
	v11 =	vadd.f32 v20, v11  }
0x182: {  	v19 =	vadd.f32 v21, v19;
	v15 =	vadd.f32 v26, v15;
	v21 =	vmul.bf16 v13, v12;
	v20 =	vld.idx.msk [tilespmem:v14+s18+$0x0], $0xffff  }
0x183: {  	v16 =	vadd.f32 v17, v16;
	v17 =	vmul.bf16 v9, v18;
	v26 =	vld.idx.msk [tilespmem:v10+s18+$0x0], $0xffff  }
0x184: {  	v9 =	vadd.s32 s28, v0;
	v10 =	vadd.s32 s28, v2;
	v18 =	vunpack.i.u.bf16.f32 v21  }
0x185: {  	v12 =	vand.u32 $0x3F, v9;
	v13 =	vand.u32 $0x3F, v10;
	v27 =	vunpack.i.l.bf16.f32 v17;
	v9 =	vld.idx.msk [tilespmem:v23+s19+$0x0], $0xffff  }
.Ltmp7:
0x186: {  	v10 =	vor.u32 v6, v12;
	v14 =	vor.u32 v6, v13;
	v11 =	vadd.f32 v27, v11;
	v12 =	vld.idx.msk [tilespmem:v22+s18+$0x0], $0xffff;
	(pc) =	sbr.rel @p0 .LBB2_17-.Ltmp7, $4  }
0x187: {  	v21 =	vunpack.i.l.bf16.f32 v21;
	v15 =	vadd.f32 v18, v15;
	v17 =	vunpack.i.u.bf16.f32 v17;
	v13 =	vld.idx.msk [tilespmem:v22+s19+$0x0], $0xffff  }
0x188: {  	v19 =	vadd.f32 v21, v19;
	v16 =	vadd.f32 v17, v16;
	v20 =	vmul.bf16 v24, v20;
	v18 =	vld.idx.msk [tilespmem:v23+s18+$0x0], $0xffff  }
0x189: {  	v17 =	vadd.s32 s28, v3;
	v23 =	vadd.s32 s28, v4;
	v21 =	vmul.bf16 v25, v26  }
0x18a: {  	v22 =	vand.u32 $0x3F, v17;
	v23 =	vand.u32 $0x3F, v23;
	v17 =	vunpack.i.u.bf16.f32 v20  }
0x18b: {  	_ =	sdelay $0x2  }
0x18c: {  	v23 =	vor.u32 v6, v23  }
0x18d: {  	v24 =	vld.idx.msk [tilespmem:v14+s19+$0x0], $0xffff;
	v22 =	vor.u32 v6, v22  }
0x18e: {  	v25 =	vld.idx.msk [tilespmem:v10+s19+$0x0], $0xffff  }
0x18f: {  	v14 =	vld.idx.msk [tilespmem:v14+s18+$0x0], $0xffff  }
0x190: {  	v10 =	vld.idx.msk [tilespmem:v10+s18+$0x0], $0xffff  }
0x191: {  	v20 =	vunpack.i.l.bf16.f32 v20;
	v26 =	vunpack.i.u.bf16.f32 v21;
	v9 =	vmul.bf16 v9, v18;
	v18 =	vld.idx.msk [tilespmem:v23+s19+$0x0], $0xffff  }
0x192: {  	v21 =	vunpack.i.l.bf16.f32 v21;
	v11 =	vadd.f32 v20, v11;
	v12 =	vmul.bf16 v13, v12;
	v13 =	vld.idx.msk [tilespmem:v22+s18+$0x0], $0xffff  }
0x193: {  	v19 =	vadd.f32 v21, v19;
	v15 =	vadd.f32 v26, v15;
	v20 =	vunpack.i.l.bf16.f32 v9;
	v21 =	vld.idx.msk [tilespmem:v22+s19+$0x0], $0xffff  }
0x194: {  	v16 =	vadd.f32 v17, v16;
	v17 =	vunpack.i.u.bf16.f32 v12;
	v11 =	vadd.f32 v20, v11;
	v20 =	vld.idx.msk [tilespmem:v23+s18+$0x0], $0xffff  }
0x195: {  	v12 =	vunpack.i.l.bf16.f32 v12;
	v15 =	vadd.f32 v17, v15;
	v14 =	vmul.bf16 v24, v14  }
0x196: {  	v9 =	vunpack.i.u.bf16.f32 v9;
	v12 =	vadd.f32 v12, v19;
	v10 =	vmul.bf16 v25, v10  }
0x197: {  	v9 =	vadd.f32 v9, v16;
	v16 =	vunpack.i.u.bf16.f32 v14;
	v14 =	vunpack.i.l.bf16.f32 v14  }
0x198: {  	v17 =	vunpack.i.u.bf16.f32 v10;
	v10 =	vunpack.i.l.bf16.f32 v10;
	v11 =	vadd.f32 v14, v11  }
0x199: {  	v10 =	vadd.f32 v10, v12;
	v12 =	vmul.bf16 v21, v13;
	v13 =	vmul.bf16 v18, v20  }
0x19a: {  	v14 =	vadd.f32 v17, v15;
	v9 =	vadd.f32 v16, v9  }
0x19b: {  	v15 =	vunpack.i.u.bf16.f32 v12;
	v16 =	vunpack.i.l.bf16.f32 v13;
	v12 =	vunpack.i.l.bf16.f32 v12  }
0x19c: {  	s26 =	simm.s32 $0x0;
	v13 =	vunpack.i.u.bf16.f32 v13;
	v14 =	vadd.f32 v15, v14;
	v10 =	vadd.f32 v12, v10  }
0x19d: {  	v11 =	vadd.f32 v16, v11;
	v9 =	vadd.f32 v13, v9;
	v12 =	vadd.s32 s26, v2  }
0x19e: {  	v12 =	vand.u32 $0x3F, v12  }
0x19f: {  	v10 =	vadd.f32 v14, v10;
	v9 =	vadd.f32 v9, v11;
	v12 =	vor.u32 v7, v12  }
0x1a0: {  	v13 =	vadd.s32 s26, v0  }
0x1a1: {  	v11 =	vand.u32 $0x3F, v13;
	v9 =	vadd.f32 v9, v10  }
0x1a2: {  	v11 =	vor.u32 v7, v11  }
0x1a3: {  	v10 =	vadd.s32 s26, v3;
	[tilespmem:s25+$0x13AD0] =	vst v9  }
0x1a4: {  	v10 =	vand.u32 $0x3F, v10;
	v13 =	vld.idx.msk [tilespmem:v12+s19+$0x0], $0xffff  }
0x1a5: {  	v9 =	vadd.s32 s26, v4;
	v17 =	vor.u32 v7, v10;
	v12 =	vld.idx.msk [tilespmem:v12+s18+$0x0], $0xffff  }
0x1a6: {  	v9 =	vand.u32 $0x3F, v9  }
0x1a7: {  	s31 =	simm.s32 $0x4;
	v15 =	vld.idx.msk [tilespmem:v11+s19+$0x0], $0xffff;
	v16 =	vor.u32 v7, v9  }
0x1a8: {  	v10 =	vadd.s32 s31, v2;
	v18 =	vld.idx.msk [tilespmem:v11+s18+$0x0], $0xffff;
	v9 =	vadd.s32 s31, v0  }
0x1a9: {  	v19 =	vand.u32 $0x3F, v10;
	v14 =	vand.u32 $0x3F, v9  }
0x1aa: {  	v10 =	vor.u32 v7, v14;
	v14 =	vor.u32 v7, v19;
	v20 =	vmul.bf16 v13, v12;
	v12 =	vld.idx.msk [tilespmem:v17+s18+$0x0], $0xffff  }
0x1ab: {  	v23 =	vadd.s32 s31, v4;
	v13 =	vld.idx.msk [tilespmem:v17+s19+$0x0], $0xffff  }
0x1ac: {  	v23 =	vand.u32 $0x3F, v23;
	v11 =	vimm.f32 $0.0e+00;
	v19 =	vadd.s32 s31, v3;
	v9 =	vld.idx.msk [tilespmem:v16+s19+$0x0], $0xffff  }
0x1ad: {  	v22 =	vand.u32 $0x3F, v19;
	v19 =	vimm.f32 $0.0e+00;
	v21 =	vmul.bf16 v15, v18;
	v18 =	vld.idx.msk [tilespmem:v16+s18+$0x0], $0xffff  }
0x1ae: {  	s26 =	simm.s32 $0x8;
	v15 =	vimm.f32 $0.0e+00;
	v16 =	vimm.f32 $0.0e+00;
	v17 =	vunpack.i.u.bf16.f32 v20  }
.LBB2_19:
0x1af: {  	p0 =	sne.s32 s26, $0x3C;
	v24 =	vld.idx.msk [tilespmem:v14+s19+$0x0], $0xffff;
	v22 =	vor.u32 v7, v22;
	v23 =	vor.u32 v7, v23;
	v20 =	vunpack.i.l.bf16.f32 v20;
	s28 =	smov.u32 s26;
	s26 =	sadd.s32 $0x4, s26  }
0x1b0: {  	v26 =	vunpack.i.u.bf16.f32 v21;
	v21 =	vunpack.i.l.bf16.f32 v21;
	v25 =	vld.idx.msk [tilespmem:v10+s19+$0x0], $0xffff;
	v11 =	vadd.f32 v20, v11  }
0x1b1: {  	v19 =	vadd.f32 v21, v19;
	v15 =	vadd.f32 v26, v15;
	v21 =	vmul.bf16 v13, v12;
	v20 =	vld.idx.msk [tilespmem:v14+s18+$0x0], $0xffff  }
0x1b2: {  	v16 =	vadd.f32 v17, v16;
	v17 =	vmul.bf16 v9, v18;
	v26 =	vld.idx.msk [tilespmem:v10+s18+$0x0], $0xffff  }
0x1b3: {  	v9 =	vadd.s32 s28, v0;
	v10 =	vadd.s32 s28, v2;
	v18 =	vunpack.i.u.bf16.f32 v21  }
0x1b4: {  	v12 =	vand.u32 $0x3F, v9;
	v13 =	vand.u32 $0x3F, v10;
	v27 =	vunpack.i.l.bf16.f32 v17;
	v9 =	vld.idx.msk [tilespmem:v23+s19+$0x0], $0xffff  }
.Ltmp8:
0x1b5: {  	v10 =	vor.u32 v7, v12;
	v14 =	vor.u32 v7, v13;
	v11 =	vadd.f32 v27, v11;
	v12 =	vld.idx.msk [tilespmem:v22+s18+$0x0], $0xffff;
	(pc) =	sbr.rel @p0 .LBB2_19-.Ltmp8, $4  }
0x1b6: {  	v21 =	vunpack.i.l.bf16.f32 v21;
	v15 =	vadd.f32 v18, v15;
	v17 =	vunpack.i.u.bf16.f32 v17;
	v13 =	vld.idx.msk [tilespmem:v22+s19+$0x0], $0xffff  }
0x1b7: {  	v19 =	vadd.f32 v21, v19;
	v16 =	vadd.f32 v17, v16;
	v20 =	vmul.bf16 v24, v20;
	v18 =	vld.idx.msk [tilespmem:v23+s18+$0x0], $0xffff  }
0x1b8: {  	v17 =	vadd.s32 s28, v3;
	v23 =	vadd.s32 s28, v4;
	v21 =	vmul.bf16 v25, v26  }
0x1b9: {  	v22 =	vand.u32 $0x3F, v17;
	v23 =	vand.u32 $0x3F, v23;
	v17 =	vunpack.i.u.bf16.f32 v20  }
0x1ba: {  	_ =	sdelay $0x2  }
0x1bb: {  	v23 =	vor.u32 v7, v23  }
0x1bc: {  	v24 =	vld.idx.msk [tilespmem:v14+s19+$0x0], $0xffff;
	v22 =	vor.u32 v7, v22  }
0x1bd: {  	v25 =	vld.idx.msk [tilespmem:v10+s19+$0x0], $0xffff  }
0x1be: {  	v14 =	vld.idx.msk [tilespmem:v14+s18+$0x0], $0xffff  }
0x1bf: {  	v10 =	vld.idx.msk [tilespmem:v10+s18+$0x0], $0xffff  }
0x1c0: {  	v20 =	vunpack.i.l.bf16.f32 v20;
	v26 =	vunpack.i.u.bf16.f32 v21;
	v9 =	vmul.bf16 v9, v18;
	v18 =	vld.idx.msk [tilespmem:v23+s19+$0x0], $0xffff  }
0x1c1: {  	v21 =	vunpack.i.l.bf16.f32 v21;
	v11 =	vadd.f32 v20, v11;
	v12 =	vmul.bf16 v13, v12;
	v13 =	vld.idx.msk [tilespmem:v22+s18+$0x0], $0xffff  }
0x1c2: {  	v19 =	vadd.f32 v21, v19;
	v15 =	vadd.f32 v26, v15;
	v20 =	vunpack.i.l.bf16.f32 v9;
	v21 =	vld.idx.msk [tilespmem:v22+s19+$0x0], $0xffff  }
0x1c3: {  	v16 =	vadd.f32 v17, v16;
	v17 =	vunpack.i.u.bf16.f32 v12;
	v11 =	vadd.f32 v20, v11;
	v20 =	vld.idx.msk [tilespmem:v23+s18+$0x0], $0xffff  }
0x1c4: {  	v12 =	vunpack.i.l.bf16.f32 v12;
	v15 =	vadd.f32 v17, v15;
	v14 =	vmul.bf16 v24, v14  }
0x1c5: {  	v9 =	vunpack.i.u.bf16.f32 v9;
	v12 =	vadd.f32 v12, v19;
	v10 =	vmul.bf16 v25, v10  }
0x1c6: {  	v9 =	vadd.f32 v9, v16;
	v16 =	vunpack.i.u.bf16.f32 v14;
	v14 =	vunpack.i.l.bf16.f32 v14  }
0x1c7: {  	v17 =	vunpack.i.u.bf16.f32 v10;
	v10 =	vunpack.i.l.bf16.f32 v10;
	v11 =	vadd.f32 v14, v11  }
0x1c8: {  	v10 =	vadd.f32 v10, v12;
	v12 =	vmul.bf16 v21, v13;
	v13 =	vmul.bf16 v18, v20  }
0x1c9: {  	v14 =	vadd.f32 v17, v15;
	v9 =	vadd.f32 v16, v9  }
0x1ca: {  	v15 =	vunpack.i.u.bf16.f32 v12;
	v16 =	vunpack.i.l.bf16.f32 v13;
	v12 =	vunpack.i.l.bf16.f32 v12  }
0x1cb: {  	s26 =	simm.s32 $0x0;
	v13 =	vunpack.i.u.bf16.f32 v13;
	v14 =	vadd.f32 v15, v14;
	v10 =	vadd.f32 v12, v10  }
0x1cc: {  	v11 =	vadd.f32 v16, v11;
	v9 =	vadd.f32 v13, v9;
	v12 =	vadd.s32 s26, v2  }
0x1cd: {  	v13 =	vadd.s32 s26, v0;
	v12 =	vand.u32 $0x3F, v12  }
0x1ce: {  	v10 =	vadd.f32 v14, v10;
	v9 =	vadd.f32 v9, v11;
	v12 =	vor.u32 v8, v12  }
0x1cf: {  	v11 =	vand.u32 $0x3F, v13  }
0x1d0: {  	v11 =	vor.u32 v8, v11;
	v9 =	vadd.f32 v9, v10  }
0x1d1: {  	v10 =	vadd.s32 s26, v3  }
0x1d2: {  	v10 =	vand.u32 $0x3F, v10;
	[tilespmem:s25+$0x13AE0] =	vst v9  }
0x1d3: {  	v9 =	vadd.s32 s26, v4;
	v18 =	vor.u32 v8, v10;
	v14 =	vld.idx.msk [tilespmem:v12+s19+$0x0], $0xffff  }
0x1d4: {  	v9 =	vand.u32 $0x3F, v9;
	v17 =	vld.idx.msk [tilespmem:v12+s18+$0x0], $0xffff  }
0x1d5: {  	s31 =	simm.s32 $0x4;
	v15 =	vld.idx.msk [tilespmem:v11+s19+$0x0], $0xffff;
	v16 =	vor.u32 v8, v9  }
0x1d6: {  	v10 =	vadd.s32 s31, v2;
	v19 =	vld.idx.msk [tilespmem:v11+s18+$0x0], $0xffff;
	v9 =	vadd.s32 s31, v0  }
0x1d7: {  	v13 =	vand.u32 $0x3F, v10;
	v11 =	vand.u32 $0x3F, v9  }
0x1d8: {  	v13 =	vor.u32 v8, v13;
	v10 =	vor.u32 v8, v11;
	v11 =	vld.idx.msk [tilespmem:v18+s18+$0x0], $0xffff  }
0x1d9: {  	v23 =	vadd.s32 s31, v4;
	v20 =	vmul.bf16 v14, v17;
	v14 =	vld.idx.msk [tilespmem:v18+s19+$0x0], $0xffff  }
0x1da: {  	v23 =	vand.u32 $0x3F, v23;
	v12 =	vimm.f32 $0.0e+00;
	v17 =	vadd.s32 s31, v3;
	v9 =	vld.idx.msk [tilespmem:v16+s19+$0x0], $0xffff  }
0x1db: {  	v21 =	vmul.bf16 v15, v19;
	v22 =	vand.u32 $0x3F, v17;
	v16 =	vld.idx.msk [tilespmem:v16+s18+$0x0], $0xffff;
	v19 =	vimm.f32 $0.0e+00  }
0x1dc: {  	s26 =	simm.s32 $0x8;
	v15 =	vimm.f32 $0.0e+00;
	v17 =	vimm.f32 $0.0e+00;
	v18 =	vunpack.i.u.bf16.f32 v20  }
.LBB2_21:
0x1dd: {  	p0 =	sne.s32 s26, $0x3C;
	v24 =	vld.idx.msk [tilespmem:v13+s19+$0x0], $0xffff;
	v22 =	vor.u32 v8, v22;
	v23 =	vor.u32 v8, v23;
	v20 =	vunpack.i.l.bf16.f32 v20;
	s28 =	smov.u32 s26;
	s26 =	sadd.s32 $0x4, s26  }
0x1de: {  	v26 =	vunpack.i.u.bf16.f32 v21;
	v21 =	vunpack.i.l.bf16.f32 v21;
	v25 =	vld.idx.msk [tilespmem:v10+s19+$0x0], $0xffff;
	v12 =	vadd.f32 v20, v12  }
0x1df: {  	v19 =	vadd.f32 v21, v19;
	v15 =	vadd.f32 v26, v15;
	v21 =	vmul.bf16 v14, v11;
	v20 =	vld.idx.msk [tilespmem:v13+s18+$0x0], $0xffff  }
0x1e0: {  	v17 =	vadd.f32 v18, v17;
	v16 =	vmul.bf16 v9, v16;
	v26 =	vld.idx.msk [tilespmem:v10+s18+$0x0], $0xffff  }
0x1e1: {  	v9 =	vadd.s32 s28, v0;
	v10 =	vadd.s32 s28, v2;
	v18 =	vunpack.i.u.bf16.f32 v21  }
0x1e2: {  	v11 =	vand.u32 $0x3F, v9;
	v13 =	vand.u32 $0x3F, v10;
	v14 =	vunpack.i.l.bf16.f32 v16;
	v9 =	vld.idx.msk [tilespmem:v23+s19+$0x0], $0xffff  }
.Ltmp9:
0x1e3: {  	v10 =	vor.u32 v8, v11;
	v13 =	vor.u32 v8, v13;
	v12 =	vadd.f32 v14, v12;
	v11 =	vld.idx.msk [tilespmem:v22+s18+$0x0], $0xffff;
	(pc) =	sbr.rel @p0 .LBB2_21-.Ltmp9, $4  }
0x1e4: {  	v21 =	vunpack.i.l.bf16.f32 v21;
	v15 =	vadd.f32 v18, v15;
	v18 =	vunpack.i.u.bf16.f32 v16;
	v14 =	vld.idx.msk [tilespmem:v22+s19+$0x0], $0xffff  }
0x1e5: {  	v19 =	vadd.f32 v21, v19;
	v17 =	vadd.f32 v18, v17;
	v20 =	vmul.bf16 v24, v20;
	v16 =	vld.idx.msk [tilespmem:v23+s18+$0x0], $0xffff  }
0x1e6: {  	v18 =	vadd.s32 s28, v3;
	v23 =	vadd.s32 s28, v4;
	v21 =	vmul.bf16 v25, v26  }
0x1e7: {  	v22 =	vand.u32 $0x3F, v18;
	v23 =	vand.u32 $0x3F, v23;
	v18 =	vunpack.i.u.bf16.f32 v20  }
0x1e8: {  	_ =	sdelay $0x2  }
0x1e9: {  	v23 =	vor.u32 v8, v23  }
0x1ea: {  	v24 =	vld.idx.msk [tilespmem:v13+s19+$0x0], $0xffff;
	v22 =	vor.u32 v8, v22  }
0x1eb: {  	v25 =	vld.idx.msk [tilespmem:v10+s19+$0x0], $0xffff  }
0x1ec: {  	v49 =	vld.idx.msk [tilespmem:v13+s18+$0x0], $0xffff  }
0x1ed: {  	v20 =	vunpack.i.l.bf16.f32 v20;
	v10 =	vld.idx.msk [tilespmem:v10+s18+$0x0], $0xffff  }
0x1ee: {  	v26 =	vunpack.i.u.bf16.f32 v21;
	v51 =	vunpack.i.l.bf16.f32 v21;
	v17 =	vadd.f32 v18, v17;
	v50 =	vld.idx.msk [tilespmem:v23+s19+$0x0], $0xffff  }
0x1ef: {  	v12 =	vadd.f32 v20, v12;
	v11 =	vmul.bf16 v14, v11;
	v9 =	vmul.bf16 v9, v16;
	v52 =	vld.idx.msk [tilespmem:v22+s18+$0x0], $0xffff  }
0x1f0: {  	v53 =	vadd.f32 v51, v19;
	v15 =	vadd.f32 v26, v15;
	v54 =	vld.idx.msk [tilespmem:v23+s18+$0x0], $0xffff  }
0x1f1: {  	v55 =	vunpack.i.u.bf16.f32 v11;
	v11 =	vunpack.i.l.bf16.f32 v11;
	v56 =	vunpack.i.l.bf16.f32 v9;
	v22 =	vld.idx.msk [tilespmem:v22+s19+$0x0], $0xffff  }
0x1f2: {  	v15 =	vadd.f32 v55, v15;
	v9 =	vunpack.i.u.bf16.f32 v9;
	v13 =	vmul.bf16 v24, v49  }
0x1f3: {  	v11 =	vadd.f32 v11, v53;
	v12 =	vadd.f32 v56, v12;
	v10 =	vmul.bf16 v25, v10  }
0x1f4: {  	v9 =	vadd.f32 v9, v17;
	v57 =	vunpack.i.u.bf16.f32 v13;
	v13 =	vunpack.i.l.bf16.f32 v13  }
0x1f5: {  	v58 =	vunpack.i.u.bf16.f32 v10;
	v10 =	vunpack.i.l.bf16.f32 v10;
	v12 =	vadd.f32 v13, v12  }
0x1f6: {  	v10 =	vadd.f32 v10, v11;
	v59 =	vmul.bf16 v50, v54;
	v60 =	vmul.bf16 v22, v52  }
0x1f7: {  	v11 =	vadd.f32 v58, v15;
	v9 =	vadd.f32 v57, v9  }
0x1f8: {  	v61 =	vunpack.i.l.bf16.f32 v59;
	v62 =	vunpack.i.u.bf16.f32 v60;
	v13 =	vunpack.i.l.bf16.f32 v60  }
0x1f9: {  	v63 =	vunpack.i.u.bf16.f32 v59;
	v12 =	vadd.f32 v61, v12;
	v11 =	vadd.f32 v62, v11  }
0x1fa: {  	s24 =	sadd.s32 $0x1, s24;
	v10 =	vadd.f32 v13, v10;
	v9 =	vadd.f32 v63, v9  }
0x1fb: {  	p0 =	sne.s32 s24, $0x3E  }
.Ltmp10:
0x1fc: {  	v10 =	vadd.f32 v11, v10;
	v9 =	vadd.f32 v9, v12;
	(pc) =	sbr.rel @p0 .LBB2_2-.Ltmp10, $3  }
0x1fd: {  	_ = 	snop  }
0x1fe: {  	v9 =	vadd.f32 v9, v10;
	_ =	sdelay $0x1  }
0x1ff: {  	[tilespmem:s25+$0x13AF0] =	vst v9  }
0x200: {  	s24 =	simm.s32 $0x0  }
0x201: {  	v9 =	vadd.s32 s24, v2  }
0x202: {  	_ =	swait.ge [sflag:s12], $0x1400;
	v9 =	vand.u32 $0x3F, v9  }
0x203: {  	v10 =	vadd.s32 s24, v0;
	[sflag:s12] =	ssyncset.done $0x0;
	v9 =	vor.u32 v1, v9  }
0x204: {  	v10 =	vand.u32 $0x3F, v10;
	[sflag:s12] =	ssyncadd.s32 $0xFFFFEC00  }
0x205: {  	v10 =	vor.u32 v1, v10;
	_ =	swait.ge [sflag:s14], $0x1400  }
0x206: {  	v11 =	vadd.s32 s24, v4;
	[sflag:s14] =	ssyncset.done $0x0  }
0x207: {  	v13 =	vadd.s32 s24, v3;
	v11 =	vand.u32 $0x3F, v11;
	[sflag:s14] =	ssyncadd.s32 $0xFFFFEC00  }
0x208: {  	v13 =	vand.u32 $0x3F, v13;
	v16 =	vor.u32 v1, v11;
	v12 =	vld.idx.msk [tilespmem:v9+s17+$0x0], $0xffff  }
0x209: {  	v13 =	vor.u32 v1, v13;
	v17 =	vld.idx.msk [tilespmem:v9+s16+$0x0], $0xffff  }
0x20a: {  	s31 =	simm.s32 $0x4;
	v15 =	vld.idx.msk [tilespmem:v10+s17+$0x0], $0xffff  }
0x20b: {  	v18 =	vld.idx.msk [tilespmem:v10+s16+$0x0], $0xffff;
	v9 =	vadd.s32 s31, v0;
	v10 =	vadd.s32 s31, v2  }
0x20c: {  	v14 =	vand.u32 $0x3F, v9;
	v19 =	vand.u32 $0x3F, v10  }
0x20d: {  	v9 =	vld.idx.msk [tilespmem:v16+s17+$0x0], $0xffff;
	v10 =	vor.u32 v1, v14;
	v14 =	vor.u32 v1, v19  }
0x20e: {  	v19 =	vadd.s32 s31, v4;
	v20 =	vmul.bf16 v12, v17;
	v12 =	vld.idx.msk [tilespmem:v13+s16+$0x0], $0xffff  }
0x20f: {  	v11 =	vimm.f32 $0.0e+00;
	v23 =	vand.u32 $0x3F, v19;
	v19 =	vimm.f32 $0.0e+00;
	v13 =	vld.idx.msk [tilespmem:v13+s17+$0x0], $0xffff  }
0x210: {  	v17 =	vadd.s32 s31, v3;
	v21 =	vmul.bf16 v15, v18;
	v18 =	vld.idx.msk [tilespmem:v16+s16+$0x0], $0xffff;
	v15 =	vimm.f32 $0.0e+00  }
0x211: {  	s24 =	simm.s32 $0x8;
	v16 =	vimm.f32 $0.0e+00;
	v22 =	vand.u32 $0x3F, v17;
	v17 =	vunpack.i.u.bf16.f32 v20  }
.LBB2_24:
0x212: {  	p0 =	sne.s32 s24, $0x3C;
	v24 =	vld.idx.msk [tilespmem:v14+s17+$0x0], $0xffff;
	v22 =	vor.u32 v1, v22;
	v23 =	vor.u32 v1, v23;
	v20 =	vunpack.i.l.bf16.f32 v20;
	s25 =	smov.u32 s24;
	s24 =	sadd.s32 $0x4, s24  }
0x213: {  	v26 =	vunpack.i.u.bf16.f32 v21;
	v21 =	vunpack.i.l.bf16.f32 v21;
	v25 =	vld.idx.msk [tilespmem:v10+s17+$0x0], $0xffff;
	v11 =	vadd.f32 v20, v11  }
0x214: {  	v19 =	vadd.f32 v21, v19;
	v15 =	vadd.f32 v26, v15;
	v21 =	vmul.bf16 v13, v12;
	v20 =	vld.idx.msk [tilespmem:v14+s16+$0x0], $0xffff  }
0x215: {  	v16 =	vadd.f32 v17, v16;
	v17 =	vmul.bf16 v9, v18;
	v26 =	vld.idx.msk [tilespmem:v10+s16+$0x0], $0xffff  }
0x216: {  	v9 =	vadd.s32 s25, v0;
	v10 =	vadd.s32 s25, v2;
	v18 =	vunpack.i.u.bf16.f32 v21  }
0x217: {  	v12 =	vand.u32 $0x3F, v9;
	v13 =	vand.u32 $0x3F, v10;
	v27 =	vunpack.i.l.bf16.f32 v17;
	v9 =	vld.idx.msk [tilespmem:v23+s17+$0x0], $0xffff  }
.Ltmp11:
0x218: {  	v10 =	vor.u32 v1, v12;
	v14 =	vor.u32 v1, v13;
	v11 =	vadd.f32 v27, v11;
	v12 =	vld.idx.msk [tilespmem:v22+s16+$0x0], $0xffff;
	(pc) =	sbr.rel @p0 .LBB2_24-.Ltmp11, $4  }
0x219: {  	v21 =	vunpack.i.l.bf16.f32 v21;
	v15 =	vadd.f32 v18, v15;
	v17 =	vunpack.i.u.bf16.f32 v17;
	v13 =	vld.idx.msk [tilespmem:v22+s17+$0x0], $0xffff  }
0x21a: {  	v19 =	vadd.f32 v21, v19;
	v16 =	vadd.f32 v17, v16;
	v20 =	vmul.bf16 v24, v20;
	v18 =	vld.idx.msk [tilespmem:v23+s16+$0x0], $0xffff  }
0x21b: {  	v17 =	vadd.s32 s25, v3;
	v23 =	vadd.s32 s25, v4;
	v21 =	vmul.bf16 v25, v26  }
0x21c: {  	v22 =	vand.u32 $0x3F, v17;
	v23 =	vand.u32 $0x3F, v23;
	v17 =	vunpack.i.u.bf16.f32 v20  }
0x21d: {  	_ =	sdelay $0x2  }
0x21e: {  	v23 =	vor.u32 v1, v23  }
0x21f: {  	v24 =	vld.idx.msk [tilespmem:v14+s17+$0x0], $0xffff;
	v22 =	vor.u32 v1, v22  }
0x220: {  	v25 =	vld.idx.msk [tilespmem:v10+s17+$0x0], $0xffff  }
0x221: {  	v14 =	vld.idx.msk [tilespmem:v14+s16+$0x0], $0xffff  }
0x222: {  	v10 =	vld.idx.msk [tilespmem:v10+s16+$0x0], $0xffff  }
0x223: {  	v20 =	vunpack.i.l.bf16.f32 v20;
	v26 =	vunpack.i.u.bf16.f32 v21;
	v9 =	vmul.bf16 v9, v18;
	v18 =	vld.idx.msk [tilespmem:v23+s17+$0x0], $0xffff  }
0x224: {  	v21 =	vunpack.i.l.bf16.f32 v21;
	v11 =	vadd.f32 v20, v11;
	v12 =	vmul.bf16 v13, v12;
	v13 =	vld.idx.msk [tilespmem:v22+s16+$0x0], $0xffff  }
0x225: {  	v19 =	vadd.f32 v21, v19;
	v15 =	vadd.f32 v26, v15;
	v20 =	vunpack.i.l.bf16.f32 v9;
	v21 =	vld.idx.msk [tilespmem:v22+s17+$0x0], $0xffff  }
0x226: {  	v16 =	vadd.f32 v17, v16;
	v17 =	vunpack.i.u.bf16.f32 v12;
	v11 =	vadd.f32 v20, v11;
	v20 =	vld.idx.msk [tilespmem:v23+s16+$0x0], $0xffff  }
0x227: {  	v12 =	vunpack.i.l.bf16.f32 v12;
	v15 =	vadd.f32 v17, v15;
	v14 =	vmul.bf16 v24, v14  }
0x228: {  	v9 =	vunpack.i.u.bf16.f32 v9;
	v12 =	vadd.f32 v12, v19;
	v10 =	vmul.bf16 v25, v10  }
0x229: {  	v9 =	vadd.f32 v9, v16;
	v16 =	vunpack.i.u.bf16.f32 v14;
	v14 =	vunpack.i.l.bf16.f32 v14  }
0x22a: {  	v17 =	vunpack.i.u.bf16.f32 v10;
	v10 =	vunpack.i.l.bf16.f32 v10;
	v11 =	vadd.f32 v14, v11  }
0x22b: {  	v10 =	vadd.f32 v10, v12;
	v12 =	vmul.bf16 v21, v13;
	v13 =	vmul.bf16 v18, v20  }
0x22c: {  	v14 =	vadd.f32 v17, v15;
	v9 =	vadd.f32 v16, v9  }
0x22d: {  	v15 =	vunpack.i.u.bf16.f32 v12;
	v16 =	vunpack.i.l.bf16.f32 v13;
	v12 =	vunpack.i.l.bf16.f32 v12  }
0x22e: {  	s24 =	simm.s32 $0x0;
	v13 =	vunpack.i.u.bf16.f32 v13;
	v14 =	vadd.f32 v15, v14;
	v10 =	vadd.f32 v12, v10  }
0x22f: {  	v11 =	vadd.f32 v16, v11;
	v9 =	vadd.f32 v13, v9;
	v12 =	vadd.s32 s24, v2  }
0x230: {  	v12 =	vand.u32 $0x3F, v12  }
0x231: {  	v10 =	vadd.f32 v14, v10;
	v9 =	vadd.f32 v9, v11;
	v12 =	vor.u32 v5, v12  }
0x232: {  	v13 =	vadd.s32 s24, v0  }
0x233: {  	v11 =	vand.u32 $0x3F, v13;
	v9 =	vadd.f32 v9, v10  }
0x234: {  	v11 =	vor.u32 v5, v11  }
0x235: {  	v10 =	vadd.s32 s24, v3;
	[tilespmem:$0x16120] =	vst v9  }
0x236: {  	v10 =	vand.u32 $0x3F, v10;
	v13 =	vld.idx.msk [tilespmem:v12+s17+$0x0], $0xffff  }
0x237: {  	v9 =	vadd.s32 s24, v4;
	v17 =	vor.u32 v5, v10;
	v12 =	vld.idx.msk [tilespmem:v12+s16+$0x0], $0xffff  }
0x238: {  	v9 =	vand.u32 $0x3F, v9  }
0x239: {  	s31 =	simm.s32 $0x4;
	v15 =	vld.idx.msk [tilespmem:v11+s17+$0x0], $0xffff;
	v16 =	vor.u32 v5, v9  }
0x23a: {  	v10 =	vadd.s32 s31, v2;
	v18 =	vld.idx.msk [tilespmem:v11+s16+$0x0], $0xffff;
	v9 =	vadd.s32 s31, v0  }
0x23b: {  	v19 =	vand.u32 $0x3F, v10;
	v14 =	vand.u32 $0x3F, v9  }
0x23c: {  	v10 =	vor.u32 v5, v14;
	v14 =	vor.u32 v5, v19;
	v20 =	vmul.bf16 v13, v12;
	v12 =	vld.idx.msk [tilespmem:v17+s16+$0x0], $0xffff  }
0x23d: {  	v23 =	vadd.s32 s31, v4;
	v13 =	vld.idx.msk [tilespmem:v17+s17+$0x0], $0xffff  }
0x23e: {  	v23 =	vand.u32 $0x3F, v23;
	v11 =	vimm.f32 $0.0e+00;
	v19 =	vadd.s32 s31, v3;
	v9 =	vld.idx.msk [tilespmem:v16+s17+$0x0], $0xffff  }
0x23f: {  	v22 =	vand.u32 $0x3F, v19;
	v19 =	vimm.f32 $0.0e+00;
	v21 =	vmul.bf16 v15, v18;
	v18 =	vld.idx.msk [tilespmem:v16+s16+$0x0], $0xffff  }
0x240: {  	s24 =	simm.s32 $0x8;
	v15 =	vimm.f32 $0.0e+00;
	v16 =	vimm.f32 $0.0e+00;
	v17 =	vunpack.i.u.bf16.f32 v20  }
.LBB2_26:
0x241: {  	p0 =	sne.s32 s24, $0x3C;
	v24 =	vld.idx.msk [tilespmem:v14+s17+$0x0], $0xffff;
	v22 =	vor.u32 v5, v22;
	v23 =	vor.u32 v5, v23;
	v20 =	vunpack.i.l.bf16.f32 v20;
	s25 =	smov.u32 s24;
	s24 =	sadd.s32 $0x4, s24  }
0x242: {  	v26 =	vunpack.i.u.bf16.f32 v21;
	v21 =	vunpack.i.l.bf16.f32 v21;
	v25 =	vld.idx.msk [tilespmem:v10+s17+$0x0], $0xffff;
	v11 =	vadd.f32 v20, v11  }
0x243: {  	v19 =	vadd.f32 v21, v19;
	v15 =	vadd.f32 v26, v15;
	v21 =	vmul.bf16 v13, v12;
	v20 =	vld.idx.msk [tilespmem:v14+s16+$0x0], $0xffff  }
0x244: {  	v16 =	vadd.f32 v17, v16;
	v17 =	vmul.bf16 v9, v18;
	v26 =	vld.idx.msk [tilespmem:v10+s16+$0x0], $0xffff  }
0x245: {  	v9 =	vadd.s32 s25, v0;
	v10 =	vadd.s32 s25, v2;
	v18 =	vunpack.i.u.bf16.f32 v21  }
0x246: {  	v12 =	vand.u32 $0x3F, v9;
	v13 =	vand.u32 $0x3F, v10;
	v27 =	vunpack.i.l.bf16.f32 v17;
	v9 =	vld.idx.msk [tilespmem:v23+s17+$0x0], $0xffff  }
.Ltmp12:
0x247: {  	v10 =	vor.u32 v5, v12;
	v14 =	vor.u32 v5, v13;
	v11 =	vadd.f32 v27, v11;
	v12 =	vld.idx.msk [tilespmem:v22+s16+$0x0], $0xffff;
	(pc) =	sbr.rel @p0 .LBB2_26-.Ltmp12, $4  }
0x248: {  	v21 =	vunpack.i.l.bf16.f32 v21;
	v15 =	vadd.f32 v18, v15;
	v17 =	vunpack.i.u.bf16.f32 v17;
	v13 =	vld.idx.msk [tilespmem:v22+s17+$0x0], $0xffff  }
0x249: {  	v19 =	vadd.f32 v21, v19;
	v16 =	vadd.f32 v17, v16;
	v20 =	vmul.bf16 v24, v20;
	v18 =	vld.idx.msk [tilespmem:v23+s16+$0x0], $0xffff  }
0x24a: {  	v17 =	vadd.s32 s25, v3;
	v23 =	vadd.s32 s25, v4;
	v21 =	vmul.bf16 v25, v26  }
0x24b: {  	v22 =	vand.u32 $0x3F, v17;
	v23 =	vand.u32 $0x3F, v23;
	v17 =	vunpack.i.u.bf16.f32 v20  }
0x24c: {  	_ =	sdelay $0x2  }
0x24d: {  	v23 =	vor.u32 v5, v23  }
0x24e: {  	v24 =	vld.idx.msk [tilespmem:v14+s17+$0x0], $0xffff;
	v22 =	vor.u32 v5, v22  }
0x24f: {  	v25 =	vld.idx.msk [tilespmem:v10+s17+$0x0], $0xffff  }
0x250: {  	v14 =	vld.idx.msk [tilespmem:v14+s16+$0x0], $0xffff  }
0x251: {  	v10 =	vld.idx.msk [tilespmem:v10+s16+$0x0], $0xffff  }
0x252: {  	v20 =	vunpack.i.l.bf16.f32 v20;
	v26 =	vunpack.i.u.bf16.f32 v21;
	v9 =	vmul.bf16 v9, v18;
	v18 =	vld.idx.msk [tilespmem:v23+s17+$0x0], $0xffff  }
0x253: {  	v21 =	vunpack.i.l.bf16.f32 v21;
	v11 =	vadd.f32 v20, v11;
	v12 =	vmul.bf16 v13, v12;
	v13 =	vld.idx.msk [tilespmem:v22+s16+$0x0], $0xffff  }
0x254: {  	v19 =	vadd.f32 v21, v19;
	v15 =	vadd.f32 v26, v15;
	v20 =	vunpack.i.l.bf16.f32 v9;
	v21 =	vld.idx.msk [tilespmem:v22+s17+$0x0], $0xffff  }
0x255: {  	v16 =	vadd.f32 v17, v16;
	v17 =	vunpack.i.u.bf16.f32 v12;
	v11 =	vadd.f32 v20, v11;
	v20 =	vld.idx.msk [tilespmem:v23+s16+$0x0], $0xffff  }
0x256: {  	v12 =	vunpack.i.l.bf16.f32 v12;
	v15 =	vadd.f32 v17, v15;
	v14 =	vmul.bf16 v24, v14  }
0x257: {  	v9 =	vunpack.i.u.bf16.f32 v9;
	v12 =	vadd.f32 v12, v19;
	v10 =	vmul.bf16 v25, v10  }
0x258: {  	v9 =	vadd.f32 v9, v16;
	v16 =	vunpack.i.u.bf16.f32 v14;
	v14 =	vunpack.i.l.bf16.f32 v14  }
0x259: {  	v17 =	vunpack.i.u.bf16.f32 v10;
	v10 =	vunpack.i.l.bf16.f32 v10;
	v11 =	vadd.f32 v14, v11  }
0x25a: {  	v10 =	vadd.f32 v10, v12;
	v12 =	vmul.bf16 v21, v13;
	v13 =	vmul.bf16 v18, v20  }
0x25b: {  	v14 =	vadd.f32 v17, v15;
	v9 =	vadd.f32 v16, v9  }
0x25c: {  	v15 =	vunpack.i.u.bf16.f32 v12;
	v16 =	vunpack.i.l.bf16.f32 v13;
	v12 =	vunpack.i.l.bf16.f32 v12  }
0x25d: {  	s24 =	simm.s32 $0x0;
	v13 =	vunpack.i.u.bf16.f32 v13;
	v14 =	vadd.f32 v15, v14;
	v10 =	vadd.f32 v12, v10  }
0x25e: {  	v11 =	vadd.f32 v16, v11;
	v9 =	vadd.f32 v13, v9;
	v12 =	vadd.s32 s24, v2  }
0x25f: {  	v12 =	vand.u32 $0x3F, v12  }
0x260: {  	v10 =	vadd.f32 v14, v10;
	v9 =	vadd.f32 v9, v11;
	v12 =	vor.u32 v6, v12  }
0x261: {  	v13 =	vadd.s32 s24, v0  }
0x262: {  	v11 =	vand.u32 $0x3F, v13;
	v9 =	vadd.f32 v9, v10  }
0x263: {  	v11 =	vor.u32 v6, v11  }
0x264: {  	v10 =	vadd.s32 s24, v3;
	[tilespmem:$0x16130] =	vst v9  }
0x265: {  	v10 =	vand.u32 $0x3F, v10;
	v13 =	vld.idx.msk [tilespmem:v12+s17+$0x0], $0xffff  }
0x266: {  	v9 =	vadd.s32 s24, v4;
	v17 =	vor.u32 v6, v10;
	v12 =	vld.idx.msk [tilespmem:v12+s16+$0x0], $0xffff  }
0x267: {  	v9 =	vand.u32 $0x3F, v9  }
0x268: {  	s31 =	simm.s32 $0x4;
	v15 =	vld.idx.msk [tilespmem:v11+s17+$0x0], $0xffff;
	v16 =	vor.u32 v6, v9  }
0x269: {  	v10 =	vadd.s32 s31, v2;
	v18 =	vld.idx.msk [tilespmem:v11+s16+$0x0], $0xffff;
	v9 =	vadd.s32 s31, v0  }
0x26a: {  	v19 =	vand.u32 $0x3F, v10;
	v14 =	vand.u32 $0x3F, v9  }
0x26b: {  	v10 =	vor.u32 v6, v14;
	v14 =	vor.u32 v6, v19;
	v20 =	vmul.bf16 v13, v12;
	v12 =	vld.idx.msk [tilespmem:v17+s16+$0x0], $0xffff  }
0x26c: {  	v23 =	vadd.s32 s31, v4;
	v13 =	vld.idx.msk [tilespmem:v17+s17+$0x0], $0xffff  }
0x26d: {  	v23 =	vand.u32 $0x3F, v23;
	v11 =	vimm.f32 $0.0e+00;
	v19 =	vadd.s32 s31, v3;
	v9 =	vld.idx.msk [tilespmem:v16+s17+$0x0], $0xffff  }
0x26e: {  	v22 =	vand.u32 $0x3F, v19;
	v19 =	vimm.f32 $0.0e+00;
	v21 =	vmul.bf16 v15, v18;
	v18 =	vld.idx.msk [tilespmem:v16+s16+$0x0], $0xffff  }
0x26f: {  	s24 =	simm.s32 $0x8;
	v15 =	vimm.f32 $0.0e+00;
	v16 =	vimm.f32 $0.0e+00;
	v17 =	vunpack.i.u.bf16.f32 v20  }
.LBB2_28:
0x270: {  	p0 =	sne.s32 s24, $0x3C;
	v24 =	vld.idx.msk [tilespmem:v14+s17+$0x0], $0xffff;
	v22 =	vor.u32 v6, v22;
	v23 =	vor.u32 v6, v23;
	v20 =	vunpack.i.l.bf16.f32 v20;
	s25 =	smov.u32 s24;
	s24 =	sadd.s32 $0x4, s24  }
0x271: {  	v26 =	vunpack.i.u.bf16.f32 v21;
	v21 =	vunpack.i.l.bf16.f32 v21;
	v25 =	vld.idx.msk [tilespmem:v10+s17+$0x0], $0xffff;
	v11 =	vadd.f32 v20, v11  }
0x272: {  	v19 =	vadd.f32 v21, v19;
	v15 =	vadd.f32 v26, v15;
	v21 =	vmul.bf16 v13, v12;
	v20 =	vld.idx.msk [tilespmem:v14+s16+$0x0], $0xffff  }
0x273: {  	v16 =	vadd.f32 v17, v16;
	v17 =	vmul.bf16 v9, v18;
	v26 =	vld.idx.msk [tilespmem:v10+s16+$0x0], $0xffff  }
0x274: {  	v9 =	vadd.s32 s25, v0;
	v10 =	vadd.s32 s25, v2;
	v18 =	vunpack.i.u.bf16.f32 v21  }
0x275: {  	v12 =	vand.u32 $0x3F, v9;
	v13 =	vand.u32 $0x3F, v10;
	v27 =	vunpack.i.l.bf16.f32 v17;
	v9 =	vld.idx.msk [tilespmem:v23+s17+$0x0], $0xffff  }
.Ltmp13:
0x276: {  	v10 =	vor.u32 v6, v12;
	v14 =	vor.u32 v6, v13;
	v11 =	vadd.f32 v27, v11;
	v12 =	vld.idx.msk [tilespmem:v22+s16+$0x0], $0xffff;
	(pc) =	sbr.rel @p0 .LBB2_28-.Ltmp13, $4  }
0x277: {  	v21 =	vunpack.i.l.bf16.f32 v21;
	v15 =	vadd.f32 v18, v15;
	v17 =	vunpack.i.u.bf16.f32 v17;
	v13 =	vld.idx.msk [tilespmem:v22+s17+$0x0], $0xffff  }
0x278: {  	v19 =	vadd.f32 v21, v19;
	v16 =	vadd.f32 v17, v16;
	v20 =	vmul.bf16 v24, v20;
	v18 =	vld.idx.msk [tilespmem:v23+s16+$0x0], $0xffff  }
0x279: {  	v17 =	vadd.s32 s25, v3;
	v23 =	vadd.s32 s25, v4;
	v21 =	vmul.bf16 v25, v26  }
0x27a: {  	v22 =	vand.u32 $0x3F, v17;
	v23 =	vand.u32 $0x3F, v23;
	v17 =	vunpack.i.u.bf16.f32 v20  }
0x27b: {  	_ =	sdelay $0x2  }
0x27c: {  	v23 =	vor.u32 v6, v23  }
0x27d: {  	v24 =	vld.idx.msk [tilespmem:v14+s17+$0x0], $0xffff;
	v22 =	vor.u32 v6, v22  }
0x27e: {  	v25 =	vld.idx.msk [tilespmem:v10+s17+$0x0], $0xffff  }
0x27f: {  	v14 =	vld.idx.msk [tilespmem:v14+s16+$0x0], $0xffff  }
0x280: {  	v10 =	vld.idx.msk [tilespmem:v10+s16+$0x0], $0xffff  }
0x281: {  	v20 =	vunpack.i.l.bf16.f32 v20;
	v26 =	vunpack.i.u.bf16.f32 v21;
	v9 =	vmul.bf16 v9, v18;
	v18 =	vld.idx.msk [tilespmem:v23+s17+$0x0], $0xffff  }
0x282: {  	v21 =	vunpack.i.l.bf16.f32 v21;
	v11 =	vadd.f32 v20, v11;
	v12 =	vmul.bf16 v13, v12;
	v13 =	vld.idx.msk [tilespmem:v22+s16+$0x0], $0xffff  }
0x283: {  	v19 =	vadd.f32 v21, v19;
	v15 =	vadd.f32 v26, v15;
	v20 =	vunpack.i.l.bf16.f32 v9;
	v21 =	vld.idx.msk [tilespmem:v22+s17+$0x0], $0xffff  }
0x284: {  	v16 =	vadd.f32 v17, v16;
	v17 =	vunpack.i.u.bf16.f32 v12;
	v11 =	vadd.f32 v20, v11;
	v20 =	vld.idx.msk [tilespmem:v23+s16+$0x0], $0xffff  }
0x285: {  	v12 =	vunpack.i.l.bf16.f32 v12;
	v15 =	vadd.f32 v17, v15;
	v14 =	vmul.bf16 v24, v14  }
0x286: {  	v9 =	vunpack.i.u.bf16.f32 v9;
	v12 =	vadd.f32 v12, v19;
	v10 =	vmul.bf16 v25, v10  }
0x287: {  	v9 =	vadd.f32 v9, v16;
	v16 =	vunpack.i.u.bf16.f32 v14;
	v14 =	vunpack.i.l.bf16.f32 v14  }
0x288: {  	v17 =	vunpack.i.u.bf16.f32 v10;
	v10 =	vunpack.i.l.bf16.f32 v10;
	v11 =	vadd.f32 v14, v11  }
0x289: {  	v10 =	vadd.f32 v10, v12;
	v12 =	vmul.bf16 v21, v13;
	v13 =	vmul.bf16 v18, v20  }
0x28a: {  	v14 =	vadd.f32 v17, v15;
	v9 =	vadd.f32 v16, v9  }
0x28b: {  	v15 =	vunpack.i.u.bf16.f32 v12;
	v16 =	vunpack.i.l.bf16.f32 v13;
	v12 =	vunpack.i.l.bf16.f32 v12  }
0x28c: {  	s24 =	simm.s32 $0x0;
	v13 =	vunpack.i.u.bf16.f32 v13;
	v14 =	vadd.f32 v15, v14;
	v10 =	vadd.f32 v12, v10  }
0x28d: {  	v11 =	vadd.f32 v16, v11;
	v9 =	vadd.f32 v13, v9;
	v12 =	vadd.s32 s24, v2  }
0x28e: {  	v12 =	vand.u32 $0x3F, v12  }
0x28f: {  	v10 =	vadd.f32 v14, v10;
	v9 =	vadd.f32 v9, v11;
	v12 =	vor.u32 v7, v12  }
0x290: {  	v13 =	vadd.s32 s24, v0  }
0x291: {  	v11 =	vand.u32 $0x3F, v13;
	v9 =	vadd.f32 v9, v10  }
0x292: {  	v11 =	vor.u32 v7, v11  }
0x293: {  	v10 =	vadd.s32 s24, v3;
	[tilespmem:$0x16140] =	vst v9  }
0x294: {  	v10 =	vand.u32 $0x3F, v10;
	v13 =	vld.idx.msk [tilespmem:v12+s17+$0x0], $0xffff  }
0x295: {  	v9 =	vadd.s32 s24, v4;
	v17 =	vor.u32 v7, v10;
	v12 =	vld.idx.msk [tilespmem:v12+s16+$0x0], $0xffff  }
0x296: {  	v9 =	vand.u32 $0x3F, v9  }
0x297: {  	s31 =	simm.s32 $0x4;
	v15 =	vld.idx.msk [tilespmem:v11+s17+$0x0], $0xffff;
	v16 =	vor.u32 v7, v9  }
0x298: {  	v10 =	vadd.s32 s31, v2;
	v18 =	vld.idx.msk [tilespmem:v11+s16+$0x0], $0xffff;
	v9 =	vadd.s32 s31, v0  }
0x299: {  	v19 =	vand.u32 $0x3F, v10;
	v14 =	vand.u32 $0x3F, v9  }
0x29a: {  	v10 =	vor.u32 v7, v14;
	v14 =	vor.u32 v7, v19;
	v20 =	vmul.bf16 v13, v12;
	v12 =	vld.idx.msk [tilespmem:v17+s16+$0x0], $0xffff  }
0x29b: {  	v23 =	vadd.s32 s31, v4;
	v13 =	vld.idx.msk [tilespmem:v17+s17+$0x0], $0xffff  }
0x29c: {  	v23 =	vand.u32 $0x3F, v23;
	v11 =	vimm.f32 $0.0e+00;
	v19 =	vadd.s32 s31, v3;
	v9 =	vld.idx.msk [tilespmem:v16+s17+$0x0], $0xffff  }
0x29d: {  	v22 =	vand.u32 $0x3F, v19;
	v19 =	vimm.f32 $0.0e+00;
	v21 =	vmul.bf16 v15, v18;
	v18 =	vld.idx.msk [tilespmem:v16+s16+$0x0], $0xffff  }
0x29e: {  	s24 =	simm.s32 $0x8;
	v15 =	vimm.f32 $0.0e+00;
	v16 =	vimm.f32 $0.0e+00;
	v17 =	vunpack.i.u.bf16.f32 v20  }
.LBB2_30:
0x29f: {  	p0 =	sne.s32 s24, $0x3C;
	v24 =	vld.idx.msk [tilespmem:v14+s17+$0x0], $0xffff;
	v22 =	vor.u32 v7, v22;
	v23 =	vor.u32 v7, v23;
	v20 =	vunpack.i.l.bf16.f32 v20;
	s25 =	smov.u32 s24;
	s24 =	sadd.s32 $0x4, s24  }
0x2a0: {  	v26 =	vunpack.i.u.bf16.f32 v21;
	v21 =	vunpack.i.l.bf16.f32 v21;
	v25 =	vld.idx.msk [tilespmem:v10+s17+$0x0], $0xffff;
	v11 =	vadd.f32 v20, v11  }
0x2a1: {  	v19 =	vadd.f32 v21, v19;
	v15 =	vadd.f32 v26, v15;
	v21 =	vmul.bf16 v13, v12;
	v20 =	vld.idx.msk [tilespmem:v14+s16+$0x0], $0xffff  }
0x2a2: {  	v16 =	vadd.f32 v17, v16;
	v17 =	vmul.bf16 v9, v18;
	v26 =	vld.idx.msk [tilespmem:v10+s16+$0x0], $0xffff  }
0x2a3: {  	v9 =	vadd.s32 s25, v0;
	v10 =	vadd.s32 s25, v2;
	v18 =	vunpack.i.u.bf16.f32 v21  }
0x2a4: {  	v12 =	vand.u32 $0x3F, v9;
	v13 =	vand.u32 $0x3F, v10;
	v27 =	vunpack.i.l.bf16.f32 v17;
	v9 =	vld.idx.msk [tilespmem:v23+s17+$0x0], $0xffff  }
.Ltmp14:
0x2a5: {  	v10 =	vor.u32 v7, v12;
	v14 =	vor.u32 v7, v13;
	v11 =	vadd.f32 v27, v11;
	v12 =	vld.idx.msk [tilespmem:v22+s16+$0x0], $0xffff;
	(pc) =	sbr.rel @p0 .LBB2_30-.Ltmp14, $4  }
0x2a6: {  	v21 =	vunpack.i.l.bf16.f32 v21;
	v15 =	vadd.f32 v18, v15;
	v17 =	vunpack.i.u.bf16.f32 v17;
	v13 =	vld.idx.msk [tilespmem:v22+s17+$0x0], $0xffff  }
0x2a7: {  	v19 =	vadd.f32 v21, v19;
	v16 =	vadd.f32 v17, v16;
	v20 =	vmul.bf16 v24, v20;
	v18 =	vld.idx.msk [tilespmem:v23+s16+$0x0], $0xffff  }
0x2a8: {  	v17 =	vadd.s32 s25, v3;
	v23 =	vadd.s32 s25, v4;
	v21 =	vmul.bf16 v25, v26  }
0x2a9: {  	v22 =	vand.u32 $0x3F, v17;
	v23 =	vand.u32 $0x3F, v23;
	v17 =	vunpack.i.u.bf16.f32 v20  }
0x2aa: {  	_ =	sdelay $0x2  }
0x2ab: {  	v23 =	vor.u32 v7, v23  }
0x2ac: {  	v24 =	vld.idx.msk [tilespmem:v14+s17+$0x0], $0xffff;
	v22 =	vor.u32 v7, v22  }
0x2ad: {  	v25 =	vld.idx.msk [tilespmem:v10+s17+$0x0], $0xffff  }
0x2ae: {  	v14 =	vld.idx.msk [tilespmem:v14+s16+$0x0], $0xffff  }
0x2af: {  	v10 =	vld.idx.msk [tilespmem:v10+s16+$0x0], $0xffff  }
0x2b0: {  	v20 =	vunpack.i.l.bf16.f32 v20;
	v26 =	vunpack.i.u.bf16.f32 v21;
	v9 =	vmul.bf16 v9, v18;
	v18 =	vld.idx.msk [tilespmem:v23+s17+$0x0], $0xffff  }
0x2b1: {  	v21 =	vunpack.i.l.bf16.f32 v21;
	v11 =	vadd.f32 v20, v11;
	v12 =	vmul.bf16 v13, v12;
	v13 =	vld.idx.msk [tilespmem:v22+s16+$0x0], $0xffff  }
0x2b2: {  	v19 =	vadd.f32 v21, v19;
	v15 =	vadd.f32 v26, v15;
	v20 =	vunpack.i.l.bf16.f32 v9;
	v21 =	vld.idx.msk [tilespmem:v22+s17+$0x0], $0xffff  }
0x2b3: {  	v16 =	vadd.f32 v17, v16;
	v17 =	vunpack.i.u.bf16.f32 v12;
	v11 =	vadd.f32 v20, v11;
	v20 =	vld.idx.msk [tilespmem:v23+s16+$0x0], $0xffff  }
0x2b4: {  	v12 =	vunpack.i.l.bf16.f32 v12;
	v15 =	vadd.f32 v17, v15;
	v14 =	vmul.bf16 v24, v14  }
0x2b5: {  	v9 =	vunpack.i.u.bf16.f32 v9;
	v12 =	vadd.f32 v12, v19;
	v10 =	vmul.bf16 v25, v10  }
0x2b6: {  	v9 =	vadd.f32 v9, v16;
	v16 =	vunpack.i.u.bf16.f32 v14;
	v14 =	vunpack.i.l.bf16.f32 v14  }
0x2b7: {  	v17 =	vunpack.i.u.bf16.f32 v10;
	v10 =	vunpack.i.l.bf16.f32 v10;
	v11 =	vadd.f32 v14, v11  }
0x2b8: {  	v10 =	vadd.f32 v10, v12;
	v12 =	vmul.bf16 v21, v13;
	v13 =	vmul.bf16 v18, v20  }
0x2b9: {  	v14 =	vadd.f32 v17, v15;
	v9 =	vadd.f32 v16, v9  }
0x2ba: {  	v15 =	vunpack.i.u.bf16.f32 v12;
	v16 =	vunpack.i.l.bf16.f32 v13;
	v12 =	vunpack.i.l.bf16.f32 v12  }
0x2bb: {  	s24 =	simm.s32 $0x0;
	v13 =	vunpack.i.u.bf16.f32 v13;
	v14 =	vadd.f32 v15, v14;
	v10 =	vadd.f32 v12, v10  }
0x2bc: {  	v11 =	vadd.f32 v16, v11;
	v9 =	vadd.f32 v13, v9;
	v12 =	vadd.s32 s24, v2  }
0x2bd: {  	v13 =	vadd.s32 s24, v0;
	v12 =	vand.u32 $0x3F, v12  }
0x2be: {  	v10 =	vadd.f32 v14, v10;
	v9 =	vadd.f32 v9, v11;
	v12 =	vor.u32 v8, v12  }
0x2bf: {  	v11 =	vand.u32 $0x3F, v13  }
0x2c0: {  	v11 =	vor.u32 v8, v11;
	v9 =	vadd.f32 v9, v10  }
0x2c1: {  	v10 =	vadd.s32 s24, v3  }
0x2c2: {  	v10 =	vand.u32 $0x3F, v10;
	[tilespmem:$0x16150] =	vst v9  }
0x2c3: {  	v9 =	vadd.s32 s24, v4;
	v18 =	vor.u32 v8, v10;
	v14 =	vld.idx.msk [tilespmem:v12+s17+$0x0], $0xffff  }
0x2c4: {  	v9 =	vand.u32 $0x3F, v9;
	v17 =	vld.idx.msk [tilespmem:v12+s16+$0x0], $0xffff  }
0x2c5: {  	s31 =	simm.s32 $0x4;
	v15 =	vld.idx.msk [tilespmem:v11+s17+$0x0], $0xffff;
	v16 =	vor.u32 v8, v9  }
0x2c6: {  	v10 =	vadd.s32 s31, v2;
	v19 =	vld.idx.msk [tilespmem:v11+s16+$0x0], $0xffff;
	v9 =	vadd.s32 s31, v0  }
0x2c7: {  	v13 =	vand.u32 $0x3F, v10;
	v11 =	vand.u32 $0x3F, v9  }
0x2c8: {  	v13 =	vor.u32 v8, v13;
	v10 =	vor.u32 v8, v11;
	v11 =	vld.idx.msk [tilespmem:v18+s16+$0x0], $0xffff  }
0x2c9: {  	v23 =	vadd.s32 s31, v4;
	v20 =	vmul.bf16 v14, v17;
	v14 =	vld.idx.msk [tilespmem:v18+s17+$0x0], $0xffff  }
0x2ca: {  	v23 =	vand.u32 $0x3F, v23;
	v12 =	vimm.f32 $0.0e+00;
	v17 =	vadd.s32 s31, v3;
	v9 =	vld.idx.msk [tilespmem:v16+s17+$0x0], $0xffff  }
0x2cb: {  	v21 =	vmul.bf16 v15, v19;
	v22 =	vand.u32 $0x3F, v17;
	v16 =	vld.idx.msk [tilespmem:v16+s16+$0x0], $0xffff;
	v19 =	vimm.f32 $0.0e+00  }
0x2cc: {  	s24 =	simm.s32 $0x8;
	v15 =	vimm.f32 $0.0e+00;
	v17 =	vimm.f32 $0.0e+00;
	v18 =	vunpack.i.u.bf16.f32 v20  }
.LBB2_32:
0x2cd: {  	p0 =	sne.s32 s24, $0x3C;
	v24 =	vld.idx.msk [tilespmem:v13+s17+$0x0], $0xffff;
	v22 =	vor.u32 v8, v22;
	v23 =	vor.u32 v8, v23;
	v20 =	vunpack.i.l.bf16.f32 v20;
	s25 =	smov.u32 s24;
	s24 =	sadd.s32 $0x4, s24  }
0x2ce: {  	v26 =	vunpack.i.u.bf16.f32 v21;
	v21 =	vunpack.i.l.bf16.f32 v21;
	v25 =	vld.idx.msk [tilespmem:v10+s17+$0x0], $0xffff;
	v12 =	vadd.f32 v20, v12  }
0x2cf: {  	v19 =	vadd.f32 v21, v19;
	v15 =	vadd.f32 v26, v15;
	v21 =	vmul.bf16 v14, v11;
	v20 =	vld.idx.msk [tilespmem:v13+s16+$0x0], $0xffff  }
0x2d0: {  	v17 =	vadd.f32 v18, v17;
	v16 =	vmul.bf16 v9, v16;
	v26 =	vld.idx.msk [tilespmem:v10+s16+$0x0], $0xffff  }
0x2d1: {  	v9 =	vadd.s32 s25, v0;
	v10 =	vadd.s32 s25, v2;
	v18 =	vunpack.i.u.bf16.f32 v21  }
0x2d2: {  	v11 =	vand.u32 $0x3F, v9;
	v13 =	vand.u32 $0x3F, v10;
	v14 =	vunpack.i.l.bf16.f32 v16;
	v9 =	vld.idx.msk [tilespmem:v23+s17+$0x0], $0xffff  }
.Ltmp15:
0x2d3: {  	v10 =	vor.u32 v8, v11;
	v13 =	vor.u32 v8, v13;
	v12 =	vadd.f32 v14, v12;
	v11 =	vld.idx.msk [tilespmem:v22+s16+$0x0], $0xffff;
	(pc) =	sbr.rel @p0 .LBB2_32-.Ltmp15, $4  }
0x2d4: {  	v21 =	vunpack.i.l.bf16.f32 v21;
	v15 =	vadd.f32 v18, v15;
	v18 =	vunpack.i.u.bf16.f32 v16;
	v14 =	vld.idx.msk [tilespmem:v22+s17+$0x0], $0xffff  }
0x2d5: {  	v19 =	vadd.f32 v21, v19;
	v17 =	vadd.f32 v18, v17;
	v20 =	vmul.bf16 v24, v20;
	v16 =	vld.idx.msk [tilespmem:v23+s16+$0x0], $0xffff  }
0x2d6: {  	v18 =	vadd.s32 s25, v3;
	v23 =	vadd.s32 s25, v4;
	v21 =	vmul.bf16 v25, v26  }
0x2d7: {  	v22 =	vand.u32 $0x3F, v18;
	v23 =	vand.u32 $0x3F, v23;
	v18 =	vunpack.i.u.bf16.f32 v20  }
0x2d8: {  	_ =	sdelay $0x2  }
0x2d9: {  	v23 =	vor.u32 v8, v23  }
0x2da: {  	v24 =	vld.idx.msk [tilespmem:v13+s17+$0x0], $0xffff;
	v22 =	vor.u32 v8, v22  }
0x2db: {  	v25 =	vld.idx.msk [tilespmem:v10+s17+$0x0], $0xffff  }
0x2dc: {  	v49 =	vld.idx.msk [tilespmem:v13+s16+$0x0], $0xffff  }
0x2dd: {  	v20 =	vunpack.i.l.bf16.f32 v20;
	v10 =	vld.idx.msk [tilespmem:v10+s16+$0x0], $0xffff  }
0x2de: {  	v26 =	vunpack.i.u.bf16.f32 v21;
	v51 =	vunpack.i.l.bf16.f32 v21;
	v17 =	vadd.f32 v18, v17;
	v50 =	vld.idx.msk [tilespmem:v23+s17+$0x0], $0xffff  }
0x2df: {  	v12 =	vadd.f32 v20, v12;
	v11 =	vmul.bf16 v14, v11;
	v9 =	vmul.bf16 v9, v16;
	v52 =	vld.idx.msk [tilespmem:v22+s16+$0x0], $0xffff  }
0x2e0: {  	v53 =	vadd.f32 v51, v19;
	v15 =	vadd.f32 v26, v15;
	v54 =	vld.idx.msk [tilespmem:v23+s16+$0x0], $0xffff  }
0x2e1: {  	v55 =	vunpack.i.u.bf16.f32 v11;
	v11 =	vunpack.i.l.bf16.f32 v11;
	v56 =	vunpack.i.l.bf16.f32 v9;
	v22 =	vld.idx.msk [tilespmem:v22+s17+$0x0], $0xffff  }
0x2e2: {  	v15 =	vadd.f32 v55, v15;
	v9 =	vunpack.i.u.bf16.f32 v9;
	v13 =	vmul.bf16 v24, v49  }
0x2e3: {  	v11 =	vadd.f32 v11, v53;
	v12 =	vadd.f32 v56, v12;
	v10 =	vmul.bf16 v25, v10  }
0x2e4: {  	v9 =	vadd.f32 v9, v17;
	v57 =	vunpack.i.u.bf16.f32 v13;
	v13 =	vunpack.i.l.bf16.f32 v13  }
0x2e5: {  	v58 =	vunpack.i.u.bf16.f32 v10;
	v10 =	vunpack.i.l.bf16.f32 v10;
	v12 =	vadd.f32 v13, v12  }
0x2e6: {  	v10 =	vadd.f32 v10, v11;
	v59 =	vmul.bf16 v50, v54;
	v60 =	vmul.bf16 v22, v52  }
0x2e7: {  	v11 =	vadd.f32 v58, v15;
	v9 =	vadd.f32 v57, v9  }
0x2e8: {  	v61 =	vunpack.i.l.bf16.f32 v59;
	v62 =	vunpack.i.u.bf16.f32 v60;
	v13 =	vunpack.i.l.bf16.f32 v60  }
0x2e9: {  	v63 =	vunpack.i.u.bf16.f32 v59;
	v12 =	vadd.f32 v61, v12;
	v11 =	vadd.f32 v62, v11  }
0x2ea: {  	v10 =	vadd.f32 v13, v10;
	v9 =	vadd.f32 v63, v9;
	_ =	sdelay $0x1  }
0x2eb: {  	v10 =	vadd.f32 v11, v10;
	v9 =	vadd.f32 v9, v12;
	_ =	sdelay $0x1  }
0x2ec: {  	s23 =	sadd.s32 $0x1, s23;
	v9 =	vadd.f32 v9, v10  }
0x2ed: {  	p0 =	sne.s32 s23, s9  }
.Ltmp16:
0x2ee: {  	[tilespmem:$0x16160] =	vst v9;
	(pc) =	sbr.rel @p0 .LBB2_1-.Ltmp16, $4  }
0x2ef: {  	[hbm4b:s8+s3] =	stream.linear.scatter [tilespmem:s21], [sflag:$0x5], $0x2710, $0x38;
	[tilespmem:$0x16170] =	vst v63  }
0x2f0: {  	_ =	swait.ge [sflag:s22], $0x2710  }
0x2f1: {  	[sflag:s22] =	ssyncset.done $0x0  }
0x2f2: {  	[sflag:s22] =	ssyncadd.s32 $0xFFFFD8F0  }
0x2f3: {  	_ =	sfence.sel $0x180000  }
0x2f4: {  	[bflag:$0x0] =	sbarrier.arrive $0xFFFF  }
0x2f5: {  	p0 =	sne.s32 s0, $0x0;
	_ =	strace $0x90000047  }
0x2f6: {  	s0 =	sadd.s32 @!p0 $0x100000, s1;
	[bflag:$0x2] =	sbarrier.arrive $0xFFFF  }
0x2f7: {  	[sflag:s0] =	ssyncadd.tile.s32 @!p0 $0x1;
	_ =	shalt  }
.Lfunc_end2:
_tile_overlayer_lowered:
.L_overlay_start_2:
0x2f8: {  	(tag) =	ssettag $0x2  }
0x2f9: {  	s0 =	rddreg [dreg:$0x0];
	s2 =	stileid.u32  }
0x2fa: {  	s1 =	rddreg [dreg:$0x1];
	p0 =	sne.s32 s2, $0x0  }
0x2fb: {  	s3 =	rddreg [dreg:$0x2];
	[bflag:$0x3] =	sbarrier.arrive $0xFFFF;
	s2 =	simm.s32 @!p0 $0x1C05  }
0x2fc: {  	[timem:s3], [sflag:s2] =	dma.local @!p0 [hbm:s0], s1  }
0x2fd: {  	s0 =	simm.s32 @!p0 $0x5  }
0x2fe: {  	_ =	swait.ge @!p0 [sflag:s0], s1  }
0x2ff: {  	s1 =	ssub.s32 @!p0 $0x0, s1;
	[sflag:s0] =	ssyncset.done @!p0 $0x0  }
0x300: {  	[sflag:s0] =	ssyncadd.s32 @!p0 s1  }
0x301: {  	[bflag:$0x3] =	sbarrier.arrive $0xFFFF  }
0x302: {  	_ =	shalt  }

</sc_bundles>
